<compile_context>
chip_gen: v7x
topology: tpu7x:2x2x1
jax: 0.10.2.dev20260603
libtpu: 0.0.44.dev20260713+nightly
codegen_flags: <defaults>
</compile_context>

<pallas_src>
import functools

import jax
import jax.numpy as jnp
from jax import lax
from jax.experimental import pallas as pl
from jax.experimental.pallas import tpu as pltpu
from jax.experimental.pallas import tpu_sc as plsc

_B = 4096
_S = 50
_D = 64
_NC = 2
_NS = 16
_NW = _NC * _NS
_BW = _B // _NW
_NBUF = 4
_NITER = -(-_S // _NBUF)
_KB = _BW // 16

_mesh = plsc.VectorSubcoreMesh(core_axis_name="c", subcore_axis_name="s")


@functools.partial(
    pl.kernel,
    mesh=_mesh,
    compiler_params=pltpu.CompilerParams(needs_layout_passes=False),
    out_type=jax.ShapeDtypeStruct((_S, _D, _B), jnp.float32),
    scratch_types=[
        pltpu.VMEM((_S, _BW), jnp.int32),
        pltpu.VMEM((_S, _BW), jnp.int32),
        [pltpu.VMEM((_BW, 2 * _D), jnp.float32) for _ in range(_NBUF)],
        [pltpu.VMEM((_D, _BW), jnp.float32) for _ in range(2)],
        [pltpu.SemaphoreType.DMA for _ in range(_NBUF)],
        [pltpu.SemaphoreType.DMA for _ in range(2)],
    ],
)
def _gather_kernel(xT_hbm, tab_hbm, out_hbm, idx_v, par_v, gbufs, tbufs,
                   gsems, ssems):
    w = lax.axis_index("s") * _NC + lax.axis_index("c")
    b0 = w * _BW
    pltpu.sync_copy(xT_hbm.at[:, pl.ds(b0, _BW)], idx_v)

    def prep(s, carry):
        for kb in range(_KB):
            v = idx_v[s, pl.ds(kb * 16, 16)]
            par_v[s, pl.ds(kb * 16, 16)] = (v & 1) * 64
            idx_v[s, pl.ds(kb * 16, 16)] = lax.shift_right_logical(v, 1)
        return carry

    lax.fori_loop(0, _S, prep, 0)

    for b in range(_NBUF):
        pltpu.async_copy(tab_hbm.at[idx_v.at[b]], gbufs[b], gsems[b])

    iota16 = lax.broadcasted_iota(jnp.int32, (16,), 0)
    rows16 = [iota16 + kb * 16 for kb in range(_KB)]

    def out_slice(s):
        return out_hbm.at[s, :, pl.ds(b0, _BW)]

    def body(i, carry):
        s0 = i * _NBUF
        for b in range(_NBUF):
            s = s0 + b
            tr = b % 2

            @pl.when(s < _S)
            def _():
                pltpu.make_async_copy(
                    tab_hbm.at[idx_v.at[s]], gbufs[b], gsems[b]
                ).wait()

                @pl.when(s >= 2)
                def _():
                    pltpu.make_async_copy(
                        tbufs[tr], out_slice(s - 2), ssems[tr]
                    ).wait()

                base = [
                    par_v[s, pl.ds(kb * 16, 16)] for kb in range(_KB)
                ]

                def transpose_diag(d, carry2):
                    perm = (iota16 + d) & 15
                    for kb in range(_KB):
                        for c0 in range(0, _D, 16):
                            crow = perm + c0
                            vals = plsc.load_gather(
                                gbufs[b], [rows16[kb], base[kb] + crow]
                            )
                            plsc.store_scatter(
                                tbufs[tr], [crow, rows16[kb]], vals
                            )
                    return carry2

                lax.fori_loop(0, 16, transpose_diag, 0)
                pltpu.async_copy(tbufs[tr], out_slice(s), ssems[tr])

                @pl.when(s + _NBUF < _S)
                def _():
                    pltpu.async_copy(
                        tab_hbm.at[idx_v.at[s + _NBUF]], gbufs[b], gsems[b]
                    )

        return carry

    lax.fori_loop(0, _NITER, body, 0)

    for tr in range(2):
        pltpu.make_async_copy(
            tbufs[tr], out_slice(_S - 2 + tr), ssems[tr]
        ).wait()


def kernel(x, table):
    xT = x.astype(jnp.int32).T
    tab = table.reshape(table.shape[0] // 2, 2 * _D)
    o = _gather_kernel(xT, tab)
    return o.transpose(2, 0, 1)

# --- scband reference (transcript-rebuilt; emitter-appended) ---
"""Pipeline reference for scband-embed-87995289960925 (READ-ONLY COPY).

The authoritative reference and input builder live on the scoring server;
editing this copy changes nothing except your own understanding.
"""

import jax, jax.numpy as jnp
import numpy as np

VOCAB = 1000000
EMB_DIM = 64

def setup_inputs(seed: int = 0) -> dict:
    key = jax.random.key(seed)
    k_idx, k_tab = jax.random.split(key)
    x = jax.random.randint(k_idx, (4096, 50), 0, VOCAB, dtype=jnp.int64 if jax.config.jax_enable_x64 else jnp.int32)
    table = jax.random.normal(k_tab, (VOCAB, EMB_DIM), dtype=jnp.float32)
    return {"x": x, "table": table}

def reference(x, table):
    # nn.Embedding forward: row gather from the embedding table
    return jnp.take(table, x, axis=0)

if __name__ == "__main__":
    import jax
    _d = setup_inputs()
    print(jax.jit(kernel)(*tuple(_d.values())))

</pallas_src>

<mosaic_0001>
#map = affine_map<(d0, d1) -> (0, 0)>
#map1 = affine_map<(d0, d1) -> (0, 0, 0)>
module attributes {stable_mosaic.version = 14 : i64} {
  func.func @_gather_kernel(%arg0: i32, %arg1: i32, %arg2: memref<50x4096xi32, #tpu.memory_space<hbm>>, %arg3: memref<500000x128xf32, #tpu.memory_space<hbm>>, %arg4: memref<50x64x4096xf32, #tpu.memory_space<hbm>>, %arg5: memref<50x128xi32, #tpu.memory_space<vmem>>, %arg6: memref<50x128xi32, #tpu.memory_space<vmem>>, %arg7: memref<128x128xf32, #tpu.memory_space<vmem>>, %arg8: memref<128x128xf32, #tpu.memory_space<vmem>>, %arg9: memref<128x128xf32, #tpu.memory_space<vmem>>, %arg10: memref<128x128xf32, #tpu.memory_space<vmem>>, %arg11: memref<64x128xf32, #tpu.memory_space<vmem>>, %arg12: memref<64x128xf32, #tpu.memory_space<vmem>>, %arg13: memref<!tpu.dma_semaphore, #tpu.memory_space<semaphore_mem>>, %arg14: memref<!tpu.dma_semaphore, #tpu.memory_space<semaphore_mem>>, %arg15: memref<!tpu.dma_semaphore, #tpu.memory_space<semaphore_mem>>, %arg16: memref<!tpu.dma_semaphore, #tpu.memory_space<semaphore_mem>>, %arg17: memref<!tpu.dma_semaphore, #tpu.memory_space<semaphore_mem>>, %arg18: memref<!tpu.dma_semaphore, #tpu.memory_space<semaphore_mem>>) attributes {dimension_semantics = [#tpu.dimension_semantics<core_parallel>, #tpu.dimension_semantics<subcore_parallel>], iteration_bounds = array<i64: 2, 16>, scalar_prefetch = 0 : i64, scratch_operands = 14 : i64, tpu.core_type = #tpu.core_type<sc_vector_subcore>, window_params = [{transform_indices = #map}, {transform_indices = #map}, {transform_indices = #map1}]} {
    %mul3A = arith.constant 2 : i32
    %mul3A_0 = arith.muli %arg1, %mul3A : i32
    %add3A = arith.addi %mul3A_0, %arg0 : i32
    %mul3A_1 = arith.constant 128 : i32
    %mul3A_2 = arith.muli %add3A, %mul3A_1 : i32
    "tpu.region"() ({
      %run_scoped3A = tpu.sem_alloc : memref<!tpu.dma_semaphore, #tpu.memory_space<semaphore_mem>>
      %dma_start3A_78 = arith.constant 0 : i32
      %dma_start3A_79 = tpu.memref_slice %arg2[%dma_start3A_78, %mul3A_2] : memref<50x4096xi32, #tpu.memory_space<hbm>> -> memref<50x128xi32, #tpu.memory_space<hbm>>
      %dma_start3A_80 = arith.constant 0 : i32
      %dma_start3A_81 = tpu.memref_slice %arg2[%dma_start3A_80, %mul3A_2] : memref<50x4096xi32, #tpu.memory_space<hbm>> -> memref<50x128xi32, #tpu.memory_space<hbm>>
      tpu.enqueue_dma source(%dma_start3A_81 : memref<50x128xi32, #tpu.memory_space<hbm>>) target(%arg5 : memref<50x128xi32, #tpu.memory_space<vmem>>) target_semaphore(%run_scoped3A : memref<!tpu.dma_semaphore, #tpu.memory_space<semaphore_mem>>)
      %dma_wait3A_82 = arith.constant 0 : i32
      %dma_wait3A_83 = tpu.memref_slice %arg2[%dma_wait3A_82, %mul3A_2] : memref<50x4096xi32, #tpu.memory_space<hbm>> -> memref<50x128xi32, #tpu.memory_space<hbm>>
      %dma_wait3A_84 = arith.constant 0 : i32
      %dma_wait3A_85 = tpu.memref_slice %arg2[%dma_wait3A_84, %mul3A_2] : memref<50x4096xi32, #tpu.memory_space<hbm>> -> memref<50x128xi32, #tpu.memory_space<hbm>>
      tpu.wait_dma2 semaphore(%run_scoped3A : memref<!tpu.dma_semaphore, #tpu.memory_space<semaphore_mem>>) src(%dma_wait3A_85 : memref<50x128xi32, #tpu.memory_space<hbm>>) dst(%arg5 : memref<50x128xi32, #tpu.memory_space<vmem>>)
      tpu.yield
    }) : () -> ()
    %scan3A = arith.constant 0 : i32
    %scan3A_3 = arith.constant 0 : i32
    %scan3A_4 = arith.constant 50 : i32
    %scan3A_5 = arith.addi %scan3A_3, %scan3A_4 : i32
    %scan3A_6 = arith.constant 1 : i32
    scf.for %scan3A_78 = %scan3A_3 to %scan3A_5 step %scan3A_6  : i32 {
      %get3A = arith.index_cast %scan3A_78 : i32 to index
      %get3A_79 = arith.constant 0 : index
      %get3A_80 = tpu.vector_load %arg5[%get3A, %get3A_79] {strides = array<i32>} : memref<50x128xi32, #tpu.memory_space<vmem>>, vector<16xi32>,
      %and3A = arith.constant 1 : i32
      %and3A_81 = vector.broadcast %and3A : i32 to vector<16xi32>
      %and3A_82 = arith.andi %get3A_80, %and3A_81 : vector<16xi32>
      %mul3A_83 = arith.constant 64 : i32
      %mul3A_84 = vector.broadcast %mul3A_83 : i32 to vector<16xi32>
      %mul3A_85 = arith.muli %and3A_82, %mul3A_84 : vector<16xi32>
      %swap3A = arith.index_cast %scan3A_78 : i32 to index
      %swap3A_86 = arith.constant 0 : index
      %swap3A_87 = tpu.vector_load %arg6[%swap3A, %swap3A_86] {strides = array<i32>} : memref<50x128xi32, #tpu.memory_space<vmem>>, vector<16xi32>,
      tpu.vector_store %arg6[%swap3A, %swap3A_86], %mul3A_85 {strides = array<i32>} : memref<50x128xi32, #tpu.memory_space<vmem>>, vector<16xi32>,
      %shift_right_logical3A = arith.constant 1 : i32
      %shift_right_logical3A_88 = vector.broadcast %shift_right_logical3A : i32 to vector<16xi32>
      %shift_right_logical3A_89 = arith.shrui %get3A_80, %shift_right_logical3A_88 : vector<16xi32>
      %swap3A_90 = arith.index_cast %scan3A_78 : i32 to index
      %swap3A_91 = arith.constant 0 : index
      %swap3A_92 = tpu.vector_load %arg5[%swap3A_90, %swap3A_91] {strides = array<i32>} : memref<50x128xi32, #tpu.memory_space<vmem>>, vector<16xi32>,
      tpu.vector_store %arg5[%swap3A_90, %swap3A_91], %shift_right_logical3A_89 {strides = array<i32>} : memref<50x128xi32, #tpu.memory_space<vmem>>, vector<16xi32>,
      %get3A_93 = arith.index_cast %scan3A_78 : i32 to index
      %get3A_94 = arith.constant 16 : index
      %get3A_95 = tpu.vector_load %arg5[%get3A_93, %get3A_94] {strides = array<i32>} : memref<50x128xi32, #tpu.memory_space<vmem>>, vector<16xi32>,
      %and3A_96 = arith.constant 1 : i32
      %and3A_97 = vector.broadcast %and3A_96 : i32 to vector<16xi32>
      %and3A_98 = arith.andi %get3A_95, %and3A_97 : vector<16xi32>
      %mul3A_99 = arith.constant 64 : i32
      %mul3A_100 = vector.broadcast %mul3A_99 : i32 to vector<16xi32>
      %mul3A_101 = arith.muli %and3A_98, %mul3A_100 : vector<16xi32>
      %swap3A_102 = arith.index_cast %scan3A_78 : i32 to index
      %swap3A_103 = arith.constant 16 : index
      %swap3A_104 = tpu.vector_load %arg6[%swap3A_102, %swap3A_103] {strides = array<i32>} : memref<50x128xi32, #tpu.memory_space<vmem>>, vector<16xi32>,
      tpu.vector_store %arg6[%swap3A_102, %swap3A_103], %mul3A_101 {strides = array<i32>} : memref<50x128xi32, #tpu.memory_space<vmem>>, vector<16xi32>,
      %shift_right_logical3A_105 = arith.constant 1 : i32
      %shift_right_logical3A_106 = vector.broadcast %shift_right_logical3A_105 : i32 to vector<16xi32>
      %shift_right_logical3A_107 = arith.shrui %get3A_95, %shift_right_logical3A_106 : vector<16xi32>
      %swap3A_108 = arith.index_cast %scan3A_78 : i32 to index
      %swap3A_109 = arith.constant 16 : index
      %swap3A_110 = tpu.vector_load %arg5[%swap3A_108, %swap3A_109] {strides = array<i32>} : memref<50x128xi32, #tpu.memory_space<vmem>>, vector<16xi32>,
      tpu.vector_store %arg5[%swap3A_108, %swap3A_109], %shift_right_logical3A_107 {strides = array<i32>} : memref<50x128xi32, #tpu.memory_space<vmem>>, vector<16xi32>,
      %get3A_111 = arith.index_cast %scan3A_78 : i32 to index
      %get3A_112 = arith.constant 32 : index
      %get3A_113 = tpu.vector_load %arg5[%get3A_111, %get3A_112] {strides = array<i32>} : memref<50x128xi32, #tpu.memory_space<vmem>>, vector<16xi32>,
      %and3A_114 = arith.constant 1 : i32
      %and3A_115 = vector.broadcast %and3A_114 : i32 to vector<16xi32>
      %and3A_116 = arith.andi %get3A_113, %and3A_115 : vector<16xi32>
      %mul3A_117 = arith.constant 64 : i32
      %mul3A_118 = vector.broadcast %mul3A_117 : i32 to vector<16xi32>
      %mul3A_119 = arith.muli %and3A_116, %mul3A_118 : vector<16xi32>
      %swap3A_120 = arith.index_cast %scan3A_78 : i32 to index
      %swap3A_121 = arith.constant 32 : index
      %swap3A_122 = tpu.vector_load %arg6[%swap3A_120, %swap3A_121] {strides = array<i32>} : memref<50x128xi32, #tpu.memory_space<vmem>>, vector<16xi32>,
      tpu.vector_store %arg6[%swap3A_120, %swap3A_121], %mul3A_119 {strides = array<i32>} : memref<50x128xi32, #tpu.memory_space<vmem>>, vector<16xi32>,
      %shift_right_logical3A_123 = arith.constant 1 : i32
      %shift_right_logical3A_124 = vector.broadcast %shift_right_logical3A_123 : i32 to vector<16xi32>
      %shift_right_logical3A_125 = arith.shrui %get3A_113, %shift_right_logical3A_124 : vector<16xi32>
      %swap3A_126 = arith.index_cast %scan3A_78 : i32 to index
      %swap3A_127 = arith.constant 32 : index
      %swap3A_128 = tpu.vector_load %arg5[%swap3A_126, %swap3A_127] {strides = array<i32>} : memref<50x128xi32, #tpu.memory_space<vmem>>, vector<16xi32>,
      tpu.vector_store %arg5[%swap3A_126, %swap3A_127], %shift_right_logical3A_125 {strides = array<i32>} : memref<50x128xi32, #tpu.memory_space<vmem>>, vector<16xi32>,
      %get3A_129 = arith.index_cast %scan3A_78 : i32 to index
      %get3A_130 = arith.constant 48 : index
      %get3A_131 = tpu.vector_load %arg5[%get3A_129, %get3A_130] {strides = array<i32>} : memref<50x128xi32, #tpu.memory_space<vmem>>, vector<16xi32>,
      %and3A_132 = arith.constant 1 : i32
      %and3A_133 = vector.broadcast %and3A_132 : i32 to vector<16xi32>
      %and3A_134 = arith.andi %get3A_131, %and3A_133 : vector<16xi32>
      %mul3A_135 = arith.constant 64 : i32
      %mul3A_136 = vector.broadcast %mul3A_135 : i32 to vector<16xi32>
      %mul3A_137 = arith.muli %and3A_134, %mul3A_136 : vector<16xi32>
      %swap3A_138 = arith.index_cast %scan3A_78 : i32 to index
      %swap3A_139 = arith.constant 48 : index
      %swap3A_140 = tpu.vector_load %arg6[%swap3A_138, %swap3A_139] {strides = array<i32>} : memref<50x128xi32, #tpu.memory_space<vmem>>, vector<16xi32>,
      tpu.vector_store %arg6[%swap3A_138, %swap3A_139], %mul3A_137 {strides = array<i32>} : memref<50x128xi32, #tpu.memory_space<vmem>>, vector<16xi32>,
      %shift_right_logical3A_141 = arith.constant 1 : i32
      %shift_right_logical3A_142 = vector.broadcast %shift_right_logical3A_141 : i32 to vector<16xi32>
      %shift_right_logical3A_143 = arith.shrui %get3A_131, %shift_right_logical3A_142 : vector<16xi32>
      %swap3A_144 = arith.index_cast %scan3A_78 : i32 to index
      %swap3A_145 = arith.constant 48 : index
      %swap3A_146 = tpu.vector_load %arg5[%swap3A_144, %swap3A_145] {strides = array<i32>} : memref<50x128xi32, #tpu.memory_space<vmem>>, vector<16xi32>,
      tpu.vector_store %arg5[%swap3A_144, %swap3A_145], %shift_right_logical3A_143 {strides = array<i32>} : memref<50x128xi32, #tpu.memory_space<vmem>>, vector<16xi32>,
      %get3A_147 = arith.index_cast %scan3A_78 : i32 to index
      %get3A_148 = arith.constant 64 : index
      %get3A_149 = tpu.vector_load %arg5[%get3A_147, %get3A_148] {strides = array<i32>} : memref<50x128xi32, #tpu.memory_space<vmem>>, vector<16xi32>,
      %and3A_150 = arith.constant 1 : i32
      %and3A_151 = vector.broadcast %and3A_150 : i32 to vector<16xi32>
      %and3A_152 = arith.andi %get3A_149, %and3A_151 : vector<16xi32>
      %mul3A_153 = arith.constant 64 : i32
      %mul3A_154 = vector.broadcast %mul3A_153 : i32 to vector<16xi32>
      %mul3A_155 = arith.muli %and3A_152, %mul3A_154 : vector<16xi32>
      %swap3A_156 = arith.index_cast %scan3A_78 : i32 to index
      %swap3A_157 = arith.constant 64 : index
      %swap3A_158 = tpu.vector_load %arg6[%swap3A_156, %swap3A_157] {strides = array<i32>} : memref<50x128xi32, #tpu.memory_space<vmem>>, vector<16xi32>,
      tpu.vector_store %arg6[%swap3A_156, %swap3A_157], %mul3A_155 {strides = array<i32>} : memref<50x128xi32, #tpu.memory_space<vmem>>, vector<16xi32>,
      %shift_right_logical3A_159 = arith.constant 1 : i32
      %shift_right_logical3A_160 = vector.broadcast %shift_right_logical3A_159 : i32 to vector<16xi32>
      %shift_right_logical3A_161 = arith.shrui %get3A_149, %shift_right_logical3A_160 : vector<16xi32>
      %swap3A_162 = arith.index_cast %scan3A_78 : i32 to index
      %swap3A_163 = arith.constant 64 : index
      %swap3A_164 = tpu.vector_load %arg5[%swap3A_162, %swap3A_163] {strides = array<i32>} : memref<50x128xi32, #tpu.memory_space<vmem>>, vector<16xi32>,
      tpu.vector_store %arg5[%swap3A_162, %swap3A_163], %shift_right_logical3A_161 {strides = array<i32>} : memref<50x128xi32, #tpu.memory_space<vmem>>, vector<16xi32>,
      %get3A_165 = arith.index_cast %scan3A_78 : i32 to index
      %get3A_166 = arith.constant 80 : index
      %get3A_167 = tpu.vector_load %arg5[%get3A_165, %get3A_166] {strides = array<i32>} : memref<50x128xi32, #tpu.memory_space<vmem>>, vector<16xi32>,
      %and3A_168 = arith.constant 1 : i32
      %and3A_169 = vector.broadcast %and3A_168 : i32 to vector<16xi32>
      %and3A_170 = arith.andi %get3A_167, %and3A_169 : vector<16xi32>
      %mul3A_171 = arith.constant 64 : i32
      %mul3A_172 = vector.broadcast %mul3A_171 : i32 to vector<16xi32>
      %mul3A_173 = arith.muli %and3A_170, %mul3A_172 : vector<16xi32>
      %swap3A_174 = arith.index_cast %scan3A_78 : i32 to index
      %swap3A_175 = arith.constant 80 : index
      %swap3A_176 = tpu.vector_load %arg6[%swap3A_174, %swap3A_175] {strides = array<i32>} : memref<50x128xi32, #tpu.memory_space<vmem>>, vector<16xi32>,
      tpu.vector_store %arg6[%swap3A_174, %swap3A_175], %mul3A_173 {strides = array<i32>} : memref<50x128xi32, #tpu.memory_space<vmem>>, vector<16xi32>,
      %shift_right_logical3A_177 = arith.constant 1 : i32
      %shift_right_logical3A_178 = vector.broadcast %shift_right_logical3A_177 : i32 to vector<16xi32>
      %shift_right_logical3A_179 = arith.shrui %get3A_167, %shift_right_logical3A_178 : vector<16xi32>
      %swap3A_180 = arith.index_cast %scan3A_78 : i32 to index
      %swap3A_181 = arith.constant 80 : index
      %swap3A_182 = tpu.vector_load %arg5[%swap3A_180, %swap3A_181] {strides = array<i32>} : memref<50x128xi32, #tpu.memory_space<vmem>>, vector<16xi32>,
      tpu.vector_store %arg5[%swap3A_180, %swap3A_181], %shift_right_logical3A_179 {strides = array<i32>} : memref<50x128xi32, #tpu.memory_space<vmem>>, vector<16xi32>,
      %get3A_183 = arith.index_cast %scan3A_78 : i32 to index
      %get3A_184 = arith.constant 96 : index
      %get3A_185 = tpu.vector_load %arg5[%get3A_183, %get3A_184] {strides = array<i32>} : memref<50x128xi32, #tpu.memory_space<vmem>>, vector<16xi32>,
      %and3A_186 = arith.constant 1 : i32
      %and3A_187 = vector.broadcast %and3A_186 : i32 to vector<16xi32>
      %and3A_188 = arith.andi %get3A_185, %and3A_187 : vector<16xi32>
      %mul3A_189 = arith.constant 64 : i32
      %mul3A_190 = vector.broadcast %mul3A_189 : i32 to vector<16xi32>
      %mul3A_191 = arith.muli %and3A_188, %mul3A_190 : vector<16xi32>
      %swap3A_192 = arith.index_cast %scan3A_78 : i32 to index
      %swap3A_193 = arith.constant 96 : index
      %swap3A_194 = tpu.vector_load %arg6[%swap3A_192, %swap3A_193] {strides = array<i32>} : memref<50x128xi32, #tpu.memory_space<vmem>>, vector<16xi32>,
      tpu.vector_store %arg6[%swap3A_192, %swap3A_193], %mul3A_191 {strides = array<i32>} : memref<50x128xi32, #tpu.memory_space<vmem>>, vector<16xi32>,
      %shift_right_logical3A_195 = arith.constant 1 : i32
      %shift_right_logical3A_196 = vector.broadcast %shift_right_logical3A_195 : i32 to vector<16xi32>
      %shift_right_logical3A_197 = arith.shrui %get3A_185, %shift_right_logical3A_196 : vector<16xi32>
      %swap3A_198 = arith.index_cast %scan3A_78 : i32 to index
      %swap3A_199 = arith.constant 96 : index
      %swap3A_200 = tpu.vector_load %arg5[%swap3A_198, %swap3A_199] {strides = array<i32>} : memref<50x128xi32, #tpu.memory_space<vmem>>, vector<16xi32>,
      tpu.vector_store %arg5[%swap3A_198, %swap3A_199], %shift_right_logical3A_197 {strides = array<i32>} : memref<50x128xi32, #tpu.memory_space<vmem>>, vector<16xi32>,
      %get3A_201 = arith.index_cast %scan3A_78 : i32 to index
      %get3A_202 = arith.constant 112 : index
      %get3A_203 = tpu.vector_load %arg5[%get3A_201, %get3A_202] {strides = array<i32>} : memref<50x128xi32, #tpu.memory_space<vmem>>, vector<16xi32>,
      %and3A_204 = arith.constant 1 : i32
      %and3A_205 = vector.broadcast %and3A_204 : i32 to vector<16xi32>
      %and3A_206 = arith.andi %get3A_203, %and3A_205 : vector<16xi32>
      %mul3A_207 = arith.constant 64 : i32
      %mul3A_208 = vector.broadcast %mul3A_207 : i32 to vector<16xi32>
      %mul3A_209 = arith.muli %and3A_206, %mul3A_208 : vector<16xi32>
      %swap3A_210 = arith.index_cast %scan3A_78 : i32 to index
      %swap3A_211 = arith.constant 112 : index
      %swap3A_212 = tpu.vector_load %arg6[%swap3A_210, %swap3A_211] {strides = array<i32>} : memref<50x128xi32, #tpu.memory_space<vmem>>, vector<16xi32>,
      tpu.vector_store %arg6[%swap3A_210, %swap3A_211], %mul3A_209 {strides = array<i32>} : memref<50x128xi32, #tpu.memory_space<vmem>>, vector<16xi32>,
      %shift_right_logical3A_213 = arith.constant 1 : i32
      %shift_right_logical3A_214 = vector.broadcast %shift_right_logical3A_213 : i32 to vector<16xi32>
      %shift_right_logical3A_215 = arith.shrui %get3A_203, %shift_right_logical3A_214 : vector<16xi32>
      %swap3A_216 = arith.index_cast %scan3A_78 : i32 to index
      %swap3A_217 = arith.constant 112 : index
      %swap3A_218 = tpu.vector_load %arg5[%swap3A_216, %swap3A_217] {strides = array<i32>} : memref<50x128xi32, #tpu.memory_space<vmem>>, vector<16xi32>,
      tpu.vector_store %arg5[%swap3A_216, %swap3A_217], %shift_right_logical3A_215 {strides = array<i32>} : memref<50x128xi32, #tpu.memory_space<vmem>>, vector<16xi32>,
    }
    %scan3A_7 = arith.constant 50 : i32
    %dma_start3A = arith.constant 0 : i32
    %dma_start3A_8 = arith.constant 0 : i32
    %dma_start3A_9 = tpu.memref_slice %arg5[%dma_start3A, %dma_start3A_8] : memref<50x128xi32, #tpu.memory_space<vmem>> -> memref<1x128xi32, #tpu.memory_space<vmem>>
    %dma_start3A_10 = tpu.memref_squeeze %dma_start3A_9 : memref<1x128xi32, #tpu.memory_space<vmem>> -> memref<128xi32, #tpu.memory_space<vmem>>
    %dma_start3A_11 = arith.constant 0 : i32
    %dma_start3A_12 = arith.constant 0 : i32
    %dma_start3A_13 = tpu.memref_slice %arg3[%dma_start3A_11, %dma_start3A_12] : memref<500000x128xf32, #tpu.memory_space<hbm>> -> memref<500000x128xf32, #tpu.memory_space<hbm>>
    tpu.enqueue_indirect_dma source(%dma_start3A_13 : memref<500000x128xf32, #tpu.memory_space<hbm>>) target(%arg7 : memref<128x128xf32, #tpu.memory_space<vmem>>) offsets(%dma_start3A_10 : memref<128xi32, #tpu.memory_space<vmem>>) semaphore(%arg13 : memref<!tpu.dma_semaphore, #tpu.memory_space<semaphore_mem>>)
    %dma_start3A_14 = arith.constant 1 : i32
    %dma_start3A_15 = arith.constant 0 : i32
    %dma_start3A_16 = tpu.memref_slice %arg5[%dma_start3A_14, %dma_start3A_15] : memref<50x128xi32, #tpu.memory_space<vmem>> -> memref<1x128xi32, #tpu.memory_space<vmem>>
    %dma_start3A_17 = tpu.memref_squeeze %dma_start3A_16 : memref<1x128xi32, #tpu.memory_space<vmem>> -> memref<128xi32, #tpu.memory_space<vmem>>
    %dma_start3A_18 = arith.constant 0 : i32
    %dma_start3A_19 = arith.constant 0 : i32
    %dma_start3A_20 = tpu.memref_slice %arg3[%dma_start3A_18, %dma_start3A_19] : memref<500000x128xf32, #tpu.memory_space<hbm>> -> memref<500000x128xf32, #tpu.memory_space<hbm>>
    tpu.enqueue_indirect_dma source(%dma_start3A_20 : memref<500000x128xf32, #tpu.memory_space<hbm>>) target(%arg8 : memref<128x128xf32, #tpu.memory_space<vmem>>) offsets(%dma_start3A_17 : memref<128xi32, #tpu.memory_space<vmem>>) semaphore(%arg14 : memref<!tpu.dma_semaphore, #tpu.memory_space<semaphore_mem>>)
    %dma_start3A_21 = arith.constant 2 : i32
    %dma_start3A_22 = arith.constant 0 : i32
    %dma_start3A_23 = tpu.memref_slice %arg5[%dma_start3A_21, %dma_start3A_22] : memref<50x128xi32, #tpu.memory_space<vmem>> -> memref<1x128xi32, #tpu.memory_space<vmem>>
    %dma_start3A_24 = tpu.memref_squeeze %dma_start3A_23 : memref<1x128xi32, #tpu.memory_space<vmem>> -> memref<128xi32, #tpu.memory_space<vmem>>
    %dma_start3A_25 = arith.constant 0 : i32
    %dma_start3A_26 = arith.constant 0 : i32
    %dma_start3A_27 = tpu.memref_slice %arg3[%dma_start3A_25, %dma_start3A_26] : memref<500000x128xf32, #tpu.memory_space<hbm>> -> memref<500000x128xf32, #tpu.memory_space<hbm>>
    tpu.enqueue_indirect_dma source(%dma_start3A_27 : memref<500000x128xf32, #tpu.memory_space<hbm>>) target(%arg9 : memref<128x128xf32, #tpu.memory_space<vmem>>) offsets(%dma_start3A_24 : memref<128xi32, #tpu.memory_space<vmem>>) semaphore(%arg15 : memref<!tpu.dma_semaphore, #tpu.memory_space<semaphore_mem>>)
    %dma_start3A_28 = arith.constant 3 : i32
    %dma_start3A_29 = arith.constant 0 : i32
    %dma_start3A_30 = tpu.memref_slice %arg5[%dma_start3A_28, %dma_start3A_29] : memref<50x128xi32, #tpu.memory_space<vmem>> -> memref<1x128xi32, #tpu.memory_space<vmem>>
    %dma_start3A_31 = tpu.memref_squeeze %dma_start3A_30 : memref<1x128xi32, #tpu.memory_space<vmem>> -> memref<128xi32, #tpu.memory_space<vmem>>
    %dma_start3A_32 = arith.constant 0 : i32
    %dma_start3A_33 = arith.constant 0 : i32
    %dma_start3A_34 = tpu.memref_slice %arg3[%dma_start3A_32, %dma_start3A_33] : memref<500000x128xf32, #tpu.memory_space<hbm>> -> memref<500000x128xf32, #tpu.memory_space<hbm>>
    tpu.enqueue_indirect_dma source(%dma_start3A_34 : memref<500000x128xf32, #tpu.memory_space<hbm>>) target(%arg10 : memref<128x128xf32, #tpu.memory_space<vmem>>) offsets(%dma_start3A_31 : memref<128xi32, #tpu.memory_space<vmem>>) semaphore(%arg16 : memref<!tpu.dma_semaphore, #tpu.memory_space<semaphore_mem>>)
    %iota3A = tpu.iota {dimensions = array<i32: 0>} : vector<16xi32>
    %add3A_35 = arith.constant 0 : i32
    %add3A_36 = vector.broadcast %add3A_35 : i32 to vector<16xi32>
    %add3A_37 = arith.addi %iota3A, %add3A_36 : vector<16xi32>
    %add3A_38 = arith.constant 16 : i32
    %add3A_39 = vector.broadcast %add3A_38 : i32 to vector<16xi32>
    %add3A_40 = arith.addi %iota3A, %add3A_39 : vector<16xi32>
    %add3A_41 = arith.constant 32 : i32
    %add3A_42 = vector.broadcast %add3A_41 : i32 to vector<16xi32>
    %add3A_43 = arith.addi %iota3A, %add3A_42 : vector<16xi32>
    %add3A_44 = arith.constant 48 : i32
    %add3A_45 = vector.broadcast %add3A_44 : i32 to vector<16xi32>
    %add3A_46 = arith.addi %iota3A, %add3A_45 : vector<16xi32>
    %add3A_47 = arith.constant 64 : i32
    %add3A_48 = vector.broadcast %add3A_47 : i32 to vector<16xi32>
    %add3A_49 = arith.addi %iota3A, %add3A_48 : vector<16xi32>
    %add3A_50 = arith.constant 80 : i32
    %add3A_51 = vector.broadcast %add3A_50 : i32 to vector<16xi32>
    %add3A_52 = arith.addi %iota3A, %add3A_51 : vector<16xi32>
    %add3A_53 = arith.constant 96 : i32
    %add3A_54 = vector.broadcast %add3A_53 : i32 to vector<16xi32>
    %add3A_55 = arith.addi %iota3A, %add3A_54 : vector<16xi32>
    %add3A_56 = arith.constant 112 : i32
    %add3A_57 = vector.broadcast %add3A_56 : i32 to vector<16xi32>
    %add3A_58 = arith.addi %iota3A, %add3A_57 : vector<16xi32>
    %scan3A_59 = arith.constant 0 : i32
    %scan3A_60 = arith.constant 0 : i32
    %scan3A_61 = arith.constant 13 : i32
    %scan3A_62 = arith.addi %scan3A_60, %scan3A_61 : i32
    %scan3A_63 = arith.constant 1 : i32
    scf.for %scan3A_78 = %scan3A_60 to %scan3A_62 step %scan3A_63  : i32 {
      %mul3A_79 = arith.constant 4 : i32
      %mul3A_80 = arith.muli %scan3A_78, %mul3A_79 : i32
      %add3A_81 = arith.constant 0 : i32
      %add3A_82 = arith.addi %mul3A_80, %add3A_81 : i32
      %lt3A = arith.constant 50 : i32
      %lt3A_83 = arith.cmpi slt, %add3A_82, %lt3A : i32
      %convert_element_type3A = arith.extui %lt3A_83 : i1 to i32
      %cond3A = arith.constant 0 : i32
      %cond3A_84 = arith.cmpi ne, %convert_element_type3A, %cond3A : i32
      scf.if %cond3A_84 {
        %dma_wait3A_106 = arith.constant 0 : i32
        %dma_wait3A_107 = tpu.memref_slice %arg5[%add3A_82, %dma_wait3A_106] : memref<50x128xi32, #tpu.memory_space<vmem>> -> memref<1x128xi32, #tpu.memory_space<vmem>>
        %dma_wait3A_108 = tpu.memref_squeeze %dma_wait3A_107 : memref<1x128xi32, #tpu.memory_space<vmem>> -> memref<128xi32, #tpu.memory_space<vmem>>
        %dma_wait3A_109 = arith.constant 0 : i32
        %dma_wait3A_110 = arith.constant 0 : i32
        %dma_wait3A_111 = tpu.memref_slice %arg3[%dma_wait3A_109, %dma_wait3A_110] : memref<500000x128xf32, #tpu.memory_space<hbm>> -> memref<500000x128xf32, #tpu.memory_space<hbm>>
        tpu.wait_indirect_dma semaphore(%arg13 : memref<!tpu.dma_semaphore, #tpu.memory_space<semaphore_mem>>) src(%dma_wait3A_111 : memref<500000x128xf32, #tpu.memory_space<hbm>>) dst(%arg7 : memref<128x128xf32, #tpu.memory_space<vmem>>)
        %ge3A = arith.constant 2 : i32
        %ge3A_112 = arith.cmpi sge, %add3A_82, %ge3A : i32
        %convert_element_type3A_113 = arith.extui %ge3A_112 : i1 to i32
        %cond3A_114 = arith.constant 0 : i32
        %cond3A_115 = arith.cmpi ne, %convert_element_type3A_113, %cond3A_114 : i32
        scf.if %cond3A_115 {
          %sub3A = arith.constant 2 : i32
          %sub3A_158 = arith.subi %add3A_82, %sub3A : i32
          %dma_wait3A_159 = arith.constant 0 : i32
          %dma_wait3A_160 = tpu.memref_slice %arg4[%sub3A_158, %dma_wait3A_159, %mul3A_2] : memref<50x64x4096xf32, #tpu.memory_space<hbm>> -> memref<1x64x128xf32, #tpu.memory_space<hbm>>
          %dma_wait3A_161 = tpu.memref_squeeze %dma_wait3A_160 : memref<1x64x128xf32, #tpu.memory_space<hbm>> -> memref<64x128xf32, #tpu.memory_space<hbm>>
          %dma_wait3A_162 = arith.constant 0 : i32
          %dma_wait3A_163 = tpu.memref_slice %arg4[%sub3A_158, %dma_wait3A_162, %mul3A_2] : memref<50x64x4096xf32, #tpu.memory_space<hbm>> -> memref<1x64x128xf32, #tpu.memory_space<hbm>>
          %dma_wait3A_164 = tpu.memref_squeeze %dma_wait3A_163 : memref<1x64x128xf32, #tpu.memory_space<hbm>> -> memref<64x128xf32, #tpu.memory_space<hbm>>
          tpu.wait_dma2 semaphore(%arg17 : memref<!tpu.dma_semaphore, #tpu.memory_space<semaphore_mem>>) src(%arg11 : memref<64x128xf32, #tpu.memory_space<vmem>>) dst(%dma_wait3A_164 : memref<64x128xf32, #tpu.memory_space<hbm>>)
        } else {
        }
        %get3A = arith.index_cast %add3A_82 : i32 to index
        %get3A_116 = arith.constant 0 : index
        %get3A_117 = tpu.vector_load %arg6[%get3A, %get3A_116] {strides = array<i32>} : memref<50x128xi32, #tpu.memory_space<vmem>>, vector<16xi32>,
        %get3A_118 = arith.index_cast %add3A_82 : i32 to index
        %get3A_119 = arith.constant 16 : index
        %get3A_120 = tpu.vector_load %arg6[%get3A_118, %get3A_119] {strides = array<i32>} : memref<50x128xi32, #tpu.memory_space<vmem>>, vector<16xi32>,
        %get3A_121 = arith.index_cast %add3A_82 : i32 to index
        %get3A_122 = arith.constant 32 : index
        %get3A_123 = tpu.vector_load %arg6[%get3A_121, %get3A_122] {strides = array<i32>} : memref<50x128xi32, #tpu.memory_space<vmem>>, vector<16xi32>,
        %get3A_124 = arith.index_cast %add3A_82 : i32 to index
        %get3A_125 = arith.constant 48 : index
        %get3A_126 = tpu.vector_load %arg6[%get3A_124, %get3A_125] {strides = array<i32>} : memref<50x128xi32, #tpu.memory_space<vmem>>, vector<16xi32>,
        %get3A_127 = arith.index_cast %add3A_82 : i32 to index
        %get3A_128 = arith.constant 64 : index
        %get3A_129 = tpu.vector_load %arg6[%get3A_127, %get3A_128] {strides = array<i32>} : memref<50x128xi32, #tpu.memory_space<vmem>>, vector<16xi32>,
        %get3A_130 = arith.index_cast %add3A_82 : i32 to index
        %get3A_131 = arith.constant 80 : index
        %get3A_132 = tpu.vector_load %arg6[%get3A_130, %get3A_131] {strides = array<i32>} : memref<50x128xi32, #tpu.memory_space<vmem>>, vector<16xi32>,
        %get3A_133 = arith.index_cast %add3A_82 : i32 to index
        %get3A_134 = arith.constant 96 : index
        %get3A_135 = tpu.vector_load %arg6[%get3A_133, %get3A_134] {strides = array<i32>} : memref<50x128xi32, #tpu.memory_space<vmem>>, vector<16xi32>,
        %get3A_136 = arith.index_cast %add3A_82 : i32 to index
        %get3A_137 = arith.constant 112 : index
        %get3A_138 = tpu.vector_load %arg6[%get3A_136, %get3A_137] {strides = array<i32>} : memref<50x128xi32, #tpu.memory_space<vmem>>, vector<16xi32>,
        %scan3A_139 = arith.constant 0 : i32
        %scan3A_140 = arith.constant 0 : i32
        %scan3A_141 = arith.constant 16 : i32
        %scan3A_142 = arith.addi %scan3A_140, %scan3A_141 : i32
        %scan3A_143 = arith.constant 1 : i32
        scf.for %scan3A_158 = %scan3A_140 to %scan3A_142 step %scan3A_143  : i32 {
          %add3A_159 = vector.broadcast %scan3A_158 : i32 to vector<16xi32>
          %add3A_160 = arith.addi %iota3A, %add3A_159 : vector<16xi32>
          %and3A = arith.constant 15 : i32
          %and3A_161 = vector.broadcast %and3A : i32 to vector<16xi32>
          %and3A_162 = arith.andi %add3A_160, %and3A_161 : vector<16xi32>
          %add3A_163 = arith.constant 0 : i32
          %add3A_164 = vector.broadcast %add3A_163 : i32 to vector<16xi32>
          %add3A_165 = arith.addi %and3A_162, %add3A_164 : vector<16xi32>
          %add3A_166 = arith.addi %get3A_117, %add3A_165 : vector<16xi32>
          %gather3A = tpu.vector_load_idx %arg7[%add3A_37, %add3A_166] : memref<128x128xf32, #tpu.memory_space<vmem>>[vector<16xi32>, vector<16xi32>], vector<16xf32>,
          tpu.vector_store_idx %arg11[%add3A_165, %add3A_37], %gather3A : memref<64x128xf32, #tpu.memory_space<vmem>>[vector<16xi32>, vector<16xi32>], vector<16xf32>,
          %add3A_167 = arith.constant 16 : i32
          %add3A_168 = vector.broadcast %add3A_167 : i32 to vector<16xi32>
          %add3A_169 = arith.addi %and3A_162, %add3A_168 : vector<16xi32>
          %add3A_170 = arith.addi %get3A_117, %add3A_169 : vector<16xi32>
          %gather3A_171 = tpu.vector_load_idx %arg7[%add3A_37, %add3A_170] : memref<128x128xf32, #tpu.memory_space<vmem>>[vector<16xi32>, vector<16xi32>], vector<16xf32>,
          tpu.vector_store_idx %arg11[%add3A_169, %add3A_37], %gather3A_171 : memref<64x128xf32, #tpu.memory_space<vmem>>[vector<16xi32>, vector<16xi32>], vector<16xf32>,
          %add3A_172 = arith.constant 32 : i32
          %add3A_173 = vector.broadcast %add3A_172 : i32 to vector<16xi32>
          %add3A_174 = arith.addi %and3A_162, %add3A_173 : vector<16xi32>
          %add3A_175 = arith.addi %get3A_117, %add3A_174 : vector<16xi32>
          %gather3A_176 = tpu.vector_load_idx %arg7[%add3A_37, %add3A_175] : memref<128x128xf32, #tpu.memory_space<vmem>>[vector<16xi32>, vector<16xi32>], vector<16xf32>,
          tpu.vector_store_idx %arg11[%add3A_174, %add3A_37], %gather3A_176 : memref<64x128xf32, #tpu.memory_space<vmem>>[vector<16xi32>, vector<16xi32>], vector<16xf32>,
          %add3A_177 = arith.constant 48 : i32
          %add3A_178 = vector.broadcast %add3A_177 : i32 to vector<16xi32>
          %add3A_179 = arith.addi %and3A_162, %add3A_178 : vector<16xi32>
          %add3A_180 = arith.addi %get3A_117, %add3A_179 : vector<16xi32>
          %gather3A_181 = tpu.vector_load_idx %arg7[%add3A_37, %add3A_180] : memref<128x128xf32, #tpu.memory_space<vmem>>[vector<16xi32>, vector<16xi32>], vector<16xf32>,
          tpu.vector_store_idx %arg11[%add3A_179, %add3A_37], %gather3A_181 : memref<64x128xf32, #tpu.memory_space<vmem>>[vector<16xi32>, vector<16xi32>], vector<16xf32>,
          %add3A_182 = arith.constant 0 : i32
          %add3A_183 = vector.broadcast %add3A_182 : i32 to vector<16xi32>
          %add3A_184 = arith.addi %and3A_162, %add3A_183 : vector<16xi32>
          %add3A_185 = arith.addi %get3A_120, %add3A_184 : vector<16xi32>
          %gather3A_186 = tpu.vector_load_idx %arg7[%add3A_40, %add3A_185] : memref<128x128xf32, #tpu.memory_space<vmem>>[vector<16xi32>, vector<16xi32>], vector<16xf32>,
          tpu.vector_store_idx %arg11[%add3A_184, %add3A_40], %gather3A_186 : memref<64x128xf32, #tpu.memory_space<vmem>>[vector<16xi32>, vector<16xi32>], vector<16xf32>,
          %add3A_187 = arith.constant 16 : i32
          %add3A_188 = vector.broadcast %add3A_187 : i32 to vector<16xi32>
          %add3A_189 = arith.addi %and3A_162, %add3A_188 : vector<16xi32>
          %add3A_190 = arith.addi %get3A_120, %add3A_189 : vector<16xi32>
          %gather3A_191 = tpu.vector_load_idx %arg7[%add3A_40, %add3A_190] : memref<128x128xf32, #tpu.memory_space<vmem>>[vector<16xi32>, vector<16xi32>], vector<16xf32>,
          tpu.vector_store_idx %arg11[%add3A_189, %add3A_40], %gather3A_191 : memref<64x128xf32, #tpu.memory_space<vmem>>[vector<16xi32>, vector<16xi32>], vector<16xf32>,
          %add3A_192 = arith.constant 32 : i32
          %add3A_193 = vector.broadcast %add3A_192 : i32 to vector<16xi32>
          %add3A_194 = arith.addi %and3A_162, %add3A_193 : vector<16xi32>
          %add3A_195 = arith.addi %get3A_120, %add3A_194 : vector<16xi32>
          %gather3A_196 = tpu.vector_load_idx %arg7[%add3A_40, %add3A_195] : memref<128x128xf32, #tpu.memory_space<vmem>>[vector<16xi32>, vector<16xi32>], vector<16xf32>,
          tpu.vector_store_idx %arg11[%add3A_194, %add3A_40], %gather3A_196 : memref<64x128xf32, #tpu.memory_space<vmem>>[vector<16xi32>, vector<16xi32>], vector<16xf32>,
          %add3A_197 = arith.constant 48 : i32
          %add3A_198 = vector.broadcast %add3A_197 : i32 to vector<16xi32>
          %add3A_199 = arith.addi %and3A_162, %add3A_198 : vector<16xi32>
          %add3A_200 = arith.addi %get3A_120, %add3A_199 : vector<16xi32>
          %gather3A_201 = tpu.vector_load_idx %arg7[%add3A_40, %add3A_200] : memref<128x128xf32, #tpu.memory_space<vmem>>[vector<16xi32>, vector<16xi32>], vector<16xf32>,
          tpu.vector_store_idx %arg11[%add3A_199, %add3A_40], %gather3A_201 : memref<64x128xf32, #tpu.memory_space<vmem>>[vector<16xi32>, vector<16xi32>], vector<16xf32>,
          %add3A_202 = arith.constant 0 : i32
          %add3A_203 = vector.broadcast %add3A_202 : i32 to vector<16xi32>
          %add3A_204 = arith.addi %and3A_162, %add3A_203 : vector<16xi32>
          %add3A_205 = arith.addi %get3A_123, %add3A_204 : vector<16xi32>
          %gather3A_206 = tpu.vector_load_idx %arg7[%add3A_43, %add3A_205] : memref<128x128xf32, #tpu.memory_space<vmem>>[vector<16xi32>, vector<16xi32>], vector<16xf32>,
          tpu.vector_store_idx %arg11[%add3A_204, %add3A_43], %gather3A_206 : memref<64x128xf32, #tpu.memory_space<vmem>>[vector<16xi32>, vector<16xi32>], vector<16xf32>,
          %add3A_207 = arith.constant 16 : i32
          %add3A_208 = vector.broadcast %add3A_207 : i32 to vector<16xi32>
          %add3A_209 = arith.addi %and3A_162, %add3A_208 : vector<16xi32>
          %add3A_210 = arith.addi %get3A_123, %add3A_209 : vector<16xi32>
          %gather3A_211 = tpu.vector_load_idx %arg7[%add3A_43, %add3A_210] : memref<128x128xf32, #tpu.memory_space<vmem>>[vector<16xi32>, vector<16xi32>], vector<16xf32>,
          tpu.vector_store_idx %arg11[%add3A_209, %add3A_43], %gather3A_211 : memref<64x128xf32, #tpu.memory_space<vmem>>[vector<16xi32>, vector<16xi32>], vector<16xf32>,
          %add3A_212 = arith.constant 32 : i32
          %add3A_213 = vector.broadcast %add3A_212 : i32 to vector<16xi32>
          %add3A_214 = arith.addi %and3A_162, %add3A_213 : vector<16xi32>
          %add3A_215 = arith.addi %get3A_123, %add3A_214 : vector<16xi32>
          %gather3A_216 = tpu.vector_load_idx %arg7[%add3A_43, %add3A_215] : memref<128x128xf32, #tpu.memory_space<vmem>>[vector<16xi32>, vector<16xi32>], vector<16xf32>,
          tpu.vector_store_idx %arg11[%add3A_214, %add3A_43], %gather3A_216 : memref<64x128xf32, #tpu.memory_space<vmem>>[vector<16xi32>, vector<16xi32>], vector<16xf32>,
          %add3A_217 = arith.constant 48 : i32
          %add3A_218 = vector.broadcast %add3A_217 : i32 to vector<16xi32>
          %add3A_219 = arith.addi %and3A_162, %add3A_218 : vector<16xi32>
          %add3A_220 = arith.addi %get3A_123, %add3A_219 : vector<16xi32>
          %gather3A_221 = tpu.vector_load_idx %arg7[%add3A_43, %add3A_220] : memref<128x128xf32, #tpu.memory_space<vmem>>[vector<16xi32>, vector<16xi32>], vector<16xf32>,
          tpu.vector_store_idx %arg11[%add3A_219, %add3A_43], %gather3A_221 : memref<64x128xf32, #tpu.memory_space<vmem>>[vector<16xi32>, vector<16xi32>], vector<16xf32>,
          %add3A_222 = arith.constant 0 : i32
          %add3A_223 = vector.broadcast %add3A_222 : i32 to vector<16xi32>
          %add3A_224 = arith.addi %and3A_162, %add3A_223 : vector<16xi32>
          %add3A_225 = arith.addi %get3A_126, %add3A_224 : vector<16xi32>
          %gather3A_226 = tpu.vector_load_idx %arg7[%add3A_46, %add3A_225] : memref<128x128xf32, #tpu.memory_space<vmem>>[vector<16xi32>, vector<16xi32>], vector<16xf32>,
          tpu.vector_store_idx %arg11[%add3A_224, %add3A_46], %gather3A_226 : memref<64x128xf32, #tpu.memory_space<vmem>>[vector<16xi32>, vector<16xi32>], vector<16xf32>,
          %add3A_227 = arith.constant 16 : i32
          %add3A_228 = vector.broadcast %add3A_227 : i32 to vector<16xi32>
          %add3A_229 = arith.addi %and3A_162, %add3A_228 : vector<16xi32>
          %add3A_230 = arith.addi %get3A_126, %add3A_229 : vector<16xi32>
          %gather3A_231 = tpu.vector_load_idx %arg7[%add3A_46, %add3A_230] : memref<128x128xf32, #tpu.memory_space<vmem>>[vector<16xi32>, vector<16xi32>], vector<16xf32>,
          tpu.vector_store_idx %arg11[%add3A_229, %add3A_46], %gather3A_231 : memref<64x128xf32, #tpu.memory_space<vmem>>[vector<16xi32>, vector<16xi32>], vector<16xf32>,
          %add3A_232 = arith.constant 32 : i32
          %add3A_233 = vector.broadcast %add3A_232 : i32 to vector<16xi32>
          %add3A_234 = arith.addi %and3A_162, %add3A_233 : vector<16xi32>
          %add3A_235 = arith.addi %get3A_126, %add3A_234 : vector<16xi32>
          %gather3A_236 = tpu.vector_load_idx %arg7[%add3A_46, %add3A_235] : memref<128x128xf32, #tpu.memory_space<vmem>>[vector<16xi32>, vector<16xi32>], vector<16xf32>,
          tpu.vector_store_idx %arg11[%add3A_234, %add3A_46], %gather3A_236 : memref<64x128xf32, #tpu.memory_space<vmem>>[vector<16xi32>, vector<16xi32>], vector<16xf32>,
          %add3A_237 = arith.constant 48 : i32
          %add3A_238 = vector.broadcast %add3A_237 : i32 to vector<16xi32>
          %add3A_239 = arith.addi %and3A_162, %add3A_238 : vector<16xi32>
          %add3A_240 = arith.addi %get3A_126, %add3A_239 : vector<16xi32>
          %gather3A_241 = tpu.vector_load_idx %arg7[%add3A_46, %add3A_240] : memref<128x128xf32, #tpu.memory_space<vmem>>[vector<16xi32>, vector<16xi32>], vector<16xf32>,
          tpu.vector_store_idx %arg11[%add3A_239, %add3A_46], %gather3A_241 : memref<64x128xf32, #tpu.memory_space<vmem>>[vector<16xi32>, vector<16xi32>], vector<16xf32>,
          %add3A_242 = arith.constant 0 : i32
          %add3A_243 = vector.broadcast %add3A_242 : i32 to vector<16xi32>
          %add3A_244 = arith.addi %and3A_162, %add3A_243 : vector<16xi32>
          %add3A_245 = arith.addi %get3A_129, %add3A_244 : vector<16xi32>
          %gather3A_246 = tpu.vector_load_idx %arg7[%add3A_49, %add3A_245] : memref<128x128xf32, #tpu.memory_space<vmem>>[vector<16xi32>, vector<16xi32>], vector<16xf32>,
          tpu.vector_store_idx %arg11[%add3A_244, %add3A_49], %gather3A_246 : memref<64x128xf32, #tpu.memory_space<vmem>>[vector<16xi32>, vector<16xi32>], vector<16xf32>,
          %add3A_247 = arith.constant 16 : i32
          %add3A_248 = vector.broadcast %add3A_247 : i32 to vector<16xi32>
          %add3A_249 = arith.addi %and3A_162, %add3A_248 : vector<16xi32>
          %add3A_250 = arith.addi %get3A_129, %add3A_249 : vector<16xi32>
          %gather3A_251 = tpu.vector_load_idx %arg7[%add3A_49, %add3A_250] : memref<128x128xf32, #tpu.memory_space<vmem>>[vector<16xi32>, vector<16xi32>], vector<16xf32>,
          tpu.vector_store_idx %arg11[%add3A_249, %add3A_49], %gather3A_251 : memref<64x128xf32, #tpu.memory_space<vmem>>[vector<16xi32>, vector<16xi32>], vector<16xf32>,
          %add3A_252 = arith.constant 32 : i32
          %add3A_253 = vector.broadcast %add3A_252 : i32 to vector<16xi32>
          %add3A_254 = arith.addi %and3A_162, %add3A_253 : vector<16xi32>
          %add3A_255 = arith.addi %get3A_129, %add3A_254 : vector<16xi32>
          %gather3A_256 = tpu.vector_load_idx %arg7[%add3A_49, %add3A_255] : memref<128x128xf32, #tpu.memory_space<vmem>>[vector<16xi32>, vector<16xi32>], vector<16xf32>,
          tpu.vector_store_idx %arg11[%add3A_254, %add3A_49], %gather3A_256 : memref<64x128xf32, #tpu.memory_space<vmem>>[vector<16xi32>, vector<16xi32>], vector<16xf32>,
          %add3A_257 = arith.constant 48 : i32
          %add3A_258 = vector.broadcast %add3A_257 : i32 to vector<16xi32>
          %add3A_259 = arith.addi %and3A_162, %add3A_258 : vector<16xi32>
          %add3A_260 = arith.addi %get3A_129, %add3A_259 : vector<16xi32>
          %gather3A_261 = tpu.vector_load_idx %arg7[%add3A_49, %add3A_260] : memref<128x128xf32, #tpu.memory_space<vmem>>[vector<16xi32>, vector<16xi32>], vector<16xf32>,
          tpu.vector_store_idx %arg11[%add3A_259, %add3A_49], %gather3A_261 : memref<64x128xf32, #tpu.memory_space<vmem>>[vector<16xi32>, vector<16xi32>], vector<16xf32>,
          %add3A_262 = arith.constant 0 : i32
          %add3A_263 = vector.broadcast %add3A_262 : i32 to vector<16xi32>
          %add3A_264 = arith.addi %and3A_162, %add3A_263 : vector<16xi32>
          %add3A_265 = arith.addi %get3A_132, %add3A_264 : vector<16xi32>
          %gather3A_266 = tpu.vector_load_idx %arg7[%add3A_52, %add3A_265] : memref<128x128xf32, #tpu.memory_space<vmem>>[vector<16xi32>, vector<16xi32>], vector<16xf32>,
          tpu.vector_store_idx %arg11[%add3A_264, %add3A_52], %gather3A_266 : memref<64x128xf32, #tpu.memory_space<vmem>>[vector<16xi32>, vector<16xi32>], vector<16xf32>,
          %add3A_267 = arith.constant 16 : i32
          %add3A_268 = vector.broadcast %add3A_267 : i32 to vector<16xi32>
          %add3A_269 = arith.addi %and3A_162, %add3A_268 : vector<16xi32>
          %add3A_270 = arith.addi %get3A_132, %add3A_269 : vector<16xi32>
          %gather3A_271 = tpu.vector_load_idx %arg7[%add3A_52, %add3A_270] : memref<128x128xf32, #tpu.memory_space<vmem>>[vector<16xi32>, vector<16xi32>], vector<16xf32>,
          tpu.vector_store_idx %arg11[%add3A_269, %add3A_52], %gather3A_271 : memref<64x128xf32, #tpu.memory_space<vmem>>[vector<16xi32>, vector<16xi32>], vector<16xf32>,
          %add3A_272 = arith.constant 32 : i32
          %add3A_273 = vector.broadcast %add3A_272 : i32 to vector<16xi32>
          %add3A_274 = arith.addi %and3A_162, %add3A_273 : vector<16xi32>
          %add3A_275 = arith.addi %get3A_132, %add3A_274 : vector<16xi32>
          %gather3A_276 = tpu.vector_load_idx %arg7[%add3A_52, %add3A_275] : memref<128x128xf32, #tpu.memory_space<vmem>>[vector<16xi32>, vector<16xi32>], vector<16xf32>,
          tpu.vector_store_idx %arg11[%add3A_274, %add3A_52], %gather3A_276 : memref<64x128xf32, #tpu.memory_space<vmem>>[vector<16xi32>, vector<16xi32>], vector<16xf32>,
          %add3A_277 = arith.constant 48 : i32
          %add3A_278 = vector.broadcast %add3A_277 : i32 to vector<16xi32>
          %add3A_279 = arith.addi %and3A_162, %add3A_278 : vector<16xi32>
          %add3A_280 = arith.addi %get3A_132, %add3A_279 : vector<16xi32>
          %gather3A_281 = tpu.vector_load_idx %arg7[%add3A_52, %add3A_280] : memref<128x128xf32, #tpu.memory_space<vmem>>[vector<16xi32>, vector<16xi32>], vector<16xf32>,
          tpu.vector_store_idx %arg11[%add3A_279, %add3A_52], %gather3A_281 : memref<64x128xf32, #tpu.memory_space<vmem>>[vector<16xi32>, vector<16xi32>], vector<16xf32>,
          %add3A_282 = arith.constant 0 : i32
          %add3A_283 = vector.broadcast %add3A_282 : i32 to vector<16xi32>
          %add3A_284 = arith.addi %and3A_162, %add3A_283 : vector<16xi32>
          %add3A_285 = arith.addi %get3A_135, %add3A_284 : vector<16xi32>
          %gather3A_286 = tpu.vector_load_idx %arg7[%add3A_55, %add3A_285] : memref<128x128xf32, #tpu.memory_space<vmem>>[vector<16xi32>, vector<16xi32>], vector<16xf32>,
          tpu.vector_store_idx %arg11[%add3A_284, %add3A_55], %gather3A_286 : memref<64x128xf32, #tpu.memory_space<vmem>>[vector<16xi32>, vector<16xi32>], vector<16xf32>,
          %add3A_287 = arith.constant 16 : i32
          %add3A_288 = vector.broadcast %add3A_287 : i32 to vector<16xi32>
          %add3A_289 = arith.addi %and3A_162, %add3A_288 : vector<16xi32>
          %add3A_290 = arith.addi %get3A_135, %add3A_289 : vector<16xi32>
          %gather3A_291 = tpu.vector_load_idx %arg7[%add3A_55, %add3A_290] : memref<128x128xf32, #tpu.memory_space<vmem>>[vector<16xi32>, vector<16xi32>], vector<16xf32>,
          tpu.vector_store_idx %arg11[%add3A_289, %add3A_55], %gather3A_291 : memref<64x128xf32, #tpu.memory_space<vmem>>[vector<16xi32>, vector<16xi32>], vector<16xf32>,
          %add3A_292 = arith.constant 32 : i32
          %add3A_293 = vector.broadcast %add3A_292 : i32 to vector<16xi32>
          %add3A_294 = arith.addi %and3A_162, %add3A_293 : vector<16xi32>
          %add3A_295 = arith.addi %get3A_135, %add3A_294 : vector<16xi32>
          %gather3A_296 = tpu.vector_load_idx %arg7[%add3A_55, %add3A_295] : memref<128x128xf32, #tpu.memory_space<vmem>>[vector<16xi32>, vector<16xi32>], vector<16xf32>,
          tpu.vector_store_idx %arg11[%add3A_294, %add3A_55], %gather3A_296 : memref<64x128xf32, #tpu.memory_space<vmem>>[vector<16xi32>, vector<16xi32>], vector<16xf32>,
          %add3A_297 = arith.constant 48 : i32
          %add3A_298 = vector.broadcast %add3A_297 : i32 to vector<16xi32>
          %add3A_299 = arith.addi %and3A_162, %add3A_298 : vector<16xi32>
          %add3A_300 = arith.addi %get3A_135, %add3A_299 : vector<16xi32>
          %gather3A_301 = tpu.vector_load_idx %arg7[%add3A_55, %add3A_300] : memref<128x128xf32, #tpu.memory_space<vmem>>[vector<16xi32>, vector<16xi32>], vector<16xf32>,
          tpu.vector_store_idx %arg11[%add3A_299, %add3A_55], %gather3A_301 : memref<64x128xf32, #tpu.memory_space<vmem>>[vector<16xi32>, vector<16xi32>], vector<16xf32>,
          %add3A_302 = arith.constant 0 : i32
          %add3A_303 = vector.broadcast %add3A_302 : i32 to vector<16xi32>
          %add3A_304 = arith.addi %and3A_162, %add3A_303 : vector<16xi32>
          %add3A_305 = arith.addi %get3A_138, %add3A_304 : vector<16xi32>
          %gather3A_306 = tpu.vector_load_idx %arg7[%add3A_58, %add3A_305] : memref<128x128xf32, #tpu.memory_space<vmem>>[vector<16xi32>, vector<16xi32>], vector<16xf32>,
          tpu.vector_store_idx %arg11[%add3A_304, %add3A_58], %gather3A_306 : memref<64x128xf32, #tpu.memory_space<vmem>>[vector<16xi32>, vector<16xi32>], vector<16xf32>,
          %add3A_307 = arith.constant 16 : i32
          %add3A_308 = vector.broadcast %add3A_307 : i32 to vector<16xi32>
          %add3A_309 = arith.addi %and3A_162, %add3A_308 : vector<16xi32>
          %add3A_310 = arith.addi %get3A_138, %add3A_309 : vector<16xi32>
          %gather3A_311 = tpu.vector_load_idx %arg7[%add3A_58, %add3A_310] : memref<128x128xf32, #tpu.memory_space<vmem>>[vector<16xi32>, vector<16xi32>], vector<16xf32>,
          tpu.vector_store_idx %arg11[%add3A_309, %add3A_58], %gather3A_311 : memref<64x128xf32, #tpu.memory_space<vmem>>[vector<16xi32>, vector<16xi32>], vector<16xf32>,
          %add3A_312 = arith.constant 32 : i32
          %add3A_313 = vector.broadcast %add3A_312 : i32 to vector<16xi32>
          %add3A_314 = arith.addi %and3A_162, %add3A_313 : vector<16xi32>
          %add3A_315 = arith.addi %get3A_138, %add3A_314 : vector<16xi32>
          %gather3A_316 = tpu.vector_load_idx %arg7[%add3A_58, %add3A_315] : memref<128x128xf32, #tpu.memory_space<vmem>>[vector<16xi32>, vector<16xi32>], vector<16xf32>,
          tpu.vector_store_idx %arg11[%add3A_314, %add3A_58], %gather3A_316 : memref<64x128xf32, #tpu.memory_space<vmem>>[vector<16xi32>, vector<16xi32>], vector<16xf32>,
          %add3A_317 = arith.constant 48 : i32
          %add3A_318 = vector.broadcast %add3A_317 : i32 to vector<16xi32>
          %add3A_319 = arith.addi %and3A_162, %add3A_318 : vector<16xi32>
          %add3A_320 = arith.addi %get3A_138, %add3A_319 : vector<16xi32>
          %gather3A_321 = tpu.vector_load_idx %arg7[%add3A_58, %add3A_320] : memref<128x128xf32, #tpu.memory_space<vmem>>[vector<16xi32>, vector<16xi32>], vector<16xf32>,
          tpu.vector_store_idx %arg11[%add3A_319, %add3A_58], %gather3A_321 : memref<64x128xf32, #tpu.memory_space<vmem>>[vector<16xi32>, vector<16xi32>], vector<16xf32>,
        }
        %scan3A_144 = arith.constant 16 : i32
        %dma_start3A_145 = arith.constant 0 : i32
        %dma_start3A_146 = tpu.memref_slice %arg4[%add3A_82, %dma_start3A_145, %mul3A_2] : memref<50x64x4096xf32, #tpu.memory_space<hbm>> -> memref<1x64x128xf32, #tpu.memory_space<hbm>>
        %dma_start3A_147 = tpu.memref_squeeze %dma_start3A_146 : memref<1x64x128xf32, #tpu.memory_space<hbm>> -> memref<64x128xf32, #tpu.memory_space<hbm>>
        %dma_start3A_148 = arith.constant 0 : i32
        %dma_start3A_149 = tpu.memref_slice %arg4[%add3A_82, %dma_start3A_148, %mul3A_2] : memref<50x64x4096xf32, #tpu.memory_space<hbm>> -> memref<1x64x128xf32, #tpu.memory_space<hbm>>
        %dma_start3A_150 = tpu.memref_squeeze %dma_start3A_149 : memref<1x64x128xf32, #tpu.memory_space<hbm>> -> memref<64x128xf32, #tpu.memory_space<hbm>>
        tpu.enqueue_dma source(%arg11 : memref<64x128xf32, #tpu.memory_space<vmem>>) target(%dma_start3A_150 : memref<64x128xf32, #tpu.memory_space<hbm>>) target_semaphore(%arg17 : memref<!tpu.dma_semaphore, #tpu.memory_space<semaphore_mem>>)
        %add3A_151 = arith.constant 4 : i32
        %add3A_152 = arith.addi %add3A_82, %add3A_151 : i32
        %lt3A_153 = arith.constant 50 : i32
        %lt3A_154 = arith.cmpi slt, %add3A_152, %lt3A_153 : i32
        %convert_element_type3A_155 = arith.extui %lt3A_154 : i1 to i32
        %cond3A_156 = arith.constant 0 : i32
        %cond3A_157 = arith.cmpi ne, %convert_element_type3A_155, %cond3A_156 : i32
        scf.if %cond3A_157 {
          %add3A_158 = arith.constant 4 : i32
          %add3A_159 = arith.addi %add3A_82, %add3A_158 : i32
          %dma_start3A_160 = arith.constant 0 : i32
          %dma_start3A_161 = tpu.memref_slice %arg5[%add3A_159, %dma_start3A_160] : memref<50x128xi32, #tpu.memory_space<vmem>> -> memref<1x128xi32, #tpu.memory_space<vmem>>
          %dma_start3A_162 = tpu.memref_squeeze %dma_start3A_161 : memref<1x128xi32, #tpu.memory_space<vmem>> -> memref<128xi32, #tpu.memory_space<vmem>>
          %dma_start3A_163 = arith.constant 0 : i32
          %dma_start3A_164 = arith.constant 0 : i32
          %dma_start3A_165 = tpu.memref_slice %arg3[%dma_start3A_163, %dma_start3A_164] : memref<500000x128xf32, #tpu.memory_space<hbm>> -> memref<500000x128xf32, #tpu.memory_space<hbm>>
          tpu.enqueue_indirect_dma source(%dma_start3A_165 : memref<500000x128xf32, #tpu.memory_space<hbm>>) target(%arg7 : memref<128x128xf32, #tpu.memory_space<vmem>>) offsets(%dma_start3A_162 : memref<128xi32, #tpu.memory_space<vmem>>) semaphore(%arg13 : memref<!tpu.dma_semaphore, #tpu.memory_space<semaphore_mem>>)
        } else {
        }
      } else {
      }
      %add3A_85 = arith.constant 1 : i32
      %add3A_86 = arith.addi %mul3A_80, %add3A_85 : i32
      %lt3A_87 = arith.constant 50 : i32
      %lt3A_88 = arith.cmpi slt, %add3A_86, %lt3A_87 : i32
      %convert_element_type3A_89 = arith.extui %lt3A_88 : i1 to i32
      %cond3A_90 = arith.constant 0 : i32
      %cond3A_91 = arith.cmpi ne, %convert_element_type3A_89, %cond3A_90 : i32
      scf.if %cond3A_91 {
        %dma_wait3A_106 = arith.constant 0 : i32
        %dma_wait3A_107 = tpu.memref_slice %arg5[%add3A_86, %dma_wait3A_106] : memref<50x128xi32, #tpu.memory_space<vmem>> -> memref<1x128xi32, #tpu.memory_space<vmem>>
        %dma_wait3A_108 = tpu.memref_squeeze %dma_wait3A_107 : memref<1x128xi32, #tpu.memory_space<vmem>> -> memref<128xi32, #tpu.memory_space<vmem>>
        %dma_wait3A_109 = arith.constant 0 : i32
        %dma_wait3A_110 = arith.constant 0 : i32
        %dma_wait3A_111 = tpu.memref_slice %arg3[%dma_wait3A_109, %dma_wait3A_110] : memref<500000x128xf32, #tpu.memory_space<hbm>> -> memref<500000x128xf32, #tpu.memory_space<hbm>>
        tpu.wait_indirect_dma semaphore(%arg14 : memref<!tpu.dma_semaphore, #tpu.memory_space<semaphore_mem>>) src(%dma_wait3A_111 : memref<500000x128xf32, #tpu.memory_space<hbm>>) dst(%arg8 : memref<128x128xf32, #tpu.memory_space<vmem>>)
        %ge3A = arith.constant 2 : i32
        %ge3A_112 = arith.cmpi sge, %add3A_86, %ge3A : i32
        %convert_element_type3A_113 = arith.extui %ge3A_112 : i1 to i32
        %cond3A_114 = arith.constant 0 : i32
        %cond3A_115 = arith.cmpi ne, %convert_element_type3A_113, %cond3A_114 : i32
        scf.if %cond3A_115 {
          %sub3A = arith.constant 2 : i32
          %sub3A_158 = arith.subi %add3A_86, %sub3A : i32
          %dma_wait3A_159 = arith.constant 0 : i32
          %dma_wait3A_160 = tpu.memref_slice %arg4[%sub3A_158, %dma_wait3A_159, %mul3A_2] : memref<50x64x4096xf32, #tpu.memory_space<hbm>> -> memref<1x64x128xf32, #tpu.memory_space<hbm>>
          %dma_wait3A_161 = tpu.memref_squeeze %dma_wait3A_160 : memref<1x64x128xf32, #tpu.memory_space<hbm>> -> memref<64x128xf32, #tpu.memory_space<hbm>>
          %dma_wait3A_162 = arith.constant 0 : i32
          %dma_wait3A_163 = tpu.memref_slice %arg4[%sub3A_158, %dma_wait3A_162, %mul3A_2] : memref<50x64x4096xf32, #tpu.memory_space<hbm>> -> memref<1x64x128xf32, #tpu.memory_space<hbm>>
          %dma_wait3A_164 = tpu.memref_squeeze %dma_wait3A_163 : memref<1x64x128xf32, #tpu.memory_space<hbm>> -> memref<64x128xf32, #tpu.memory_space<hbm>>
          tpu.wait_dma2 semaphore(%arg18 : memref<!tpu.dma_semaphore, #tpu.memory_space<semaphore_mem>>) src(%arg12 : memref<64x128xf32, #tpu.memory_space<vmem>>) dst(%dma_wait3A_164 : memref<64x128xf32, #tpu.memory_space<hbm>>)
        } else {
        }
        %get3A = arith.index_cast %add3A_86 : i32 to index
        %get3A_116 = arith.constant 0 : index
        %get3A_117 = tpu.vector_load %arg6[%get3A, %get3A_116] {strides = array<i32>} : memref<50x128xi32, #tpu.memory_space<vmem>>, vector<16xi32>,
        %get3A_118 = arith.index_cast %add3A_86 : i32 to index
        %get3A_119 = arith.constant 16 : index
        %get3A_120 = tpu.vector_load %arg6[%get3A_118, %get3A_119] {strides = array<i32>} : memref<50x128xi32, #tpu.memory_space<vmem>>, vector<16xi32>,
        %get3A_121 = arith.index_cast %add3A_86 : i32 to index
        %get3A_122 = arith.constant 32 : index
        %get3A_123 = tpu.vector_load %arg6[%get3A_121, %get3A_122] {strides = array<i32>} : memref<50x128xi32, #tpu.memory_space<vmem>>, vector<16xi32>,
        %get3A_124 = arith.index_cast %add3A_86 : i32 to index
        %get3A_125 = arith.constant 48 : index
        %get3A_126 = tpu.vector_load %arg6[%get3A_124, %get3A_125] {strides = array<i32>} : memref<50x128xi32, #tpu.memory_space<vmem>>, vector<16xi32>,
        %get3A_127 = arith.index_cast %add3A_86 : i32 to index
        %get3A_128 = arith.constant 64 : index
        %get3A_129 = tpu.vector_load %arg6[%get3A_127, %get3A_128] {strides = array<i32>} : memref<50x128xi32, #tpu.memory_space<vmem>>, vector<16xi32>,
        %get3A_130 = arith.index_cast %add3A_86 : i32 to index
        %get3A_131 = arith.constant 80 : index
        %get3A_132 = tpu.vector_load %arg6[%get3A_130, %get3A_131] {strides = array<i32>} : memref<50x128xi32, #tpu.memory_space<vmem>>, vector<16xi32>,
        %get3A_133 = arith.index_cast %add3A_86 : i32 to index
        %get3A_134 = arith.constant 96 : index
        %get3A_135 = tpu.vector_load %arg6[%get3A_133, %get3A_134] {strides = array<i32>} : memref<50x128xi32, #tpu.memory_space<vmem>>, vector<16xi32>,
        %get3A_136 = arith.index_cast %add3A_86 : i32 to index
        %get3A_137 = arith.constant 112 : index
        %get3A_138 = tpu.vector_load %arg6[%get3A_136, %get3A_137] {strides = array<i32>} : memref<50x128xi32, #tpu.memory_space<vmem>>, vector<16xi32>,
        %scan3A_139 = arith.constant 0 : i32
        %scan3A_140 = arith.constant 0 : i32
        %scan3A_141 = arith.constant 16 : i32
        %scan3A_142 = arith.addi %scan3A_140, %scan3A_141 : i32
        %scan3A_143 = arith.constant 1 : i32
        scf.for %scan3A_158 = %scan3A_140 to %scan3A_142 step %scan3A_143  : i32 {
          %add3A_159 = vector.broadcast %scan3A_158 : i32 to vector<16xi32>
          %add3A_160 = arith.addi %iota3A, %add3A_159 : vector<16xi32>
          %and3A = arith.constant 15 : i32
          %and3A_161 = vector.broadcast %and3A : i32 to vector<16xi32>
          %and3A_162 = arith.andi %add3A_160, %and3A_161 : vector<16xi32>
          %add3A_163 = arith.constant 0 : i32
          %add3A_164 = vector.broadcast %add3A_163 : i32 to vector<16xi32>
          %add3A_165 = arith.addi %and3A_162, %add3A_164 : vector<16xi32>
          %add3A_166 = arith.addi %get3A_117, %add3A_165 : vector<16xi32>
          %gather3A = tpu.vector_load_idx %arg8[%add3A_37, %add3A_166] : memref<128x128xf32, #tpu.memory_space<vmem>>[vector<16xi32>, vector<16xi32>], vector<16xf32>,
          tpu.vector_store_idx %arg12[%add3A_165, %add3A_37], %gather3A : memref<64x128xf32, #tpu.memory_space<vmem>>[vector<16xi32>, vector<16xi32>], vector<16xf32>,
          %add3A_167 = arith.constant 16 : i32
          %add3A_168 = vector.broadcast %add3A_167 : i32 to vector<16xi32>
          %add3A_169 = arith.addi %and3A_162, %add3A_168 : vector<16xi32>
          %add3A_170 = arith.addi %get3A_117, %add3A_169 : vector<16xi32>
          %gather3A_171 = tpu.vector_load_idx %arg8[%add3A_37, %add3A_170] : memref<128x128xf32, #tpu.memory_space<vmem>>[vector<16xi32>, vector<16xi32>], vector<16xf32>,
          tpu.vector_store_idx %arg12[%add3A_169, %add3A_37], %gather3A_171 : memref<64x128xf32, #tpu.memory_space<vmem>>[vector<16xi32>, vector<16xi32>], vector<16xf32>,
          %add3A_172 = arith.constant 32 : i32
          %add3A_173 = vector.broadcast %add3A_172 : i32 to vector<16xi32>
          %add3A_174 = arith.addi %and3A_162, %add3A_173 : vector<16xi32>
          %add3A_175 = arith.addi %get3A_117, %add3A_174 : vector<16xi32>
          %gather3A_176 = tpu.vector_load_idx %arg8[%add3A_37, %add3A_175] : memref<128x128xf32, #tpu.memory_space<vmem>>[vector<16xi32>, vector<16xi32>], vector<16xf32>,
          tpu.vector_store_idx %arg12[%add3A_174, %add3A_37], %gather3A_176 : memref<64x128xf32, #tpu.memory_space<vmem>>[vector<16xi32>, vector<16xi32>], vector<16xf32>,
          %add3A_177 = arith.constant 48 : i32
          %add3A_178 = vector.broadcast %add3A_177 : i32 to vector<16xi32>
          %add3A_179 = arith.addi %and3A_162, %add3A_178 : vector<16xi32>
          %add3A_180 = arith.addi %get3A_117, %add3A_179 : vector<16xi32>
          %gather3A_181 = tpu.vector_load_idx %arg8[%add3A_37, %add3A_180] : memref<128x128xf32, #tpu.memory_space<vmem>>[vector<16xi32>, vector<16xi32>], vector<16xf32>,
          tpu.vector_store_idx %arg12[%add3A_179, %add3A_37], %gather3A_181 : memref<64x128xf32, #tpu.memory_space<vmem>>[vector<16xi32>, vector<16xi32>], vector<16xf32>,
          %add3A_182 = arith.constant 0 : i32
          %add3A_183 = vector.broadcast %add3A_182 : i32 to vector<16xi32>
          %add3A_184 = arith.addi %and3A_162, %add3A_183 : vector<16xi32>
          %add3A_185 = arith.addi %get3A_120, %add3A_184 : vector<16xi32>
          %gather3A_186 = tpu.vector_load_idx %arg8[%add3A_40, %add3A_185] : memref<128x128xf32, #tpu.memory_space<vmem>>[vector<16xi32>, vector<16xi32>], vector<16xf32>,
          tpu.vector_store_idx %arg12[%add3A_184, %add3A_40], %gather3A_186 : memref<64x128xf32, #tpu.memory_space<vmem>>[vector<16xi32>, vector<16xi32>], vector<16xf32>,
          %add3A_187 = arith.constant 16 : i32
          %add3A_188 = vector.broadcast %add3A_187 : i32 to vector<16xi32>
          %add3A_189 = arith.addi %and3A_162, %add3A_188 : vector<16xi32>
          %add3A_190 = arith.addi %get3A_120, %add3A_189 : vector<16xi32>
          %gather3A_191 = tpu.vector_load_idx %arg8[%add3A_40, %add3A_190] : memref<128x128xf32, #tpu.memory_space<vmem>>[vector<16xi32>, vector<16xi32>], vector<16xf32>,
          tpu.vector_store_idx %arg12[%add3A_189, %add3A_40], %gather3A_191 : memref<64x128xf32, #tpu.memory_space<vmem>>[vector<16xi32>, vector<16xi32>], vector<16xf32>,
          %add3A_192 = arith.constant 32 : i32
          %add3A_193 = vector.broadcast %add3A_192 : i32 to vector<16xi32>
          %add3A_194 = arith.addi %and3A_162, %add3A_193 : vector<16xi32>
          %add3A_195 = arith.addi %get3A_120, %add3A_194 : vector<16xi32>
          %gather3A_196 = tpu.vector_load_idx %arg8[%add3A_40, %add3A_195] : memref<128x128xf32, #tpu.memory_space<vmem>>[vector<16xi32>, vector<16xi32>], vector<16xf32>,
          tpu.vector_store_idx %arg12[%add3A_194, %add3A_40], %gather3A_196 : memref<64x128xf32, #tpu.memory_space<vmem>>[vector<16xi32>, vector<16xi32>], vector<16xf32>,
          %add3A_197 = arith.constant 48 : i32
          %add3A_198 = vector.broadcast %add3A_197 : i32 to vector<16xi32>
          %add3A_199 = arith.addi %and3A_162, %add3A_198 : vector<16xi32>
          %add3A_200 = arith.addi %get3A_120, %add3A_199 : vector<16xi32>
          %gather3A_201 = tpu.vector_load_idx %arg8[%add3A_40, %add3A_200] : memref<128x128xf32, #tpu.memory_space<vmem>>[vector<16xi32>, vector<16xi32>], vector<16xf32>,
          tpu.vector_store_idx %arg12[%add3A_199, %add3A_40], %gather3A_201 : memref<64x128xf32, #tpu.memory_space<vmem>>[vector<16xi32>, vector<16xi32>], vector<16xf32>,
          %add3A_202 = arith.constant 0 : i32
          %add3A_203 = vector.broadcast %add3A_202 : i32 to vector<16xi32>
          %add3A_204 = arith.addi %and3A_162, %add3A_203 : vector<16xi32>
          %add3A_205 = arith.addi %get3A_123, %add3A_204 : vector<16xi32>
          %gather3A_206 = tpu.vector_load_idx %arg8[%add3A_43, %add3A_205] : memref<128x128xf32, #tpu.memory_space<vmem>>[vector<16xi32>, vector<16xi32>], vector<16xf32>,
          tpu.vector_store_idx %arg12[%add3A_204, %add3A_43], %gather3A_206 : memref<64x128xf32, #tpu.memory_space<vmem>>[vector<16xi32>, vector<16xi32>], vector<16xf32>,
          %add3A_207 = arith.constant 16 : i32
          %add3A_208 = vector.broadcast %add3A_207 : i32 to vector<16xi32>
          %add3A_209 = arith.addi %and3A_162, %add3A_208 : vector<16xi32>
          %add3A_210 = arith.addi %get3A_123, %add3A_209 : vector<16xi32>
          %gather3A_211 = tpu.vector_load_idx %arg8[%add3A_43, %add3A_210] : memref<128x128xf32, #tpu.memory_space<vmem>>[vector<16xi32>, vector<16xi32>], vector<16xf32>,
          tpu.vector_store_idx %arg12[%add3A_209, %add3A_43], %gather3A_211 : memref<64x128xf32, #tpu.memory_space<vmem>>[vector<16xi32>, vector<16xi32>], vector<16xf32>,
          %add3A_212 = arith.constant 32 : i32
          %add3A_213 = vector.broadcast %add3A_212 : i32 to vector<16xi32>
          %add3A_214 = arith.addi %and3A_162, %add3A_213 : vector<16xi32>
          %add3A_215 = arith.addi %get3A_123, %add3A_214 : vector<16xi32>
          %gather3A_216 = tpu.vector_load_idx %arg8[%add3A_43, %add3A_215] : memref<128x128xf32, #tpu.memory_space<vmem>>[vector<16xi32>, vector<16xi32>], vector<16xf32>,
          tpu.vector_store_idx %arg12[%add3A_214, %add3A_43], %gather3A_216 : memref<64x128xf32, #tpu.memory_space<vmem>>[vector<16xi32>, vector<16xi32>], vector<16xf32>,
          %add3A_217 = arith.constant 48 : i32
          %add3A_218 = vector.broadcast %add3A_217 : i32 to vector<16xi32>
          %add3A_219 = arith.addi %and3A_162, %add3A_218 : vector<16xi32>
          %add3A_220 = arith.addi %get3A_123, %add3A_219 : vector<16xi32>
          %gather3A_221 = tpu.vector_load_idx %arg8[%add3A_43, %add3A_220] : memref<128x128xf32, #tpu.memory_space<vmem>>[vector<16xi32>, vector<16xi32>], vector<16xf32>,
          tpu.vector_store_idx %arg12[%add3A_219, %add3A_43], %gather3A_221 : memref<64x128xf32, #tpu.memory_space<vmem>>[vector<16xi32>, vector<16xi32>], vector<16xf32>,
          %add3A_222 = arith.constant 0 : i32
          %add3A_223 = vector.broadcast %add3A_222 : i32 to vector<16xi32>
          %add3A_224 = arith.addi %and3A_162, %add3A_223 : vector<16xi32>
          %add3A_225 = arith.addi %get3A_126, %add3A_224 : vector<16xi32>
          %gather3A_226 = tpu.vector_load_idx %arg8[%add3A_46, %add3A_225] : memref<128x128xf32, #tpu.memory_space<vmem>>[vector<16xi32>, vector<16xi32>], vector<16xf32>,
          tpu.vector_store_idx %arg12[%add3A_224, %add3A_46], %gather3A_226 : memref<64x128xf32, #tpu.memory_space<vmem>>[vector<16xi32>, vector<16xi32>], vector<16xf32>,
          %add3A_227 = arith.constant 16 : i32
          %add3A_228 = vector.broadcast %add3A_227 : i32 to vector<16xi32>
          %add3A_229 = arith.addi %and3A_162, %add3A_228 : vector<16xi32>
          %add3A_230 = arith.addi %get3A_126, %add3A_229 : vector<16xi32>
          %gather3A_231 = tpu.vector_load_idx %arg8[%add3A_46, %add3A_230] : memref<128x128xf32, #tpu.memory_space<vmem>>[vector<16xi32>, vector<16xi32>], vector<16xf32>,
          tpu.vector_store_idx %arg12[%add3A_229, %add3A_46], %gather3A_231 : memref<64x128xf32, #tpu.memory_space<vmem>>[vector<16xi32>, vector<16xi32>], vector<16xf32>,
          %add3A_232 = arith.constant 32 : i32
          %add3A_233 = vector.broadcast %add3A_232 : i32 to vector<16xi32>
          %add3A_234 = arith.addi %and3A_162, %add3A_233 : vector<16xi32>
          %add3A_235 = arith.addi %get3A_126, %add3A_234 : vector<16xi32>
          %gather3A_236 = tpu.vector_load_idx %arg8[%add3A_46, %add3A_235] : memref<128x128xf32, #tpu.memory_space<vmem>>[vector<16xi32>, vector<16xi32>], vector<16xf32>,
          tpu.vector_store_idx %arg12[%add3A_234, %add3A_46], %gather3A_236 : memref<64x128xf32, #tpu.memory_space<vmem>>[vector<16xi32>, vector<16xi32>], vector<16xf32>,
          %add3A_237 = arith.constant 48 : i32
          %add3A_238 = vector.broadcast %add3A_237 : i32 to vector<16xi32>
          %add3A_239 = arith.addi %and3A_162, %add3A_238 : vector<16xi32>
          %add3A_240 = arith.addi %get3A_126, %add3A_239 : vector<16xi32>
          %gather3A_241 = tpu.vector_load_idx %arg8[%add3A_46, %add3A_240] : memref<128x128xf32, #tpu.memory_space<vmem>>[vector<16xi32>, vector<16xi32>], vector<16xf32>,
          tpu.vector_store_idx %arg12[%add3A_239, %add3A_46], %gather3A_241 : memref<64x128xf32, #tpu.memory_space<vmem>>[vector<16xi32>, vector<16xi32>], vector<16xf32>,
          %add3A_242 = arith.constant 0 : i32
          %add3A_243 = vector.broadcast %add3A_242 : i32 to vector<16xi32>
          %add3A_244 = arith.addi %and3A_162, %add3A_243 : vector<16xi32>
          %add3A_245 = arith.addi %get3A_129, %add3A_244 : vector<16xi32>
          %gather3A_246 = tpu.vector_load_idx %arg8[%add3A_49, %add3A_245] : memref<128x128xf32, #tpu.memory_space<vmem>>[vector<16xi32>, vector<16xi32>], vector<16xf32>,
          tpu.vector_store_idx %arg12[%add3A_244, %add3A_49], %gather3A_246 : memref<64x128xf32, #tpu.memory_space<vmem>>[vector<16xi32>, vector<16xi32>], vector<16xf32>,
          %add3A_247 = arith.constant 16 : i32
          %add3A_248 = vector.broadcast %add3A_247 : i32 to vector<16xi32>
          %add3A_249 = arith.addi %and3A_162, %add3A_248 : vector<16xi32>
          %add3A_250 = arith.addi %get3A_129, %add3A_249 : vector<16xi32>
          %gather3A_251 = tpu.vector_load_idx %arg8[%add3A_49, %add3A_250] : memref<128x128xf32, #tpu.memory_space<vmem>>[vector<16xi32>, vector<16xi32>], vector<16xf32>,
          tpu.vector_store_idx %arg12[%add3A_249, %add3A_49], %gather3A_251 : memref<64x128xf32, #tpu.memory_space<vmem>>[vector<16xi32>, vector<16xi32>], vector<16xf32>,
          %add3A_252 = arith.constant 32 : i32
          %add3A_253 = vector.broadcast %add3A_252 : i32 to vector<16xi32>
          %add3A_254 = arith.addi %and3A_162, %add3A_253 : vector<16xi32>
          %add3A_255 = arith.addi %get3A_129, %add3A_254 : vector<16xi32>
          %gather3A_256 = tpu.vector_load_idx %arg8[%add3A_49, %add3A_255] : memref<128x128xf32, #tpu.memory_space<vmem>>[vector<16xi32>, vector<16xi32>], vector<16xf32>,
          tpu.vector_store_idx %arg12[%add3A_254, %add3A_49], %gather3A_256 : memref<64x128xf32, #tpu.memory_space<vmem>>[vector<16xi32>, vector<16xi32>], vector<16xf32>,
          %add3A_257 = arith.constant 48 : i32
          %add3A_258 = vector.broadcast %add3A_257 : i32 to vector<16xi32>
          %add3A_259 = arith.addi %and3A_162, %add3A_258 : vector<16xi32>
          %add3A_260 = arith.addi %get3A_129, %add3A_259 : vector<16xi32>
          %gather3A_261 = tpu.vector_load_idx %arg8[%add3A_49, %add3A_260] : memref<128x128xf32, #tpu.memory_space<vmem>>[vector<16xi32>, vector<16xi32>], vector<16xf32>,
          tpu.vector_store_idx %arg12[%add3A_259, %add3A_49], %gather3A_261 : memref<64x128xf32, #tpu.memory_space<vmem>>[vector<16xi32>, vector<16xi32>], vector<16xf32>,
          %add3A_262 = arith.constant 0 : i32
          %add3A_263 = vector.broadcast %add3A_262 : i32 to vector<16xi32>
          %add3A_264 = arith.addi %and3A_162, %add3A_263 : vector<16xi32>
          %add3A_265 = arith.addi %get3A_132, %add3A_264 : vector<16xi32>
          %gather3A_266 = tpu.vector_load_idx %arg8[%add3A_52, %add3A_265] : memref<128x128xf32, #tpu.memory_space<vmem>>[vector<16xi32>, vector<16xi32>], vector<16xf32>,
          tpu.vector_store_idx %arg12[%add3A_264, %add3A_52], %gather3A_266 : memref<64x128xf32, #tpu.memory_space<vmem>>[vector<16xi32>, vector<16xi32>], vector<16xf32>,
          %add3A_267 = arith.constant 16 : i32
          %add3A_268 = vector.broadcast %add3A_267 : i32 to vector<16xi32>
          %add3A_269 = arith.addi %and3A_162, %add3A_268 : vector<16xi32>
          %add3A_270 = arith.addi %get3A_132, %add3A_269 : vector<16xi32>
          %gather3A_271 = tpu.vector_load_idx %arg8[%add3A_52, %add3A_270] : memref<128x128xf32, #tpu.memory_space<vmem>>[vector<16xi32>, vector<16xi32>], vector<16xf32>,
          tpu.vector_store_idx %arg12[%add3A_269, %add3A_52], %gather3A_271 : memref<64x128xf32, #tpu.memory_space<vmem>>[vector<16xi32>, vector<16xi32>], vector<16xf32>,
          %add3A_272 = arith.constant 32 : i32
          %add3A_273 = vector.broadcast %add3A_272 : i32 to vector<16xi32>
          %add3A_274 = arith.addi %and3A_162, %add3A_273 : vector<16xi32>
          %add3A_275 = arith.addi %get3A_132, %add3A_274 : vector<16xi32>
          %gather3A_276 = tpu.vector_load_idx %arg8[%add3A_52, %add3A_275] : memref<128x128xf32, #tpu.memory_space<vmem>>[vector<16xi32>, vector<16xi32>], vector<16xf32>,
          tpu.vector_store_idx %arg12[%add3A_274, %add3A_52], %gather3A_276 : memref<64x128xf32, #tpu.memory_space<vmem>>[vector<16xi32>, vector<16xi32>], vector<16xf32>,
          %add3A_277 = arith.constant 48 : i32
          %add3A_278 = vector.broadcast %add3A_277 : i32 to vector<16xi32>
          %add3A_279 = arith.addi %and3A_162, %add3A_278 : vector<16xi32>
          %add3A_280 = arith.addi %get3A_132, %add3A_279 : vector<16xi32>
          %gather3A_281 = tpu.vector_load_idx %arg8[%add3A_52, %add3A_280] : memref<128x128xf32, #tpu.memory_space<vmem>>[vector<16xi32>, vector<16xi32>], vector<16xf32>,
          tpu.vector_store_idx %arg12[%add3A_279, %add3A_52], %gather3A_281 : memref<64x128xf32, #tpu.memory_space<vmem>>[vector<16xi32>, vector<16xi32>], vector<16xf32>,
          %add3A_282 = arith.constant 0 : i32
          %add3A_283 = vector.broadcast %add3A_282 : i32 to vector<16xi32>
          %add3A_284 = arith.addi %and3A_162, %add3A_283 : vector<16xi32>
          %add3A_285 = arith.addi %get3A_135, %add3A_284 : vector<16xi32>
          %gather3A_286 = tpu.vector_load_idx %arg8[%add3A_55, %add3A_285] : memref<128x128xf32, #tpu.memory_space<vmem>>[vector<16xi32>, vector<16xi32>], vector<16xf32>,
          tpu.vector_store_idx %arg12[%add3A_284, %add3A_55], %gather3A_286 : memref<64x128xf32, #tpu.memory_space<vmem>>[vector<16xi32>, vector<16xi32>], vector<16xf32>,
          %add3A_287 = arith.constant 16 : i32
          %add3A_288 = vector.broadcast %add3A_287 : i32 to vector<16xi32>
          %add3A_289 = arith.addi %and3A_162, %add3A_288 : vector<16xi32>
          %add3A_290 = arith.addi %get3A_135, %add3A_289 : vector<16xi32>
          %gather3A_291 = tpu.vector_load_idx %arg8[%add3A_55, %add3A_290] : memref<128x128xf32, #tpu.memory_space<vmem>>[vector<16xi32>, vector<16xi32>], vector<16xf32>,
          tpu.vector_store_idx %arg12[%add3A_289, %add3A_55], %gather3A_291 : memref<64x128xf32, #tpu.memory_space<vmem>>[vector<16xi32>, vector<16xi32>], vector<16xf32>,
          %add3A_292 = arith.constant 32 : i32
          %add3A_293 = vector.broadcast %add3A_292 : i32 to vector<16xi32>
          %add3A_294 = arith.addi %and3A_162, %add3A_293 : vector<16xi32>
          %add3A_295 = arith.addi %get3A_135, %add3A_294 : vector<16xi32>
          %gather3A_296 = tpu.vector_load_idx %arg8[%add3A_55, %add3A_295] : memref<128x128xf32, #tpu.memory_space<vmem>>[vector<16xi32>, vector<16xi32>], vector<16xf32>,
          tpu.vector_store_idx %arg12[%add3A_294, %add3A_55], %gather3A_296 : memref<64x128xf32, #tpu.memory_space<vmem>>[vector<16xi32>, vector<16xi32>], vector<16xf32>,
          %add3A_297 = arith.constant 48 : i32
          %add3A_298 = vector.broadcast %add3A_297 : i32 to vector<16xi32>
          %add3A_299 = arith.addi %and3A_162, %add3A_298 : vector<16xi32>
          %add3A_300 = arith.addi %get3A_135, %add3A_299 : vector<16xi32>
          %gather3A_301 = tpu.vector_load_idx %arg8[%add3A_55, %add3A_300] : memref<128x128xf32, #tpu.memory_space<vmem>>[vector<16xi32>, vector<16xi32>], vector<16xf32>,
          tpu.vector_store_idx %arg12[%add3A_299, %add3A_55], %gather3A_301 : memref<64x128xf32, #tpu.memory_space<vmem>>[vector<16xi32>, vector<16xi32>], vector<16xf32>,
          %add3A_302 = arith.constant 0 : i32
          %add3A_303 = vector.broadcast %add3A_302 : i32 to vector<16xi32>
          %add3A_304 = arith.addi %and3A_162, %add3A_303 : vector<16xi32>
          %add3A_305 = arith.addi %get3A_138, %add3A_304 : vector<16xi32>
          %gather3A_306 = tpu.vector_load_idx %arg8[%add3A_58, %add3A_305] : memref<128x128xf32, #tpu.memory_space<vmem>>[vector<16xi32>, vector<16xi32>], vector<16xf32>,
          tpu.vector_store_idx %arg12[%add3A_304, %add3A_58], %gather3A_306 : memref<64x128xf32, #tpu.memory_space<vmem>>[vector<16xi32>, vector<16xi32>], vector<16xf32>,
          %add3A_307 = arith.constant 16 : i32
          %add3A_308 = vector.broadcast %add3A_307 : i32 to vector<16xi32>
          %add3A_309 = arith.addi %and3A_162, %add3A_308 : vector<16xi32>
          %add3A_310 = arith.addi %get3A_138, %add3A_309 : vector<16xi32>
          %gather3A_311 = tpu.vector_load_idx %arg8[%add3A_58, %add3A_310] : memref<128x128xf32, #tpu.memory_space<vmem>>[vector<16xi32>, vector<16xi32>], vector<16xf32>,
          tpu.vector_store_idx %arg12[%add3A_309, %add3A_58], %gather3A_311 : memref<64x128xf32, #tpu.memory_space<vmem>>[vector<16xi32>, vector<16xi32>], vector<16xf32>,
          %add3A_312 = arith.constant 32 : i32
          %add3A_313 = vector.broadcast %add3A_312 : i32 to vector<16xi32>
          %add3A_314 = arith.addi %and3A_162, %add3A_313 : vector<16xi32>
          %add3A_315 = arith.addi %get3A_138, %add3A_314 : vector<16xi32>
          %gather3A_316 = tpu.vector_load_idx %arg8[%add3A_58, %add3A_315] : memref<128x128xf32, #tpu.memory_space<vmem>>[vector<16xi32>, vector<16xi32>], vector<16xf32>,
          tpu.vector_store_idx %arg12[%add3A_314, %add3A_58], %gather3A_316 : memref<64x128xf32, #tpu.memory_space<vmem>>[vector<16xi32>, vector<16xi32>], vector<16xf32>,
          %add3A_317 = arith.constant 48 : i32
          %add3A_318 = vector.broadcast %add3A_317 : i32 to vector<16xi32>
          %add3A_319 = arith.addi %and3A_162, %add3A_318 : vector<16xi32>
          %add3A_320 = arith.addi %get3A_138, %add3A_319 : vector<16xi32>
          %gather3A_321 = tpu.vector_load_idx %arg8[%add3A_58, %add3A_320] : memref<128x128xf32, #tpu.memory_space<vmem>>[vector<16xi32>, vector<16xi32>], vector<16xf32>,
          tpu.vector_store_idx %arg12[%add3A_319, %add3A_58], %gather3A_321 : memref<64x128xf32, #tpu.memory_space<vmem>>[vector<16xi32>, vector<16xi32>], vector<16xf32>,
        }
        %scan3A_144 = arith.constant 16 : i32
        %dma_start3A_145 = arith.constant 0 : i32
        %dma_start3A_146 = tpu.memref_slice %arg4[%add3A_86, %dma_start3A_145, %mul3A_2] : memref<50x64x4096xf32, #tpu.memory_space<hbm>> -> memref<1x64x128xf32, #tpu.memory_space<hbm>>
        %dma_start3A_147 = tpu.memref_squeeze %dma_start3A_146 : memref<1x64x128xf32, #tpu.memory_space<hbm>> -> memref<64x128xf32, #tpu.memory_space<hbm>>
        %dma_start3A_148 = arith.constant 0 : i32
        %dma_start3A_149 = tpu.memref_slice %arg4[%add3A_86, %dma_start3A_148, %mul3A_2] : memref<50x64x4096xf32, #tpu.memory_space<hbm>> -> memref<1x64x128xf32, #tpu.memory_space<hbm>>
        %dma_start3A_150 = tpu.memref_squeeze %dma_start3A_149 : memref<1x64x128xf32, #tpu.memory_space<hbm>> -> memref<64x128xf32, #tpu.memory_space<hbm>>
        tpu.enqueue_dma source(%arg12 : memref<64x128xf32, #tpu.memory_space<vmem>>) target(%dma_start3A_150 : memref<64x128xf32, #tpu.memory_space<hbm>>) target_semaphore(%arg18 : memref<!tpu.dma_semaphore, #tpu.memory_space<semaphore_mem>>)
        %add3A_151 = arith.constant 4 : i32
        %add3A_152 = arith.addi %add3A_86, %add3A_151 : i32
        %lt3A_153 = arith.constant 50 : i32
        %lt3A_154 = arith.cmpi slt, %add3A_152, %lt3A_153 : i32
        %convert_element_type3A_155 = arith.extui %lt3A_154 : i1 to i32
        %cond3A_156 = arith.constant 0 : i32
        %cond3A_157 = arith.cmpi ne, %convert_element_type3A_155, %cond3A_156 : i32
        scf.if %cond3A_157 {
          %add3A_158 = arith.constant 4 : i32
          %add3A_159 = arith.addi %add3A_86, %add3A_158 : i32
          %dma_start3A_160 = arith.constant 0 : i32
          %dma_start3A_161 = tpu.memref_slice %arg5[%add3A_159, %dma_start3A_160] : memref<50x128xi32, #tpu.memory_space<vmem>> -> memref<1x128xi32, #tpu.memory_space<vmem>>
          %dma_start3A_162 = tpu.memref_squeeze %dma_start3A_161 : memref<1x128xi32, #tpu.memory_space<vmem>> -> memref<128xi32, #tpu.memory_space<vmem>>
          %dma_start3A_163 = arith.constant 0 : i32
          %dma_start3A_164 = arith.constant 0 : i32
          %dma_start3A_165 = tpu.memref_slice %arg3[%dma_start3A_163, %dma_start3A_164] : memref<500000x128xf32, #tpu.memory_space<hbm>> -> memref<500000x128xf32, #tpu.memory_space<hbm>>
          tpu.enqueue_indirect_dma source(%dma_start3A_165 : memref<500000x128xf32, #tpu.memory_space<hbm>>) target(%arg8 : memref<128x128xf32, #tpu.memory_space<vmem>>) offsets(%dma_start3A_162 : memref<128xi32, #tpu.memory_space<vmem>>) semaphore(%arg14 : memref<!tpu.dma_semaphore, #tpu.memory_space<semaphore_mem>>)
        } else {
        }
      } else {
      }
      %add3A_92 = arith.constant 2 : i32
      %add3A_93 = arith.addi %mul3A_80, %add3A_92 : i32
      %lt3A_94 = arith.constant 50 : i32
      %lt3A_95 = arith.cmpi slt, %add3A_93, %lt3A_94 : i32
      %convert_element_type3A_96 = arith.extui %lt3A_95 : i1 to i32
      %cond3A_97 = arith.constant 0 : i32
      %cond3A_98 = arith.cmpi ne, %convert_element_type3A_96, %cond3A_97 : i32
      scf.if %cond3A_98 {
        %dma_wait3A_106 = arith.constant 0 : i32
        %dma_wait3A_107 = tpu.memref_slice %arg5[%add3A_93, %dma_wait3A_106] : memref<50x128xi32, #tpu.memory_space<vmem>> -> memref<1x128xi32, #tpu.memory_space<vmem>>
        %dma_wait3A_108 = tpu.memref_squeeze %dma_wait3A_107 : memref<1x128xi32, #tpu.memory_space<vmem>> -> memref<128xi32, #tpu.memory_space<vmem>>
        %dma_wait3A_109 = arith.constant 0 : i32
        %dma_wait3A_110 = arith.constant 0 : i32
        %dma_wait3A_111 = tpu.memref_slice %arg3[%dma_wait3A_109, %dma_wait3A_110] : memref<500000x128xf32, #tpu.memory_space<hbm>> -> memref<500000x128xf32, #tpu.memory_space<hbm>>
        tpu.wait_indirect_dma semaphore(%arg15 : memref<!tpu.dma_semaphore, #tpu.memory_space<semaphore_mem>>) src(%dma_wait3A_111 : memref<500000x128xf32, #tpu.memory_space<hbm>>) dst(%arg9 : memref<128x128xf32, #tpu.memory_space<vmem>>)
        %ge3A = arith.constant 2 : i32
        %ge3A_112 = arith.cmpi sge, %add3A_93, %ge3A : i32
        %convert_element_type3A_113 = arith.extui %ge3A_112 : i1 to i32
        %cond3A_114 = arith.constant 0 : i32
        %cond3A_115 = arith.cmpi ne, %convert_element_type3A_113, %cond3A_114 : i32
        scf.if %cond3A_115 {
          %sub3A = arith.constant 2 : i32
          %sub3A_158 = arith.subi %add3A_93, %sub3A : i32
          %dma_wait3A_159 = arith.constant 0 : i32
          %dma_wait3A_160 = tpu.memref_slice %arg4[%sub3A_158, %dma_wait3A_159, %mul3A_2] : memref<50x64x4096xf32, #tpu.memory_space<hbm>> -> memref<1x64x128xf32, #tpu.memory_space<hbm>>
          %dma_wait3A_161 = tpu.memref_squeeze %dma_wait3A_160 : memref<1x64x128xf32, #tpu.memory_space<hbm>> -> memref<64x128xf32, #tpu.memory_space<hbm>>
          %dma_wait3A_162 = arith.constant 0 : i32
          %dma_wait3A_163 = tpu.memref_slice %arg4[%sub3A_158, %dma_wait3A_162, %mul3A_2] : memref<50x64x4096xf32, #tpu.memory_space<hbm>> -> memref<1x64x128xf32, #tpu.memory_space<hbm>>
          %dma_wait3A_164 = tpu.memref_squeeze %dma_wait3A_163 : memref<1x64x128xf32, #tpu.memory_space<hbm>> -> memref<64x128xf32, #tpu.memory_space<hbm>>
          tpu.wait_dma2 semaphore(%arg17 : memref<!tpu.dma_semaphore, #tpu.memory_space<semaphore_mem>>) src(%arg11 : memref<64x128xf32, #tpu.memory_space<vmem>>) dst(%dma_wait3A_164 : memref<64x128xf32, #tpu.memory_space<hbm>>)
        } else {
        }
        %get3A = arith.index_cast %add3A_93 : i32 to index
        %get3A_116 = arith.constant 0 : index
        %get3A_117 = tpu.vector_load %arg6[%get3A, %get3A_116] {strides = array<i32>} : memref<50x128xi32, #tpu.memory_space<vmem>>, vector<16xi32>,
        %get3A_118 = arith.index_cast %add3A_93 : i32 to index
        %get3A_119 = arith.constant 16 : index
        %get3A_120 = tpu.vector_load %arg6[%get3A_118, %get3A_119] {strides = array<i32>} : memref<50x128xi32, #tpu.memory_space<vmem>>, vector<16xi32>,
        %get3A_121 = arith.index_cast %add3A_93 : i32 to index
        %get3A_122 = arith.constant 32 : index
        %get3A_123 = tpu.vector_load %arg6[%get3A_121, %get3A_122] {strides = array<i32>} : memref<50x128xi32, #tpu.memory_space<vmem>>, vector<16xi32>,
        %get3A_124 = arith.index_cast %add3A_93 : i32 to index
        %get3A_125 = arith.constant 48 : index
        %get3A_126 = tpu.vector_load %arg6[%get3A_124, %get3A_125] {strides = array<i32>} : memref<50x128xi32, #tpu.memory_space<vmem>>, vector<16xi32>,
        %get3A_127 = arith.index_cast %add3A_93 : i32 to index
        %get3A_128 = arith.constant 64 : index
        %get3A_129 = tpu.vector_load %arg6[%get3A_127, %get3A_128] {strides = array<i32>} : memref<50x128xi32, #tpu.memory_space<vmem>>, vector<16xi32>,
        %get3A_130 = arith.index_cast %add3A_93 : i32 to index
        %get3A_131 = arith.constant 80 : index
        %get3A_132 = tpu.vector_load %arg6[%get3A_130, %get3A_131] {strides = array<i32>} : memref<50x128xi32, #tpu.memory_space<vmem>>, vector<16xi32>,
        %get3A_133 = arith.index_cast %add3A_93 : i32 to index
        %get3A_134 = arith.constant 96 : index
        %get3A_135 = tpu.vector_load %arg6[%get3A_133, %get3A_134] {strides = array<i32>} : memref<50x128xi32, #tpu.memory_space<vmem>>, vector<16xi32>,
        %get3A_136 = arith.index_cast %add3A_93 : i32 to index
        %get3A_137 = arith.constant 112 : index
        %get3A_138 = tpu.vector_load %arg6[%get3A_136, %get3A_137] {strides = array<i32>} : memref<50x128xi32, #tpu.memory_space<vmem>>, vector<16xi32>,
        %scan3A_139 = arith.constant 0 : i32
        %scan3A_140 = arith.constant 0 : i32
        %scan3A_141 = arith.constant 16 : i32
        %scan3A_142 = arith.addi %scan3A_140, %scan3A_141 : i32
        %scan3A_143 = arith.constant 1 : i32
        scf.for %scan3A_158 = %scan3A_140 to %scan3A_142 step %scan3A_143  : i32 {
          %add3A_159 = vector.broadcast %scan3A_158 : i32 to vector<16xi32>
          %add3A_160 = arith.addi %iota3A, %add3A_159 : vector<16xi32>
          %and3A = arith.constant 15 : i32
          %and3A_161 = vector.broadcast %and3A : i32 to vector<16xi32>
          %and3A_162 = arith.andi %add3A_160, %and3A_161 : vector<16xi32>
          %add3A_163 = arith.constant 0 : i32
          %add3A_164 = vector.broadcast %add3A_163 : i32 to vector<16xi32>
          %add3A_165 = arith.addi %and3A_162, %add3A_164 : vector<16xi32>
          %add3A_166 = arith.addi %get3A_117, %add3A_165 : vector<16xi32>
          %gather3A = tpu.vector_load_idx %arg9[%add3A_37, %add3A_166] : memref<128x128xf32, #tpu.memory_space<vmem>>[vector<16xi32>, vector<16xi32>], vector<16xf32>,
          tpu.vector_store_idx %arg11[%add3A_165, %add3A_37], %gather3A : memref<64x128xf32, #tpu.memory_space<vmem>>[vector<16xi32>, vector<16xi32>], vector<16xf32>,
          %add3A_167 = arith.constant 16 : i32
          %add3A_168 = vector.broadcast %add3A_167 : i32 to vector<16xi32>
          %add3A_169 = arith.addi %and3A_162, %add3A_168 : vector<16xi32>
          %add3A_170 = arith.addi %get3A_117, %add3A_169 : vector<16xi32>
          %gather3A_171 = tpu.vector_load_idx %arg9[%add3A_37, %add3A_170] : memref<128x128xf32, #tpu.memory_space<vmem>>[vector<16xi32>, vector<16xi32>], vector<16xf32>,
          tpu.vector_store_idx %arg11[%add3A_169, %add3A_37], %gather3A_171 : memref<64x128xf32, #tpu.memory_space<vmem>>[vector<16xi32>, vector<16xi32>], vector<16xf32>,
          %add3A_172 = arith.constant 32 : i32
          %add3A_173 = vector.broadcast %add3A_172 : i32 to vector<16xi32>
          %add3A_174 = arith.addi %and3A_162, %add3A_173 : vector<16xi32>
          %add3A_175 = arith.addi %get3A_117, %add3A_174 : vector<16xi32>
          %gather3A_176 = tpu.vector_load_idx %arg9[%add3A_37, %add3A_175] : memref<128x128xf32, #tpu.memory_space<vmem>>[vector<16xi32>, vector<16xi32>], vector<16xf32>,
          tpu.vector_store_idx %arg11[%add3A_174, %add3A_37], %gather3A_176 : memref<64x128xf32, #tpu.memory_space<vmem>>[vector<16xi32>, vector<16xi32>], vector<16xf32>,
          %add3A_177 = arith.constant 48 : i32
          %add3A_178 = vector.broadcast %add3A_177 : i32 to vector<16xi32>
          %add3A_179 = arith.addi %and3A_162, %add3A_178 : vector<16xi32>
          %add3A_180 = arith.addi %get3A_117, %add3A_179 : vector<16xi32>
          %gather3A_181 = tpu.vector_load_idx %arg9[%add3A_37, %add3A_180] : memref<128x128xf32, #tpu.memory_space<vmem>>[vector<16xi32>, vector<16xi32>], vector<16xf32>,
          tpu.vector_store_idx %arg11[%add3A_179, %add3A_37], %gather3A_181 : memref<64x128xf32, #tpu.memory_space<vmem>>[vector<16xi32>, vector<16xi32>], vector<16xf32>,
          %add3A_182 = arith.constant 0 : i32
          %add3A_183 = vector.broadcast %add3A_182 : i32 to vector<16xi32>
          %add3A_184 = arith.addi %and3A_162, %add3A_183 : vector<16xi32>
          %add3A_185 = arith.addi %get3A_120, %add3A_184 : vector<16xi32>
          %gather3A_186 = tpu.vector_load_idx %arg9[%add3A_40, %add3A_185] : memref<128x128xf32, #tpu.memory_space<vmem>>[vector<16xi32>, vector<16xi32>], vector<16xf32>,
          tpu.vector_store_idx %arg11[%add3A_184, %add3A_40], %gather3A_186 : memref<64x128xf32, #tpu.memory_space<vmem>>[vector<16xi32>, vector<16xi32>], vector<16xf32>,
          %add3A_187 = arith.constant 16 : i32
          %add3A_188 = vector.broadcast %add3A_187 : i32 to vector<16xi32>
          %add3A_189 = arith.addi %and3A_162, %add3A_188 : vector<16xi32>
          %add3A_190 = arith.addi %get3A_120, %add3A_189 : vector<16xi32>
          %gather3A_191 = tpu.vector_load_idx %arg9[%add3A_40, %add3A_190] : memref<128x128xf32, #tpu.memory_space<vmem>>[vector<16xi32>, vector<16xi32>], vector<16xf32>,
          tpu.vector_store_idx %arg11[%add3A_189, %add3A_40], %gather3A_191 : memref<64x128xf32, #tpu.memory_space<vmem>>[vector<16xi32>, vector<16xi32>], vector<16xf32>,
          %add3A_192 = arith.constant 32 : i32
          %add3A_193 = vector.broadcast %add3A_192 : i32 to vector<16xi32>
          %add3A_194 = arith.addi %and3A_162, %add3A_193 : vector<16xi32>
          %add3A_195 = arith.addi %get3A_120, %add3A_194 : vector<16xi32>
          %gather3A_196 = tpu.vector_load_idx %arg9[%add3A_40, %add3A_195] : memref<128x128xf32, #tpu.memory_space<vmem>>[vector<16xi32>, vector<16xi32>], vector<16xf32>,
          tpu.vector_store_idx %arg11[%add3A_194, %add3A_40], %gather3A_196 : memref<64x128xf32, #tpu.memory_space<vmem>>[vector<16xi32>, vector<16xi32>], vector<16xf32>,
          %add3A_197 = arith.constant 48 : i32
          %add3A_198 = vector.broadcast %add3A_197 : i32 to vector<16xi32>
          %add3A_199 = arith.addi %and3A_162, %add3A_198 : vector<16xi32>
          %add3A_200 = arith.addi %get3A_120, %add3A_199 : vector<16xi32>
          %gather3A_201 = tpu.vector_load_idx %arg9[%add3A_40, %add3A_200] : memref<128x128xf32, #tpu.memory_space<vmem>>[vector<16xi32>, vector<16xi32>], vector<16xf32>,
          tpu.vector_store_idx %arg11[%add3A_199, %add3A_40], %gather3A_201 : memref<64x128xf32, #tpu.memory_space<vmem>>[vector<16xi32>, vector<16xi32>], vector<16xf32>,
          %add3A_202 = arith.constant 0 : i32
          %add3A_203 = vector.broadcast %add3A_202 : i32 to vector<16xi32>
          %add3A_204 = arith.addi %and3A_162, %add3A_203 : vector<16xi32>
          %add3A_205 = arith.addi %get3A_123, %add3A_204 : vector<16xi32>
          %gather3A_206 = tpu.vector_load_idx %arg9[%add3A_43, %add3A_205] : memref<128x128xf32, #tpu.memory_space<vmem>>[vector<16xi32>, vector<16xi32>], vector<16xf32>,
          tpu.vector_store_idx %arg11[%add3A_204, %add3A_43], %gather3A_206 : memref<64x128xf32, #tpu.memory_space<vmem>>[vector<16xi32>, vector<16xi32>], vector<16xf32>,
          %add3A_207 = arith.constant 16 : i32
          %add3A_208 = vector.broadcast %add3A_207 : i32 to vector<16xi32>
          %add3A_209 = arith.addi %and3A_162, %add3A_208 : vector<16xi32>
          %add3A_210 = arith.addi %get3A_123, %add3A_209 : vector<16xi32>
          %gather3A_211 = tpu.vector_load_idx %arg9[%add3A_43, %add3A_210] : memref<128x128xf32, #tpu.memory_space<vmem>>[vector<16xi32>, vector<16xi32>], vector<16xf32>,
          tpu.vector_store_idx %arg11[%add3A_209, %add3A_43], %gather3A_211 : memref<64x128xf32, #tpu.memory_space<vmem>>[vector<16xi32>, vector<16xi32>], vector<16xf32>,
          %add3A_212 = arith.constant 32 : i32
          %add3A_213 = vector.broadcast %add3A_212 : i32 to vector<16xi32>
          %add3A_214 = arith.addi %and3A_162, %add3A_213 : vector<16xi32>
          %add3A_215 = arith.addi %get3A_123, %add3A_214 : vector<16xi32>
          %gather3A_216 = tpu.vector_load_idx %arg9[%add3A_43, %add3A_215] : memref<128x128xf32, #tpu.memory_space<vmem>>[vector<16xi32>, vector<16xi32>], vector<16xf32>,
          tpu.vector_store_idx %arg11[%add3A_214, %add3A_43], %gather3A_216 : memref<64x128xf32, #tpu.memory_space<vmem>>[vector<16xi32>, vector<16xi32>], vector<16xf32>,
          %add3A_217 = arith.constant 48 : i32
          %add3A_218 = vector.broadcast %add3A_217 : i32 to vector<16xi32>
          %add3A_219 = arith.addi %and3A_162, %add3A_218 : vector<16xi32>
          %add3A_220 = arith.addi %get3A_123, %add3A_219 : vector<16xi32>
          %gather3A_221 = tpu.vector_load_idx %arg9[%add3A_43, %add3A_220] : memref<128x128xf32, #tpu.memory_space<vmem>>[vector<16xi32>, vector<16xi32>], vector<16xf32>,
          tpu.vector_store_idx %arg11[%add3A_219, %add3A_43], %gather3A_221 : memref<64x128xf32, #tpu.memory_space<vmem>>[vector<16xi32>, vector<16xi32>], vector<16xf32>,
          %add3A_222 = arith.constant 0 : i32
          %add3A_223 = vector.broadcast %add3A_222 : i32 to vector<16xi32>
          %add3A_224 = arith.addi %and3A_162, %add3A_223 : vector<16xi32>
          %add3A_225 = arith.addi %get3A_126, %add3A_224 : vector<16xi32>
          %gather3A_226 = tpu.vector_load_idx %arg9[%add3A_46, %add3A_225] : memref<128x128xf32, #tpu.memory_space<vmem>>[vector<16xi32>, vector<16xi32>], vector<16xf32>,
          tpu.vector_store_idx %arg11[%add3A_224, %add3A_46], %gather3A_226 : memref<64x128xf32, #tpu.memory_space<vmem>>[vector<16xi32>, vector<16xi32>], vector<16xf32>,
          %add3A_227 = arith.constant 16 : i32
          %add3A_228 = vector.broadcast %add3A_227 : i32 to vector<16xi32>
          %add3A_229 = arith.addi %and3A_162, %add3A_228 : vector<16xi32>
          %add3A_230 = arith.addi %get3A_126, %add3A_229 : vector<16xi32>
          %gather3A_231 = tpu.vector_load_idx %arg9[%add3A_46, %add3A_230] : memref<128x128xf32, #tpu.memory_space<vmem>>[vector<16xi32>, vector<16xi32>], vector<16xf32>,
          tpu.vector_store_idx %arg11[%add3A_229, %add3A_46], %gather3A_231 : memref<64x128xf32, #tpu.memory_space<vmem>>[vector<16xi32>, vector<16xi32>], vector<16xf32>,
          %add3A_232 = arith.constant 32 : i32
          %add3A_233 = vector.broadcast %add3A_232 : i32 to vector<16xi32>
          %add3A_234 = arith.addi %and3A_162, %add3A_233 : vector<16xi32>
          %add3A_235 = arith.addi %get3A_126, %add3A_234 : vector<16xi32>
          %gather3A_236 = tpu.vector_load_idx %arg9[%add3A_46, %add3A_235] : memref<128x128xf32, #tpu.memory_space<vmem>>[vector<16xi32>, vector<16xi32>], vector<16xf32>,
          tpu.vector_store_idx %arg11[%add3A_234, %add3A_46], %gather3A_236 : memref<64x128xf32, #tpu.memory_space<vmem>>[vector<16xi32>, vector<16xi32>], vector<16xf32>,
          %add3A_237 = arith.constant 48 : i32
          %add3A_238 = vector.broadcast %add3A_237 : i32 to vector<16xi32>
          %add3A_239 = arith.addi %and3A_162, %add3A_238 : vector<16xi32>
          %add3A_240 = arith.addi %get3A_126, %add3A_239 : vector<16xi32>
          %gather3A_241 = tpu.vector_load_idx %arg9[%add3A_46, %add3A_240] : memref<128x128xf32, #tpu.memory_space<vmem>>[vector<16xi32>, vector<16xi32>], vector<16xf32>,
          tpu.vector_store_idx %arg11[%add3A_239, %add3A_46], %gather3A_241 : memref<64x128xf32, #tpu.memory_space<vmem>>[vector<16xi32>, vector<16xi32>], vector<16xf32>,
          %add3A_242 = arith.constant 0 : i32
          %add3A_243 = vector.broadcast %add3A_242 : i32 to vector<16xi32>
          %add3A_244 = arith.addi %and3A_162, %add3A_243 : vector<16xi32>
          %add3A_245 = arith.addi %get3A_129, %add3A_244 : vector<16xi32>
          %gather3A_246 = tpu.vector_load_idx %arg9[%add3A_49, %add3A_245] : memref<128x128xf32, #tpu.memory_space<vmem>>[vector<16xi32>, vector<16xi32>], vector<16xf32>,
          tpu.vector_store_idx %arg11[%add3A_244, %add3A_49], %gather3A_246 : memref<64x128xf32, #tpu.memory_space<vmem>>[vector<16xi32>, vector<16xi32>], vector<16xf32>,
          %add3A_247 = arith.constant 16 : i32
          %add3A_248 = vector.broadcast %add3A_247 : i32 to vector<16xi32>
          %add3A_249 = arith.addi %and3A_162, %add3A_248 : vector<16xi32>
          %add3A_250 = arith.addi %get3A_129, %add3A_249 : vector<16xi32>
          %gather3A_251 = tpu.vector_load_idx %arg9[%add3A_49, %add3A_250] : memref<128x128xf32, #tpu.memory_space<vmem>>[vector<16xi32>, vector<16xi32>], vector<16xf32>,
          tpu.vector_store_idx %arg11[%add3A_249, %add3A_49], %gather3A_251 : memref<64x128xf32, #tpu.memory_space<vmem>>[vector<16xi32>, vector<16xi32>], vector<16xf32>,
          %add3A_252 = arith.constant 32 : i32
          %add3A_253 = vector.broadcast %add3A_252 : i32 to vector<16xi32>
          %add3A_254 = arith.addi %and3A_162, %add3A_253 : vector<16xi32>
          %add3A_255 = arith.addi %get3A_129, %add3A_254 : vector<16xi32>
          %gather3A_256 = tpu.vector_load_idx %arg9[%add3A_49, %add3A_255] : memref<128x128xf32, #tpu.memory_space<vmem>>[vector<16xi32>, vector<16xi32>], vector<16xf32>,
          tpu.vector_store_idx %arg11[%add3A_254, %add3A_49], %gather3A_256 : memref<64x128xf32, #tpu.memory_space<vmem>>[vector<16xi32>, vector<16xi32>], vector<16xf32>,
          %add3A_257 = arith.constant 48 : i32
          %add3A_258 = vector.broadcast %add3A_257 : i32 to vector<16xi32>
          %add3A_259 = arith.addi %and3A_162, %add3A_258 : vector<16xi32>
          %add3A_260 = arith.addi %get3A_129, %add3A_259 : vector<16xi32>
          %gather3A_261 = tpu.vector_load_idx %arg9[%add3A_49, %add3A_260] : memref<128x128xf32, #tpu.memory_space<vmem>>[vector<16xi32>, vector<16xi32>], vector<16xf32>,
          tpu.vector_store_idx %arg11[%add3A_259, %add3A_49], %gather3A_261 : memref<64x128xf32, #tpu.memory_space<vmem>>[vector<16xi32>, vector<16xi32>], vector<16xf32>,
          %add3A_262 = arith.constant 0 : i32
          %add3A_263 = vector.broadcast %add3A_262 : i32 to vector<16xi32>
          %add3A_264 = arith.addi %and3A_162, %add3A_263 : vector<16xi32>
          %add3A_265 = arith.addi %get3A_132, %add3A_264 : vector<16xi32>
          %gather3A_266 = tpu.vector_load_idx %arg9[%add3A_52, %add3A_265] : memref<128x128xf32, #tpu.memory_space<vmem>>[vector<16xi32>, vector<16xi32>], vector<16xf32>,
          tpu.vector_store_idx %arg11[%add3A_264, %add3A_52], %gather3A_266 : memref<64x128xf32, #tpu.memory_space<vmem>>[vector<16xi32>, vector<16xi32>], vector<16xf32>,
          %add3A_267 = arith.constant 16 : i32
          %add3A_268 = vector.broadcast %add3A_267 : i32 to vector<16xi32>
          %add3A_269 = arith.addi %and3A_162, %add3A_268 : vector<16xi32>
          %add3A_270 = arith.addi %get3A_132, %add3A_269 : vector<16xi32>
          %gather3A_271 = tpu.vector_load_idx %arg9[%add3A_52, %add3A_270] : memref<128x128xf32, #tpu.memory_space<vmem>>[vector<16xi32>, vector<16xi32>], vector<16xf32>,
          tpu.vector_store_idx %arg11[%add3A_269, %add3A_52], %gather3A_271 : memref<64x128xf32, #tpu.memory_space<vmem>>[vector<16xi32>, vector<16xi32>], vector<16xf32>,
          %add3A_272 = arith.constant 32 : i32
          %add3A_273 = vector.broadcast %add3A_272 : i32 to vector<16xi32>
          %add3A_274 = arith.addi %and3A_162, %add3A_273 : vector<16xi32>
          %add3A_275 = arith.addi %get3A_132, %add3A_274 : vector<16xi32>
          %gather3A_276 = tpu.vector_load_idx %arg9[%add3A_52, %add3A_275] : memref<128x128xf32, #tpu.memory_space<vmem>>[vector<16xi32>, vector<16xi32>], vector<16xf32>,
          tpu.vector_store_idx %arg11[%add3A_274, %add3A_52], %gather3A_276 : memref<64x128xf32, #tpu.memory_space<vmem>>[vector<16xi32>, vector<16xi32>], vector<16xf32>,
          %add3A_277 = arith.constant 48 : i32
          %add3A_278 = vector.broadcast %add3A_277 : i32 to vector<16xi32>
          %add3A_279 = arith.addi %and3A_162, %add3A_278 : vector<16xi32>
          %add3A_280 = arith.addi %get3A_132, %add3A_279 : vector<16xi32>
          %gather3A_281 = tpu.vector_load_idx %arg9[%add3A_52, %add3A_280] : memref<128x128xf32, #tpu.memory_space<vmem>>[vector<16xi32>, vector<16xi32>], vector<16xf32>,
          tpu.vector_store_idx %arg11[%add3A_279, %add3A_52], %gather3A_281 : memref<64x128xf32, #tpu.memory_space<vmem>>[vector<16xi32>, vector<16xi32>], vector<16xf32>,
          %add3A_282 = arith.constant 0 : i32
          %add3A_283 = vector.broadcast %add3A_282 : i32 to vector<16xi32>
          %add3A_284 = arith.addi %and3A_162, %add3A_283 : vector<16xi32>
          %add3A_285 = arith.addi %get3A_135, %add3A_284 : vector<16xi32>
          %gather3A_286 = tpu.vector_load_idx %arg9[%add3A_55, %add3A_285] : memref<128x128xf32, #tpu.memory_space<vmem>>[vector<16xi32>, vector<16xi32>], vector<16xf32>,
          tpu.vector_store_idx %arg11[%add3A_284, %add3A_55], %gather3A_286 : memref<64x128xf32, #tpu.memory_space<vmem>>[vector<16xi32>, vector<16xi32>], vector<16xf32>,
          %add3A_287 = arith.constant 16 : i32
          %add3A_288 = vector.broadcast %add3A_287 : i32 to vector<16xi32>
          %add3A_289 = arith.addi %and3A_162, %add3A_288 : vector<16xi32>
          %add3A_290 = arith.addi %get3A_135, %add3A_289 : vector<16xi32>
          %gather3A_291 = tpu.vector_load_idx %arg9[%add3A_55, %add3A_290] : memref<128x128xf32, #tpu.memory_space<vmem>>[vector<16xi32>, vector<16xi32>], vector<16xf32>,
          tpu.vector_store_idx %arg11[%add3A_289, %add3A_55], %gather3A_291 : memref<64x128xf32, #tpu.memory_space<vmem>>[vector<16xi32>, vector<16xi32>], vector<16xf32>,
          %add3A_292 = arith.constant 32 : i32
          %add3A_293 = vector.broadcast %add3A_292 : i32 to vector<16xi32>
          %add3A_294 = arith.addi %and3A_162, %add3A_293 : vector<16xi32>
          %add3A_295 = arith.addi %get3A_135, %add3A_294 : vector<16xi32>
          %gather3A_296 = tpu.vector_load_idx %arg9[%add3A_55, %add3A_295] : memref<128x128xf32, #tpu.memory_space<vmem>>[vector<16xi32>, vector<16xi32>], vector<16xf32>,
          tpu.vector_store_idx %arg11[%add3A_294, %add3A_55], %gather3A_296 : memref<64x128xf32, #tpu.memory_space<vmem>>[vector<16xi32>, vector<16xi32>], vector<16xf32>,
          %add3A_297 = arith.constant 48 : i32
          %add3A_298 = vector.broadcast %add3A_297 : i32 to vector<16xi32>
          %add3A_299 = arith.addi %and3A_162, %add3A_298 : vector<16xi32>
          %add3A_300 = arith.addi %get3A_135, %add3A_299 : vector<16xi32>
          %gather3A_301 = tpu.vector_load_idx %arg9[%add3A_55, %add3A_300] : memref<128x128xf32, #tpu.memory_space<vmem>>[vector<16xi32>, vector<16xi32>], vector<16xf32>,
          tpu.vector_store_idx %arg11[%add3A_299, %add3A_55], %gather3A_301 : memref<64x128xf32, #tpu.memory_space<vmem>>[vector<16xi32>, vector<16xi32>], vector<16xf32>,
          %add3A_302 = arith.constant 0 : i32
          %add3A_303 = vector.broadcast %add3A_302 : i32 to vector<16xi32>
          %add3A_304 = arith.addi %and3A_162, %add3A_303 : vector<16xi32>
          %add3A_305 = arith.addi %get3A_138, %add3A_304 : vector<16xi32>
          %gather3A_306 = tpu.vector_load_idx %arg9[%add3A_58, %add3A_305] : memref<128x128xf32, #tpu.memory_space<vmem>>[vector<16xi32>, vector<16xi32>], vector<16xf32>,
          tpu.vector_store_idx %arg11[%add3A_304, %add3A_58], %gather3A_306 : memref<64x128xf32, #tpu.memory_space<vmem>>[vector<16xi32>, vector<16xi32>], vector<16xf32>,
          %add3A_307 = arith.constant 16 : i32
          %add3A_308 = vector.broadcast %add3A_307 : i32 to vector<16xi32>
          %add3A_309 = arith.addi %and3A_162, %add3A_308 : vector<16xi32>
          %add3A_310 = arith.addi %get3A_138, %add3A_309 : vector<16xi32>
          %gather3A_311 = tpu.vector_load_idx %arg9[%add3A_58, %add3A_310] : memref<128x128xf32, #tpu.memory_space<vmem>>[vector<16xi32>, vector<16xi32>], vector<16xf32>,
          tpu.vector_store_idx %arg11[%add3A_309, %add3A_58], %gather3A_311 : memref<64x128xf32, #tpu.memory_space<vmem>>[vector<16xi32>, vector<16xi32>], vector<16xf32>,
          %add3A_312 = arith.constant 32 : i32
          %add3A_313 = vector.broadcast %add3A_312 : i32 to vector<16xi32>
          %add3A_314 = arith.addi %and3A_162, %add3A_313 : vector<16xi32>
          %add3A_315 = arith.addi %get3A_138, %add3A_314 : vector<16xi32>
          %gather3A_316 = tpu.vector_load_idx %arg9[%add3A_58, %add3A_315] : memref<128x128xf32, #tpu.memory_space<vmem>>[vector<16xi32>, vector<16xi32>], vector<16xf32>,
          tpu.vector_store_idx %arg11[%add3A_314, %add3A_58], %gather3A_316 : memref<64x128xf32, #tpu.memory_space<vmem>>[vector<16xi32>, vector<16xi32>], vector<16xf32>,
          %add3A_317 = arith.constant 48 : i32
          %add3A_318 = vector.broadcast %add3A_317 : i32 to vector<16xi32>
          %add3A_319 = arith.addi %and3A_162, %add3A_318 : vector<16xi32>
          %add3A_320 = arith.addi %get3A_138, %add3A_319 : vector<16xi32>
          %gather3A_321 = tpu.vector_load_idx %arg9[%add3A_58, %add3A_320] : memref<128x128xf32, #tpu.memory_space<vmem>>[vector<16xi32>, vector<16xi32>], vector<16xf32>,
          tpu.vector_store_idx %arg11[%add3A_319, %add3A_58], %gather3A_321 : memref<64x128xf32, #tpu.memory_space<vmem>>[vector<16xi32>, vector<16xi32>], vector<16xf32>,
        }
        %scan3A_144 = arith.constant 16 : i32
        %dma_start3A_145 = arith.constant 0 : i32
        %dma_start3A_146 = tpu.memref_slice %arg4[%add3A_93, %dma_start3A_145, %mul3A_2] : memref<50x64x4096xf32, #tpu.memory_space<hbm>> -> memref<1x64x128xf32, #tpu.memory_space<hbm>>
        %dma_start3A_147 = tpu.memref_squeeze %dma_start3A_146 : memref<1x64x128xf32, #tpu.memory_space<hbm>> -> memref<64x128xf32, #tpu.memory_space<hbm>>
        %dma_start3A_148 = arith.constant 0 : i32
        %dma_start3A_149 = tpu.memref_slice %arg4[%add3A_93, %dma_start3A_148, %mul3A_2] : memref<50x64x4096xf32, #tpu.memory_space<hbm>> -> memref<1x64x128xf32, #tpu.memory_space<hbm>>
        %dma_start3A_150 = tpu.memref_squeeze %dma_start3A_149 : memref<1x64x128xf32, #tpu.memory_space<hbm>> -> memref<64x128xf32, #tpu.memory_space<hbm>>
        tpu.enqueue_dma source(%arg11 : memref<64x128xf32, #tpu.memory_space<vmem>>) target(%dma_start3A_150 : memref<64x128xf32, #tpu.memory_space<hbm>>) target_semaphore(%arg17 : memref<!tpu.dma_semaphore, #tpu.memory_space<semaphore_mem>>)
        %add3A_151 = arith.constant 4 : i32
        %add3A_152 = arith.addi %add3A_93, %add3A_151 : i32
        %lt3A_153 = arith.constant 50 : i32
        %lt3A_154 = arith.cmpi slt, %add3A_152, %lt3A_153 : i32
        %convert_element_type3A_155 = arith.extui %lt3A_154 : i1 to i32
        %cond3A_156 = arith.constant 0 : i32
        %cond3A_157 = arith.cmpi ne, %convert_element_type3A_155, %cond3A_156 : i32
        scf.if %cond3A_157 {
          %add3A_158 = arith.constant 4 : i32
          %add3A_159 = arith.addi %add3A_93, %add3A_158 : i32
          %dma_start3A_160 = arith.constant 0 : i32
          %dma_start3A_161 = tpu.memref_slice %arg5[%add3A_159, %dma_start3A_160] : memref<50x128xi32, #tpu.memory_space<vmem>> -> memref<1x128xi32, #tpu.memory_space<vmem>>
          %dma_start3A_162 = tpu.memref_squeeze %dma_start3A_161 : memref<1x128xi32, #tpu.memory_space<vmem>> -> memref<128xi32, #tpu.memory_space<vmem>>
          %dma_start3A_163 = arith.constant 0 : i32
          %dma_start3A_164 = arith.constant 0 : i32
          %dma_start3A_165 = tpu.memref_slice %arg3[%dma_start3A_163, %dma_start3A_164] : memref<500000x128xf32, #tpu.memory_space<hbm>> -> memref<500000x128xf32, #tpu.memory_space<hbm>>
          tpu.enqueue_indirect_dma source(%dma_start3A_165 : memref<500000x128xf32, #tpu.memory_space<hbm>>) target(%arg9 : memref<128x128xf32, #tpu.memory_space<vmem>>) offsets(%dma_start3A_162 : memref<128xi32, #tpu.memory_space<vmem>>) semaphore(%arg15 : memref<!tpu.dma_semaphore, #tpu.memory_space<semaphore_mem>>)
        } else {
        }
      } else {
      }
      %add3A_99 = arith.constant 3 : i32
      %add3A_100 = arith.addi %mul3A_80, %add3A_99 : i32
      %lt3A_101 = arith.constant 50 : i32
      %lt3A_102 = arith.cmpi slt, %add3A_100, %lt3A_101 : i32
      %convert_element_type3A_103 = arith.extui %lt3A_102 : i1 to i32
      %cond3A_104 = arith.constant 0 : i32
      %cond3A_105 = arith.cmpi ne, %convert_element_type3A_103, %cond3A_104 : i32
      scf.if %cond3A_105 {
        %dma_wait3A_106 = arith.constant 0 : i32
        %dma_wait3A_107 = tpu.memref_slice %arg5[%add3A_100, %dma_wait3A_106] : memref<50x128xi32, #tpu.memory_space<vmem>> -> memref<1x128xi32, #tpu.memory_space<vmem>>
        %dma_wait3A_108 = tpu.memref_squeeze %dma_wait3A_107 : memref<1x128xi32, #tpu.memory_space<vmem>> -> memref<128xi32, #tpu.memory_space<vmem>>
        %dma_wait3A_109 = arith.constant 0 : i32
        %dma_wait3A_110 = arith.constant 0 : i32
        %dma_wait3A_111 = tpu.memref_slice %arg3[%dma_wait3A_109, %dma_wait3A_110] : memref<500000x128xf32, #tpu.memory_space<hbm>> -> memref<500000x128xf32, #tpu.memory_space<hbm>>
        tpu.wait_indirect_dma semaphore(%arg16 : memref<!tpu.dma_semaphore, #tpu.memory_space<semaphore_mem>>) src(%dma_wait3A_111 : memref<500000x128xf32, #tpu.memory_space<hbm>>) dst(%arg10 : memref<128x128xf32, #tpu.memory_space<vmem>>)
        %ge3A = arith.constant 2 : i32
        %ge3A_112 = arith.cmpi sge, %add3A_100, %ge3A : i32
        %convert_element_type3A_113 = arith.extui %ge3A_112 : i1 to i32
        %cond3A_114 = arith.constant 0 : i32
        %cond3A_115 = arith.cmpi ne, %convert_element_type3A_113, %cond3A_114 : i32
        scf.if %cond3A_115 {
          %sub3A = arith.constant 2 : i32
          %sub3A_158 = arith.subi %add3A_100, %sub3A : i32
          %dma_wait3A_159 = arith.constant 0 : i32
          %dma_wait3A_160 = tpu.memref_slice %arg4[%sub3A_158, %dma_wait3A_159, %mul3A_2] : memref<50x64x4096xf32, #tpu.memory_space<hbm>> -> memref<1x64x128xf32, #tpu.memory_space<hbm>>
          %dma_wait3A_161 = tpu.memref_squeeze %dma_wait3A_160 : memref<1x64x128xf32, #tpu.memory_space<hbm>> -> memref<64x128xf32, #tpu.memory_space<hbm>>
          %dma_wait3A_162 = arith.constant 0 : i32
          %dma_wait3A_163 = tpu.memref_slice %arg4[%sub3A_158, %dma_wait3A_162, %mul3A_2] : memref<50x64x4096xf32, #tpu.memory_space<hbm>> -> memref<1x64x128xf32, #tpu.memory_space<hbm>>
          %dma_wait3A_164 = tpu.memref_squeeze %dma_wait3A_163 : memref<1x64x128xf32, #tpu.memory_space<hbm>> -> memref<64x128xf32, #tpu.memory_space<hbm>>
          tpu.wait_dma2 semaphore(%arg18 : memref<!tpu.dma_semaphore, #tpu.memory_space<semaphore_mem>>) src(%arg12 : memref<64x128xf32, #tpu.memory_space<vmem>>) dst(%dma_wait3A_164 : memref<64x128xf32, #tpu.memory_space<hbm>>)
        } else {
        }
        %get3A = arith.index_cast %add3A_100 : i32 to index
        %get3A_116 = arith.constant 0 : index
        %get3A_117 = tpu.vector_load %arg6[%get3A, %get3A_116] {strides = array<i32>} : memref<50x128xi32, #tpu.memory_space<vmem>>, vector<16xi32>,
        %get3A_118 = arith.index_cast %add3A_100 : i32 to index
        %get3A_119 = arith.constant 16 : index
        %get3A_120 = tpu.vector_load %arg6[%get3A_118, %get3A_119] {strides = array<i32>} : memref<50x128xi32, #tpu.memory_space<vmem>>, vector<16xi32>,
        %get3A_121 = arith.index_cast %add3A_100 : i32 to index
        %get3A_122 = arith.constant 32 : index
        %get3A_123 = tpu.vector_load %arg6[%get3A_121, %get3A_122] {strides = array<i32>} : memref<50x128xi32, #tpu.memory_space<vmem>>, vector<16xi32>,
        %get3A_124 = arith.index_cast %add3A_100 : i32 to index
        %get3A_125 = arith.constant 48 : index
        %get3A_126 = tpu.vector_load %arg6[%get3A_124, %get3A_125] {strides = array<i32>} : memref<50x128xi32, #tpu.memory_space<vmem>>, vector<16xi32>,
        %get3A_127 = arith.index_cast %add3A_100 : i32 to index
        %get3A_128 = arith.constant 64 : index
        %get3A_129 = tpu.vector_load %arg6[%get3A_127, %get3A_128] {strides = array<i32>} : memref<50x128xi32, #tpu.memory_space<vmem>>, vector<16xi32>,
        %get3A_130 = arith.index_cast %add3A_100 : i32 to index
        %get3A_131 = arith.constant 80 : index
        %get3A_132 = tpu.vector_load %arg6[%get3A_130, %get3A_131] {strides = array<i32>} : memref<50x128xi32, #tpu.memory_space<vmem>>, vector<16xi32>,
        %get3A_133 = arith.index_cast %add3A_100 : i32 to index
        %get3A_134 = arith.constant 96 : index
        %get3A_135 = tpu.vector_load %arg6[%get3A_133, %get3A_134] {strides = array<i32>} : memref<50x128xi32, #tpu.memory_space<vmem>>, vector<16xi32>,
        %get3A_136 = arith.index_cast %add3A_100 : i32 to index
        %get3A_137 = arith.constant 112 : index
        %get3A_138 = tpu.vector_load %arg6[%get3A_136, %get3A_137] {strides = array<i32>} : memref<50x128xi32, #tpu.memory_space<vmem>>, vector<16xi32>,
        %scan3A_139 = arith.constant 0 : i32
        %scan3A_140 = arith.constant 0 : i32
        %scan3A_141 = arith.constant 16 : i32
        %scan3A_142 = arith.addi %scan3A_140, %scan3A_141 : i32
        %scan3A_143 = arith.constant 1 : i32
        scf.for %scan3A_158 = %scan3A_140 to %scan3A_142 step %scan3A_143  : i32 {
          %add3A_159 = vector.broadcast %scan3A_158 : i32 to vector<16xi32>
          %add3A_160 = arith.addi %iota3A, %add3A_159 : vector<16xi32>
          %and3A = arith.constant 15 : i32
          %and3A_161 = vector.broadcast %and3A : i32 to vector<16xi32>
          %and3A_162 = arith.andi %add3A_160, %and3A_161 : vector<16xi32>
          %add3A_163 = arith.constant 0 : i32
          %add3A_164 = vector.broadcast %add3A_163 : i32 to vector<16xi32>
          %add3A_165 = arith.addi %and3A_162, %add3A_164 : vector<16xi32>
          %add3A_166 = arith.addi %get3A_117, %add3A_165 : vector<16xi32>
          %gather3A = tpu.vector_load_idx %arg10[%add3A_37, %add3A_166] : memref<128x128xf32, #tpu.memory_space<vmem>>[vector<16xi32>, vector<16xi32>], vector<16xf32>,
          tpu.vector_store_idx %arg12[%add3A_165, %add3A_37], %gather3A : memref<64x128xf32, #tpu.memory_space<vmem>>[vector<16xi32>, vector<16xi32>], vector<16xf32>,
          %add3A_167 = arith.constant 16 : i32
          %add3A_168 = vector.broadcast %add3A_167 : i32 to vector<16xi32>
          %add3A_169 = arith.addi %and3A_162, %add3A_168 : vector<16xi32>
          %add3A_170 = arith.addi %get3A_117, %add3A_169 : vector<16xi32>
          %gather3A_171 = tpu.vector_load_idx %arg10[%add3A_37, %add3A_170] : memref<128x128xf32, #tpu.memory_space<vmem>>[vector<16xi32>, vector<16xi32>], vector<16xf32>,
          tpu.vector_store_idx %arg12[%add3A_169, %add3A_37], %gather3A_171 : memref<64x128xf32, #tpu.memory_space<vmem>>[vector<16xi32>, vector<16xi32>], vector<16xf32>,
          %add3A_172 = arith.constant 32 : i32
          %add3A_173 = vector.broadcast %add3A_172 : i32 to vector<16xi32>
          %add3A_174 = arith.addi %and3A_162, %add3A_173 : vector<16xi32>
          %add3A_175 = arith.addi %get3A_117, %add3A_174 : vector<16xi32>
          %gather3A_176 = tpu.vector_load_idx %arg10[%add3A_37, %add3A_175] : memref<128x128xf32, #tpu.memory_space<vmem>>[vector<16xi32>, vector<16xi32>], vector<16xf32>,
          tpu.vector_store_idx %arg12[%add3A_174, %add3A_37], %gather3A_176 : memref<64x128xf32, #tpu.memory_space<vmem>>[vector<16xi32>, vector<16xi32>], vector<16xf32>,
          %add3A_177 = arith.constant 48 : i32
          %add3A_178 = vector.broadcast %add3A_177 : i32 to vector<16xi32>
          %add3A_179 = arith.addi %and3A_162, %add3A_178 : vector<16xi32>
          %add3A_180 = arith.addi %get3A_117, %add3A_179 : vector<16xi32>
          %gather3A_181 = tpu.vector_load_idx %arg10[%add3A_37, %add3A_180] : memref<128x128xf32, #tpu.memory_space<vmem>>[vector<16xi32>, vector<16xi32>], vector<16xf32>,
          tpu.vector_store_idx %arg12[%add3A_179, %add3A_37], %gather3A_181 : memref<64x128xf32, #tpu.memory_space<vmem>>[vector<16xi32>, vector<16xi32>], vector<16xf32>,
          %add3A_182 = arith.constant 0 : i32
          %add3A_183 = vector.broadcast %add3A_182 : i32 to vector<16xi32>
          %add3A_184 = arith.addi %and3A_162, %add3A_183 : vector<16xi32>
          %add3A_185 = arith.addi %get3A_120, %add3A_184 : vector<16xi32>
          %gather3A_186 = tpu.vector_load_idx %arg10[%add3A_40, %add3A_185] : memref<128x128xf32, #tpu.memory_space<vmem>>[vector<16xi32>, vector<16xi32>], vector<16xf32>,
          tpu.vector_store_idx %arg12[%add3A_184, %add3A_40], %gather3A_186 : memref<64x128xf32, #tpu.memory_space<vmem>>[vector<16xi32>, vector<16xi32>], vector<16xf32>,
          %add3A_187 = arith.constant 16 : i32
          %add3A_188 = vector.broadcast %add3A_187 : i32 to vector<16xi32>
          %add3A_189 = arith.addi %and3A_162, %add3A_188 : vector<16xi32>
          %add3A_190 = arith.addi %get3A_120, %add3A_189 : vector<16xi32>
          %gather3A_191 = tpu.vector_load_idx %arg10[%add3A_40, %add3A_190] : memref<128x128xf32, #tpu.memory_space<vmem>>[vector<16xi32>, vector<16xi32>], vector<16xf32>,
          tpu.vector_store_idx %arg12[%add3A_189, %add3A_40], %gather3A_191 : memref<64x128xf32, #tpu.memory_space<vmem>>[vector<16xi32>, vector<16xi32>], vector<16xf32>,
          %add3A_192 = arith.constant 32 : i32
          %add3A_193 = vector.broadcast %add3A_192 : i32 to vector<16xi32>
          %add3A_194 = arith.addi %and3A_162, %add3A_193 : vector<16xi32>
          %add3A_195 = arith.addi %get3A_120, %add3A_194 : vector<16xi32>
          %gather3A_196 = tpu.vector_load_idx %arg10[%add3A_40, %add3A_195] : memref<128x128xf32, #tpu.memory_space<vmem>>[vector<16xi32>, vector<16xi32>], vector<16xf32>,
          tpu.vector_store_idx %arg12[%add3A_194, %add3A_40], %gather3A_196 : memref<64x128xf32, #tpu.memory_space<vmem>>[vector<16xi32>, vector<16xi32>], vector<16xf32>,
          %add3A_197 = arith.constant 48 : i32
          %add3A_198 = vector.broadcast %add3A_197 : i32 to vector<16xi32>
          %add3A_199 = arith.addi %and3A_162, %add3A_198 : vector<16xi32>
          %add3A_200 = arith.addi %get3A_120, %add3A_199 : vector<16xi32>
          %gather3A_201 = tpu.vector_load_idx %arg10[%add3A_40, %add3A_200] : memref<128x128xf32, #tpu.memory_space<vmem>>[vector<16xi32>, vector<16xi32>], vector<16xf32>,
          tpu.vector_store_idx %arg12[%add3A_199, %add3A_40], %gather3A_201 : memref<64x128xf32, #tpu.memory_space<vmem>>[vector<16xi32>, vector<16xi32>], vector<16xf32>,
          %add3A_202 = arith.constant 0 : i32
          %add3A_203 = vector.broadcast %add3A_202 : i32 to vector<16xi32>
          %add3A_204 = arith.addi %and3A_162, %add3A_203 : vector<16xi32>
          %add3A_205 = arith.addi %get3A_123, %add3A_204 : vector<16xi32>
          %gather3A_206 = tpu.vector_load_idx %arg10[%add3A_43, %add3A_205] : memref<128x128xf32, #tpu.memory_space<vmem>>[vector<16xi32>, vector<16xi32>], vector<16xf32>,
          tpu.vector_store_idx %arg12[%add3A_204, %add3A_43], %gather3A_206 : memref<64x128xf32, #tpu.memory_space<vmem>>[vector<16xi32>, vector<16xi32>], vector<16xf32>,
          %add3A_207 = arith.constant 16 : i32
          %add3A_208 = vector.broadcast %add3A_207 : i32 to vector<16xi32>
          %add3A_209 = arith.addi %and3A_162, %add3A_208 : vector<16xi32>
          %add3A_210 = arith.addi %get3A_123, %add3A_209 : vector<16xi32>
          %gather3A_211 = tpu.vector_load_idx %arg10[%add3A_43, %add3A_210] : memref<128x128xf32, #tpu.memory_space<vmem>>[vector<16xi32>, vector<16xi32>], vector<16xf32>,
          tpu.vector_store_idx %arg12[%add3A_209, %add3A_43], %gather3A_211 : memref<64x128xf32, #tpu.memory_space<vmem>>[vector<16xi32>, vector<16xi32>], vector<16xf32>,
          %add3A_212 = arith.constant 32 : i32
          %add3A_213 = vector.broadcast %add3A_212 : i32 to vector<16xi32>
          %add3A_214 = arith.addi %and3A_162, %add3A_213 : vector<16xi32>
          %add3A_215 = arith.addi %get3A_123, %add3A_214 : vector<16xi32>
          %gather3A_216 = tpu.vector_load_idx %arg10[%add3A_43, %add3A_215] : memref<128x128xf32, #tpu.memory_space<vmem>>[vector<16xi32>, vector<16xi32>], vector<16xf32>,
          tpu.vector_store_idx %arg12[%add3A_214, %add3A_43], %gather3A_216 : memref<64x128xf32, #tpu.memory_space<vmem>>[vector<16xi32>, vector<16xi32>], vector<16xf32>,
          %add3A_217 = arith.constant 48 : i32
          %add3A_218 = vector.broadcast %add3A_217 : i32 to vector<16xi32>
          %add3A_219 = arith.addi %and3A_162, %add3A_218 : vector<16xi32>
          %add3A_220 = arith.addi %get3A_123, %add3A_219 : vector<16xi32>
          %gather3A_221 = tpu.vector_load_idx %arg10[%add3A_43, %add3A_220] : memref<128x128xf32, #tpu.memory_space<vmem>>[vector<16xi32>, vector<16xi32>], vector<16xf32>,
          tpu.vector_store_idx %arg12[%add3A_219, %add3A_43], %gather3A_221 : memref<64x128xf32, #tpu.memory_space<vmem>>[vector<16xi32>, vector<16xi32>], vector<16xf32>,
          %add3A_222 = arith.constant 0 : i32
          %add3A_223 = vector.broadcast %add3A_222 : i32 to vector<16xi32>
          %add3A_224 = arith.addi %and3A_162, %add3A_223 : vector<16xi32>
          %add3A_225 = arith.addi %get3A_126, %add3A_224 : vector<16xi32>
          %gather3A_226 = tpu.vector_load_idx %arg10[%add3A_46, %add3A_225] : memref<128x128xf32, #tpu.memory_space<vmem>>[vector<16xi32>, vector<16xi32>], vector<16xf32>,
          tpu.vector_store_idx %arg12[%add3A_224, %add3A_46], %gather3A_226 : memref<64x128xf32, #tpu.memory_space<vmem>>[vector<16xi32>, vector<16xi32>], vector<16xf32>,
          %add3A_227 = arith.constant 16 : i32
          %add3A_228 = vector.broadcast %add3A_227 : i32 to vector<16xi32>
          %add3A_229 = arith.addi %and3A_162, %add3A_228 : vector<16xi32>
          %add3A_230 = arith.addi %get3A_126, %add3A_229 : vector<16xi32>
          %gather3A_231 = tpu.vector_load_idx %arg10[%add3A_46, %add3A_230] : memref<128x128xf32, #tpu.memory_space<vmem>>[vector<16xi32>, vector<16xi32>], vector<16xf32>,
          tpu.vector_store_idx %arg12[%add3A_229, %add3A_46], %gather3A_231 : memref<64x128xf32, #tpu.memory_space<vmem>>[vector<16xi32>, vector<16xi32>], vector<16xf32>,
          %add3A_232 = arith.constant 32 : i32
          %add3A_233 = vector.broadcast %add3A_232 : i32 to vector<16xi32>
          %add3A_234 = arith.addi %and3A_162, %add3A_233 : vector<16xi32>
          %add3A_235 = arith.addi %get3A_126, %add3A_234 : vector<16xi32>
          %gather3A_236 = tpu.vector_load_idx %arg10[%add3A_46, %add3A_235] : memref<128x128xf32, #tpu.memory_space<vmem>>[vector<16xi32>, vector<16xi32>], vector<16xf32>,
          tpu.vector_store_idx %arg12[%add3A_234, %add3A_46], %gather3A_236 : memref<64x128xf32, #tpu.memory_space<vmem>>[vector<16xi32>, vector<16xi32>], vector<16xf32>,
          %add3A_237 = arith.constant 48 : i32
          %add3A_238 = vector.broadcast %add3A_237 : i32 to vector<16xi32>
          %add3A_239 = arith.addi %and3A_162, %add3A_238 : vector<16xi32>
          %add3A_240 = arith.addi %get3A_126, %add3A_239 : vector<16xi32>
          %gather3A_241 = tpu.vector_load_idx %arg10[%add3A_46, %add3A_240] : memref<128x128xf32, #tpu.memory_space<vmem>>[vector<16xi32>, vector<16xi32>], vector<16xf32>,
          tpu.vector_store_idx %arg12[%add3A_239, %add3A_46], %gather3A_241 : memref<64x128xf32, #tpu.memory_space<vmem>>[vector<16xi32>, vector<16xi32>], vector<16xf32>,
          %add3A_242 = arith.constant 0 : i32
          %add3A_243 = vector.broadcast %add3A_242 : i32 to vector<16xi32>
          %add3A_244 = arith.addi %and3A_162, %add3A_243 : vector<16xi32>
          %add3A_245 = arith.addi %get3A_129, %add3A_244 : vector<16xi32>
          %gather3A_246 = tpu.vector_load_idx %arg10[%add3A_49, %add3A_245] : memref<128x128xf32, #tpu.memory_space<vmem>>[vector<16xi32>, vector<16xi32>], vector<16xf32>,
          tpu.vector_store_idx %arg12[%add3A_244, %add3A_49], %gather3A_246 : memref<64x128xf32, #tpu.memory_space<vmem>>[vector<16xi32>, vector<16xi32>], vector<16xf32>,
          %add3A_247 = arith.constant 16 : i32
          %add3A_248 = vector.broadcast %add3A_247 : i32 to vector<16xi32>
          %add3A_249 = arith.addi %and3A_162, %add3A_248 : vector<16xi32>
          %add3A_250 = arith.addi %get3A_129, %add3A_249 : vector<16xi32>
          %gather3A_251 = tpu.vector_load_idx %arg10[%add3A_49, %add3A_250] : memref<128x128xf32, #tpu.memory_space<vmem>>[vector<16xi32>, vector<16xi32>], vector<16xf32>,
          tpu.vector_store_idx %arg12[%add3A_249, %add3A_49], %gather3A_251 : memref<64x128xf32, #tpu.memory_space<vmem>>[vector<16xi32>, vector<16xi32>], vector<16xf32>,
          %add3A_252 = arith.constant 32 : i32
          %add3A_253 = vector.broadcast %add3A_252 : i32 to vector<16xi32>
          %add3A_254 = arith.addi %and3A_162, %add3A_253 : vector<16xi32>
          %add3A_255 = arith.addi %get3A_129, %add3A_254 : vector<16xi32>
          %gather3A_256 = tpu.vector_load_idx %arg10[%add3A_49, %add3A_255] : memref<128x128xf32, #tpu.memory_space<vmem>>[vector<16xi32>, vector<16xi32>], vector<16xf32>,
          tpu.vector_store_idx %arg12[%add3A_254, %add3A_49], %gather3A_256 : memref<64x128xf32, #tpu.memory_space<vmem>>[vector<16xi32>, vector<16xi32>], vector<16xf32>,
          %add3A_257 = arith.constant 48 : i32
          %add3A_258 = vector.broadcast %add3A_257 : i32 to vector<16xi32>
          %add3A_259 = arith.addi %and3A_162, %add3A_258 : vector<16xi32>
          %add3A_260 = arith.addi %get3A_129, %add3A_259 : vector<16xi32>
          %gather3A_261 = tpu.vector_load_idx %arg10[%add3A_49, %add3A_260] : memref<128x128xf32, #tpu.memory_space<vmem>>[vector<16xi32>, vector<16xi32>], vector<16xf32>,
          tpu.vector_store_idx %arg12[%add3A_259, %add3A_49], %gather3A_261 : memref<64x128xf32, #tpu.memory_space<vmem>>[vector<16xi32>, vector<16xi32>], vector<16xf32>,
          %add3A_262 = arith.constant 0 : i32
          %add3A_263 = vector.broadcast %add3A_262 : i32 to vector<16xi32>
          %add3A_264 = arith.addi %and3A_162, %add3A_263 : vector<16xi32>
          %add3A_265 = arith.addi %get3A_132, %add3A_264 : vector<16xi32>
          %gather3A_266 = tpu.vector_load_idx %arg10[%add3A_52, %add3A_265] : memref<128x128xf32, #tpu.memory_space<vmem>>[vector<16xi32>, vector<16xi32>], vector<16xf32>,
          tpu.vector_store_idx %arg12[%add3A_264, %add3A_52], %gather3A_266 : memref<64x128xf32, #tpu.memory_space<vmem>>[vector<16xi32>, vector<16xi32>], vector<16xf32>,
          %add3A_267 = arith.constant 16 : i32
          %add3A_268 = vector.broadcast %add3A_267 : i32 to vector<16xi32>
          %add3A_269 = arith.addi %and3A_162, %add3A_268 : vector<16xi32>
          %add3A_270 = arith.addi %get3A_132, %add3A_269 : vector<16xi32>
          %gather3A_271 = tpu.vector_load_idx %arg10[%add3A_52, %add3A_270] : memref<128x128xf32, #tpu.memory_space<vmem>>[vector<16xi32>, vector<16xi32>], vector<16xf32>,
          tpu.vector_store_idx %arg12[%add3A_269, %add3A_52], %gather3A_271 : memref<64x128xf32, #tpu.memory_space<vmem>>[vector<16xi32>, vector<16xi32>], vector<16xf32>,
          %add3A_272 = arith.constant 32 : i32
          %add3A_273 = vector.broadcast %add3A_272 : i32 to vector<16xi32>
          %add3A_274 = arith.addi %and3A_162, %add3A_273 : vector<16xi32>
          %add3A_275 = arith.addi %get3A_132, %add3A_274 : vector<16xi32>
          %gather3A_276 = tpu.vector_load_idx %arg10[%add3A_52, %add3A_275] : memref<128x128xf32, #tpu.memory_space<vmem>>[vector<16xi32>, vector<16xi32>], vector<16xf32>,
          tpu.vector_store_idx %arg12[%add3A_274, %add3A_52], %gather3A_276 : memref<64x128xf32, #tpu.memory_space<vmem>>[vector<16xi32>, vector<16xi32>], vector<16xf32>,
          %add3A_277 = arith.constant 48 : i32
          %add3A_278 = vector.broadcast %add3A_277 : i32 to vector<16xi32>
          %add3A_279 = arith.addi %and3A_162, %add3A_278 : vector<16xi32>
          %add3A_280 = arith.addi %get3A_132, %add3A_279 : vector<16xi32>
          %gather3A_281 = tpu.vector_load_idx %arg10[%add3A_52, %add3A_280] : memref<128x128xf32, #tpu.memory_space<vmem>>[vector<16xi32>, vector<16xi32>], vector<16xf32>,
          tpu.vector_store_idx %arg12[%add3A_279, %add3A_52], %gather3A_281 : memref<64x128xf32, #tpu.memory_space<vmem>>[vector<16xi32>, vector<16xi32>], vector<16xf32>,
          %add3A_282 = arith.constant 0 : i32
          %add3A_283 = vector.broadcast %add3A_282 : i32 to vector<16xi32>
          %add3A_284 = arith.addi %and3A_162, %add3A_283 : vector<16xi32>
          %add3A_285 = arith.addi %get3A_135, %add3A_284 : vector<16xi32>
          %gather3A_286 = tpu.vector_load_idx %arg10[%add3A_55, %add3A_285] : memref<128x128xf32, #tpu.memory_space<vmem>>[vector<16xi32>, vector<16xi32>], vector<16xf32>,
          tpu.vector_store_idx %arg12[%add3A_284, %add3A_55], %gather3A_286 : memref<64x128xf32, #tpu.memory_space<vmem>>[vector<16xi32>, vector<16xi32>], vector<16xf32>,
          %add3A_287 = arith.constant 16 : i32
          %add3A_288 = vector.broadcast %add3A_287 : i32 to vector<16xi32>
          %add3A_289 = arith.addi %and3A_162, %add3A_288 : vector<16xi32>
          %add3A_290 = arith.addi %get3A_135, %add3A_289 : vector<16xi32>
          %gather3A_291 = tpu.vector_load_idx %arg10[%add3A_55, %add3A_290] : memref<128x128xf32, #tpu.memory_space<vmem>>[vector<16xi32>, vector<16xi32>], vector<16xf32>,
          tpu.vector_store_idx %arg12[%add3A_289, %add3A_55], %gather3A_291 : memref<64x128xf32, #tpu.memory_space<vmem>>[vector<16xi32>, vector<16xi32>], vector<16xf32>,
          %add3A_292 = arith.constant 32 : i32
          %add3A_293 = vector.broadcast %add3A_292 : i32 to vector<16xi32>
          %add3A_294 = arith.addi %and3A_162, %add3A_293 : vector<16xi32>
          %add3A_295 = arith.addi %get3A_135, %add3A_294 : vector<16xi32>
          %gather3A_296 = tpu.vector_load_idx %arg10[%add3A_55, %add3A_295] : memref<128x128xf32, #tpu.memory_space<vmem>>[vector<16xi32>, vector<16xi32>], vector<16xf32>,
          tpu.vector_store_idx %arg12[%add3A_294, %add3A_55], %gather3A_296 : memref<64x128xf32, #tpu.memory_space<vmem>>[vector<16xi32>, vector<16xi32>], vector<16xf32>,
          %add3A_297 = arith.constant 48 : i32
          %add3A_298 = vector.broadcast %add3A_297 : i32 to vector<16xi32>
          %add3A_299 = arith.addi %and3A_162, %add3A_298 : vector<16xi32>
          %add3A_300 = arith.addi %get3A_135, %add3A_299 : vector<16xi32>
          %gather3A_301 = tpu.vector_load_idx %arg10[%add3A_55, %add3A_300] : memref<128x128xf32, #tpu.memory_space<vmem>>[vector<16xi32>, vector<16xi32>], vector<16xf32>,
          tpu.vector_store_idx %arg12[%add3A_299, %add3A_55], %gather3A_301 : memref<64x128xf32, #tpu.memory_space<vmem>>[vector<16xi32>, vector<16xi32>], vector<16xf32>,
          %add3A_302 = arith.constant 0 : i32
          %add3A_303 = vector.broadcast %add3A_302 : i32 to vector<16xi32>
          %add3A_304 = arith.addi %and3A_162, %add3A_303 : vector<16xi32>
          %add3A_305 = arith.addi %get3A_138, %add3A_304 : vector<16xi32>
          %gather3A_306 = tpu.vector_load_idx %arg10[%add3A_58, %add3A_305] : memref<128x128xf32, #tpu.memory_space<vmem>>[vector<16xi32>, vector<16xi32>], vector<16xf32>,
          tpu.vector_store_idx %arg12[%add3A_304, %add3A_58], %gather3A_306 : memref<64x128xf32, #tpu.memory_space<vmem>>[vector<16xi32>, vector<16xi32>], vector<16xf32>,
          %add3A_307 = arith.constant 16 : i32
          %add3A_308 = vector.broadcast %add3A_307 : i32 to vector<16xi32>
          %add3A_309 = arith.addi %and3A_162, %add3A_308 : vector<16xi32>
          %add3A_310 = arith.addi %get3A_138, %add3A_309 : vector<16xi32>
          %gather3A_311 = tpu.vector_load_idx %arg10[%add3A_58, %add3A_310] : memref<128x128xf32, #tpu.memory_space<vmem>>[vector<16xi32>, vector<16xi32>], vector<16xf32>,
          tpu.vector_store_idx %arg12[%add3A_309, %add3A_58], %gather3A_311 : memref<64x128xf32, #tpu.memory_space<vmem>>[vector<16xi32>, vector<16xi32>], vector<16xf32>,
          %add3A_312 = arith.constant 32 : i32
          %add3A_313 = vector.broadcast %add3A_312 : i32 to vector<16xi32>
          %add3A_314 = arith.addi %and3A_162, %add3A_313 : vector<16xi32>
          %add3A_315 = arith.addi %get3A_138, %add3A_314 : vector<16xi32>
          %gather3A_316 = tpu.vector_load_idx %arg10[%add3A_58, %add3A_315] : memref<128x128xf32, #tpu.memory_space<vmem>>[vector<16xi32>, vector<16xi32>], vector<16xf32>,
          tpu.vector_store_idx %arg12[%add3A_314, %add3A_58], %gather3A_316 : memref<64x128xf32, #tpu.memory_space<vmem>>[vector<16xi32>, vector<16xi32>], vector<16xf32>,
          %add3A_317 = arith.constant 48 : i32
          %add3A_318 = vector.broadcast %add3A_317 : i32 to vector<16xi32>
          %add3A_319 = arith.addi %and3A_162, %add3A_318 : vector<16xi32>
          %add3A_320 = arith.addi %get3A_138, %add3A_319 : vector<16xi32>
          %gather3A_321 = tpu.vector_load_idx %arg10[%add3A_58, %add3A_320] : memref<128x128xf32, #tpu.memory_space<vmem>>[vector<16xi32>, vector<16xi32>], vector<16xf32>,
          tpu.vector_store_idx %arg12[%add3A_319, %add3A_58], %gather3A_321 : memref<64x128xf32, #tpu.memory_space<vmem>>[vector<16xi32>, vector<16xi32>], vector<16xf32>,
        }
        %scan3A_144 = arith.constant 16 : i32
        %dma_start3A_145 = arith.constant 0 : i32
        %dma_start3A_146 = tpu.memref_slice %arg4[%add3A_100, %dma_start3A_145, %mul3A_2] : memref<50x64x4096xf32, #tpu.memory_space<hbm>> -> memref<1x64x128xf32, #tpu.memory_space<hbm>>
        %dma_start3A_147 = tpu.memref_squeeze %dma_start3A_146 : memref<1x64x128xf32, #tpu.memory_space<hbm>> -> memref<64x128xf32, #tpu.memory_space<hbm>>
        %dma_start3A_148 = arith.constant 0 : i32
        %dma_start3A_149 = tpu.memref_slice %arg4[%add3A_100, %dma_start3A_148, %mul3A_2] : memref<50x64x4096xf32, #tpu.memory_space<hbm>> -> memref<1x64x128xf32, #tpu.memory_space<hbm>>
        %dma_start3A_150 = tpu.memref_squeeze %dma_start3A_149 : memref<1x64x128xf32, #tpu.memory_space<hbm>> -> memref<64x128xf32, #tpu.memory_space<hbm>>
        tpu.enqueue_dma source(%arg12 : memref<64x128xf32, #tpu.memory_space<vmem>>) target(%dma_start3A_150 : memref<64x128xf32, #tpu.memory_space<hbm>>) target_semaphore(%arg18 : memref<!tpu.dma_semaphore, #tpu.memory_space<semaphore_mem>>)
        %add3A_151 = arith.constant 4 : i32
        %add3A_152 = arith.addi %add3A_100, %add3A_151 : i32
        %lt3A_153 = arith.constant 50 : i32
        %lt3A_154 = arith.cmpi slt, %add3A_152, %lt3A_153 : i32
        %convert_element_type3A_155 = arith.extui %lt3A_154 : i1 to i32
        %cond3A_156 = arith.constant 0 : i32
        %cond3A_157 = arith.cmpi ne, %convert_element_type3A_155, %cond3A_156 : i32
        scf.if %cond3A_157 {
          %add3A_158 = arith.constant 4 : i32
          %add3A_159 = arith.addi %add3A_100, %add3A_158 : i32
          %dma_start3A_160 = arith.constant 0 : i32
          %dma_start3A_161 = tpu.memref_slice %arg5[%add3A_159, %dma_start3A_160] : memref<50x128xi32, #tpu.memory_space<vmem>> -> memref<1x128xi32, #tpu.memory_space<vmem>>
          %dma_start3A_162 = tpu.memref_squeeze %dma_start3A_161 : memref<1x128xi32, #tpu.memory_space<vmem>> -> memref<128xi32, #tpu.memory_space<vmem>>
          %dma_start3A_163 = arith.constant 0 : i32
          %dma_start3A_164 = arith.constant 0 : i32
          %dma_start3A_165 = tpu.memref_slice %arg3[%dma_start3A_163, %dma_start3A_164] : memref<500000x128xf32, #tpu.memory_space<hbm>> -> memref<500000x128xf32, #tpu.memory_space<hbm>>
          tpu.enqueue_indirect_dma source(%dma_start3A_165 : memref<500000x128xf32, #tpu.memory_space<hbm>>) target(%arg10 : memref<128x128xf32, #tpu.memory_space<vmem>>) offsets(%dma_start3A_162 : memref<128xi32, #tpu.memory_space<vmem>>) semaphore(%arg16 : memref<!tpu.dma_semaphore, #tpu.memory_space<semaphore_mem>>)
        } else {
        }
      } else {
      }
    }
    %scan3A_64 = arith.constant 13 : i32
    %dma_wait3A = arith.constant 48 : i32
    %dma_wait3A_65 = arith.constant 0 : i32
    %dma_wait3A_66 = tpu.memref_slice %arg4[%dma_wait3A, %dma_wait3A_65, %mul3A_2] : memref<50x64x4096xf32, #tpu.memory_space<hbm>> -> memref<1x64x128xf32, #tpu.memory_space<hbm>>
    %dma_wait3A_67 = tpu.memref_squeeze %dma_wait3A_66 : memref<1x64x128xf32, #tpu.memory_space<hbm>> -> memref<64x128xf32, #tpu.memory_space<hbm>>
    %dma_wait3A_68 = arith.constant 0 : i32
    %dma_wait3A_69 = tpu.memref_slice %arg4[%dma_wait3A, %dma_wait3A_68, %mul3A_2] : memref<50x64x4096xf32, #tpu.memory_space<hbm>> -> memref<1x64x128xf32, #tpu.memory_space<hbm>>
    %dma_wait3A_70 = tpu.memref_squeeze %dma_wait3A_69 : memref<1x64x128xf32, #tpu.memory_space<hbm>> -> memref<64x128xf32, #tpu.memory_space<hbm>>
    tpu.wait_dma2 semaphore(%arg17 : memref<!tpu.dma_semaphore, #tpu.memory_space<semaphore_mem>>) src(%arg11 : memref<64x128xf32, #tpu.memory_space<vmem>>) dst(%dma_wait3A_70 : memref<64x128xf32, #tpu.memory_space<hbm>>)
    %dma_wait3A_71 = arith.constant 49 : i32
    %dma_wait3A_72 = arith.constant 0 : i32
    %dma_wait3A_73 = tpu.memref_slice %arg4[%dma_wait3A_71, %dma_wait3A_72, %mul3A_2] : memref<50x64x4096xf32, #tpu.memory_space<hbm>> -> memref<1x64x128xf32, #tpu.memory_space<hbm>>
    %dma_wait3A_74 = tpu.memref_squeeze %dma_wait3A_73 : memref<1x64x128xf32, #tpu.memory_space<hbm>> -> memref<64x128xf32, #tpu.memory_space<hbm>>
    %dma_wait3A_75 = arith.constant 0 : i32
    %dma_wait3A_76 = tpu.memref_slice %arg4[%dma_wait3A_71, %dma_wait3A_75, %mul3A_2] : memref<50x64x4096xf32, #tpu.memory_space<hbm>> -> memref<1x64x128xf32, #tpu.memory_space<hbm>>
    %dma_wait3A_77 = tpu.memref_squeeze %dma_wait3A_76 : memref<1x64x128xf32, #tpu.memory_space<hbm>> -> memref<64x128xf32, #tpu.memory_space<hbm>>
    tpu.wait_dma2 semaphore(%arg18 : memref<!tpu.dma_semaphore, #tpu.memory_space<semaphore_mem>>) src(%arg12 : memref<64x128xf32, #tpu.memory_space<vmem>>) dst(%dma_wait3A_77 : memref<64x128xf32, #tpu.memory_space<hbm>>)
    return
  }
}

</mosaic_0001>

<sc_bundles>
// kernel: kernel.3.cloned.1.call-start
scs
__scs_entry_jumppad:
0x0: {  	(pc) =	sbr.rel $0x88, $3  }
0x1: {  	(tag) =	ssettag $0x0;
	lr =	simm.s32 $0x1  }
0x2: {  	[smem:$0x3F9F] =	sst lr;
	_ =	strace $0xD0000000  }
0x3: {  	_ = 	snop  }
0x4: {  	_ = 	snop  }
0x5: {  	_ = 	snop  }
0x6: {  	_ = 	snop  }
0x7: {  	_ = 	snop  }
__scs_overlays_trampoline_lowered:
0x8: {  	[smem:$0x3FAE] =	sst s0  }
0x9: {  	[smem:$0x3FAF] =	sst s1  }
0xa: {  	[smem:$0x3FB0] =	sst s2  }
0xb: {  	[smem:$0x3FB1] =	sst s3  }
0xc: {  	[smem:$0x3FB2] =	sst s4  }
0xd: {  	[smem:$0x3FB3] =	sst s5  }
0xe: {  	[smem:$0x3FB4] =	sst s6  }
0xf: {  	[smem:$0x3FB5] =	sst s7  }
0x10: {  	[smem:$0x3FB6] =	sst s8  }
0x11: {  	[smem:$0x3FB7] =	sst s9;
	s0 =	simm.s32 @!p0 $0x0  }
0x12: {  	s1 =	sld [smem:$0x3F9D];
	s0 =	simm.s32 @p0 $0x1  }
0x13: {  	[smem:$0x3FB8] =	sst s0;
	s0 =	simm.s32 @!p1 $0x0  }
0x14: {  	s2 =	sld [smem:$0x3F9C];
	s0 =	simm.s32 @p1 $0x1  }
0x15: {  	[smem:$0x3FB9] =	sst s0;
	s0 =	simm.s32 @!p2 $0x0  }
0x16: {  	s3 =	sld [smem:$0x3FDB];
	s0 =	simm.s32 @p2 $0x1  }
0x17: {  	s4 =	simm.s32 $0x1BF5;
	[smem:$0x3FBB] =	sst s0  }
0x18: {  	s0 =	sld [smem:$0x3F9E];
	_ =	swait.ge [sflag:s4], $0x0  }
0x19: {  	s7 =	sld [smem:$0x3F9F]  }
0x1a: {  	s8 =	sadd.s32 $0xFFFFE003, lr  }
0x1b: {  	s9 =	sadd.s32 $0xFFFFFEF7, lr;
	s5 =	simm.s32 $0xFFFFFFFF;
	p2 =	slt.u32 s8, $0xFFFFF086  }
0x1c: {  	p1 =	slt.u32 s9, $0xF7A;
	s5 =	simm.s32 @!p2 $0x0  }
0x1d: {  	s5 =	simm.s32 @p1 $0x1;
	p0 =	seq.s32 s7, s2  }
0x1e: {  	s7 =	smul.u32 @!p0 $0xF7A, s2;
	p2 =	seq.s32 @!p0 s5, $0x0  }
0x1f: {  	s9 =	smul.u32 $0xF7A, s1;
	s8 =	simm.s32 @!p0 $0x1BF5;
	p2 =	por !p2, p0  }
0x20: {  	[sflag:s8] =	ssyncset.s32 @!p0 $0xFFFFF086;
	s6 =	sadd.s32 @!p0 s3, s7;
	s7 =	simm.s32 @!p0 $0x108  }
0x21: {  	s3 =	sadd.s32 s3, s9;
	s6 =	sadd.s32 @!p0 $0x88, s6;
	s7 =	simm.s32 @p2 $0x1082  }
0x22: {  	[simem:s7], [sflag:s8] =	dma.local @!p0 [hbm:s6], $0xF7A  }
0x23: {  	s9 =	sor.u32 $0xD0000000, s2;
	s6 =	simm.s32 $0x108;
	_ =	swait.ge @!p0 [sflag:s8], $0x0  }
0x24: {  	s3 =	sadd.s32 $0x88, s3;
	s6 =	simm.s32 @!p1 $0x1082;
	[sflag:s4] =	ssyncset.s32 $0xFFFFF086  }
0x25: {  	[simem:s6], [sflag:s4] =	dma.local [hbm:s3], $0xF7A  }
0x26: {  	[smem:$0x3F9F] =	sst s1;
	(tag) =	ssettag s2;
	_ =	strace s9  }
0x27: {  	s1 =	sld [smem:$0x3FAF]  }
0x28: {  	s2 =	sld [smem:$0x3FB0]  }
0x29: {  	s4 =	sld [smem:$0x3FB2]  }
0x2a: {  	p0 =	seq.s32 s5, $0x0;
	s5 =	sld [smem:$0x3FB3]  }
0x2b: {  	s6 =	sld [smem:$0x3FB4]  }
0x2c: {  	s7 =	sld [smem:$0x3FB5]  }
0x2d: {  	s3 =	simm.s32 $0x108;
	s8 =	sld [smem:$0x3FB6]  }
0x2e: {  	s3 =	simm.s32 @!p0 $0x1082;
	s9 =	sld [smem:$0x3FB7]  }
0x2f: {  	lr =	sadd.s32 s0, s3;
	s0 =	sld [smem:$0x3FAE]  }
0x30: {  	s3 =	sld [smem:$0x3FB1]  }
0x31: {  	[smem:$0x3FBA] =	sst s10  }
0x32: {  	s10 =	sld [smem:$0x3FB8];
	_ =	sdelay $0x3  }
0x33: {  	p0 =	seq.s32 s10, $0x1;
	s10 =	sld [smem:$0x3FBA];
	_ =	sdelay $0x3  }
0x34: {  	[smem:$0x3FBA] =	sst s10  }
0x35: {  	s10 =	sld [smem:$0x3FB9];
	_ =	sdelay $0x3  }
0x36: {  	p1 =	seq.s32 s10, $0x1;
	s10 =	sld [smem:$0x3FBA];
	_ =	sdelay $0x3  }
0x37: {  	[smem:$0x3FBA] =	sst s10  }
0x38: {  	s10 =	sld [smem:$0x3FBB]  }
0x39: {  	_ = 	snop;
	(pc) =	sbr.ind lr, $3  }
0x3a: {  	_ = 	snop  }
0x3b: {  	_ = 	snop  }
0x3c: {  	p2 =	seq.s32 s10, $0x1;
	s10 =	sld [smem:$0x3FBA]  }
0x3d: {  	_ =	shalt  }
0x3e: {  	_ =	shalt  }
0x3f: {  	_ =	shalt  }
0x40: {  	_ =	shalt  }
0x41: {  	_ =	shalt  }
0x42: {  	_ =	shalt  }
0x43: {  	_ =	shalt  }
0x44: {  	_ =	shalt  }
0x45: {  	_ =	shalt  }
0x46: {  	_ =	shalt  }
0x47: {  	_ =	shalt  }
0x48: {  	_ =	shalt  }
0x49: {  	_ =	shalt  }
0x4a: {  	_ =	shalt  }
0x4b: {  	_ =	shalt  }
0x4c: {  	_ =	shalt  }
0x4d: {  	_ =	shalt  }
0x4e: {  	_ =	shalt  }
0x4f: {  	_ =	shalt  }
0x50: {  	_ =	shalt  }
0x51: {  	_ =	shalt  }
0x52: {  	_ =	shalt  }
0x53: {  	_ =	shalt  }
0x54: {  	_ =	shalt  }
0x55: {  	_ =	shalt  }
0x56: {  	_ =	shalt  }
0x57: {  	_ =	shalt  }
0x58: {  	_ =	shalt  }
0x59: {  	_ =	shalt  }
0x5a: {  	_ =	shalt  }
0x5b: {  	_ =	shalt  }
0x5c: {  	_ =	shalt  }
0x5d: {  	_ =	shalt  }
0x5e: {  	_ =	shalt  }
0x5f: {  	_ =	shalt  }
0x60: {  	_ =	shalt  }
0x61: {  	_ =	shalt  }
0x62: {  	_ =	shalt  }
0x63: {  	_ =	shalt  }
0x64: {  	_ =	shalt  }
0x65: {  	_ =	shalt  }
0x66: {  	_ =	shalt  }
0x67: {  	_ =	shalt  }
0x68: {  	_ =	shalt  }
0x69: {  	_ =	shalt  }
0x6a: {  	_ =	shalt  }
0x6b: {  	_ =	shalt  }
0x6c: {  	_ =	shalt  }
0x6d: {  	_ =	shalt  }
0x6e: {  	_ =	shalt  }
0x6f: {  	_ =	shalt  }
0x70: {  	_ =	shalt  }
0x71: {  	_ =	shalt  }
0x72: {  	_ =	shalt  }
0x73: {  	_ =	shalt  }
0x74: {  	_ =	shalt  }
0x75: {  	_ =	shalt  }
0x76: {  	_ =	shalt  }
0x77: {  	_ =	shalt  }
0x78: {  	_ =	shalt  }
0x79: {  	_ =	shalt  }
0x7a: {  	_ =	shalt  }
0x7b: {  	_ =	shalt  }
0x7c: {  	_ =	shalt  }
0x7d: {  	_ =	shalt  }
0x7e: {  	_ =	shalt  }
0x7f: {  	_ =	shalt  }
0x80: {  	_ =	shalt  }
0x81: {  	_ =	shalt  }
0x82: {  	_ =	shalt  }
0x83: {  	_ =	shalt  }
0x84: {  	_ =	shalt  }
0x85: {  	_ =	shalt  }
0x86: {  	_ =	shalt  }
0x87: {  	_ =	shalt  }
.Lfunc_end0:
.L_simem_size_0:
called_computation_lowered:
.L_overlay_start_0:
0x88: {  	s2 =	sld [smem:$0x3FD9]  }
0x89: {  	s3 =	sld [smem:$0x3FFE];
	_ =	sdelay $0x1  }
0x8a: {  	s1 =	srdreg.scid  }
0x8b: {  	s0 =	sand.u32 $0x1, s1  }
0x8c: {  	s17 =	sshll.u32 s0, $0xA;
	s2 =	sadd.s32 s3, s2  }
0x8d: {  	s2 =	sadd.s32 s2, s17  }
0x8e: {  	[smem:$0x3FC6] =	sst s2  }
0x8f: {  	_ = 	snop  }
0x90: {  	s2 =	sld [smem:$0x3FC9]  }
0x91: {  	s18 =	sld [smem:$0x3FD0];
	(tm) =	ssettm $0x1  }
0x92: {  	s4 =	sld [smem:$0x3FFB];
	_ =	sdelay $0x3  }
0x93: {  	_ =	strace s4  }
0x94: {  	s4 =	sld [smem:$0x3FFC];
	_ =	sdelay $0x3  }
0x95: {  	_ =	strace s4  }
0x96: {  	s4 =	sld [smem:$0x3FFD];
	_ =	sdelay $0x3  }
0x97: {  	_ =	strace s4  }
0x98: {  	_ =	strace $0x8FFFFFFF  }
0x99: {  	s19 =	sld [smem:$0x3FDB];
	_ =	sdelay $0x1  }
0x9a: {  	s5 =	simm.s32 $_scs_section_size  }
0x9b: {  	s6 =	simm.s32 $_size__tile_overlayer_lowered;
	s7 =	simm.s32 $_tile_overlayer_lowered  }
0x9c: {  	s22 =	simm.s32 $0x1BFF;
	s21 =	sshll.u32 s7, $0x1;
	s4 =	sadd.s32 s5, s19  }
0x9d: {  	s8 =	simm.s32 $0x0;
	s20 =	sshll.u32 s6, $0x1;
	s6 =	sadd.s32 s21, s4  }
0x9e: {  	[timem:s8], [sflag:s22] =	dma.local [hbm:s6], s20  }
0x9f: {  	_ =	swait.ge [sflag:s22], s20  }
0xa0: {  	s5 =	ssub.s32 $0x0, s20;
	[sflag:s22] =	ssyncset.done $0x0  }
0xa1: {  	[sflag:s22] =	ssyncadd.s32 s5;
	_ =	sdelay $0x1  }
0xa2: {  	s23 =	simm.s32 $0x1B8B  }
0xa3: {  	_ =	swait.ge [sflag:s23], $0x1  }
0xa4: {  	[sflag:s23] =	ssyncset.done $0x0  }
0xa5: {  	s25 =	simm.s32 $0x1B8E;
	s24 =	sld [smem:$0x3FFE];
	[sflag:s23] =	ssyncadd.s32 $0xFFFFFFFF  }
0xa6: {  	s26 =	simm.s32 $execute0_lowered;
	[smem:$0x3FD2] =	sst s25  }
0xa7: {  	s6 =	sshll.u32 s26, $0x1;
	_ =	strace $0x80000046;
	[dreg:$0x1] =	wrdreg $0xFFFFFFFF  }
0xa8: {  	s28 =	simm.s32 $_size_execute0_lowered;
	s4 =	sadd.s32 s4, s6;
	[dreg:$0x0] =	wrdreg $0x0  }
0xa9: {  	s6 =	sshll.u32 s28, $0x1;
	[dreg:$0x2] =	wrdreg s4  }
0xaa: {  	[dreg:$0x3] =	wrdreg s6  }
0xab: {  	[dreg:$0x4] =	wrdreg $0xC0  }
0xac: {  	_ =	task [dreg:s8], $0x5FFFF  }
0xad: {  	[dreg:$0x1] =	wrdreg $0xFFFFFFFF  }
0xae: {  	[dreg:$0x0] =	wrdreg $0x60  }
0xaf: {  	[dreg:$0x2] =	wrdreg s2  }
0xb0: {  	[dreg:$0x3] =	wrdreg s24  }
0xb1: {  	[dreg:$0x4] =	wrdreg s18  }
0xb2: {  	[dreg:$0x5] =	wrdreg $0x9  }
0xb3: {  	_ =	task.clear_ibuf [dreg:s8], $0x6FFFF;
	_ =	strace $0x90000046  }
0xb4: {  	s29 =	simm.s32 $0x9;
	_ =	strace $0x80000048  }
0xb5: {  	_ =	swait.ge [sflag:s29], $0x1  }
0xb6: {  	[sflag:s29] =	ssyncadd.s32 $0xFFFFFFFF  }
0xb7: {  	_ =	strace $0x90000048  }
0xb8: {  	_ =	sfence  }
0xb9: {  	s30 =	sld [smem:$0x0];
	_ =	sdelay $0x2  }
0xba: {  	s31 =	sshll.u32 s1, $0xD;
	s1 =	sshrl.u32 s1, $0x2  }
0xbb: {  	s3 =	sand.u32 $0x4000, s31;
	s1 =	sadd.s32 s1, s30  }
0xbc: {  	s0 =	sor.u32 s3, s0;
	s1 =	sshll.u32 s1, $0x11  }
0xbd: {  	s0 =	sor.u32 s1, s0  }
0xbe: {  	s0 =	sadd.s32 $0x8F2B, s0  }
0xbf: {  	[sflag:s0] =	ssyncadd.remote.s32 $0x1  }
0xc0: {  	_ =	sfence.sel $0xFFFF  }
0xc1: {  	[dreg:$0x0] =	wrdreg $0xFFFFFFFF;
	(pc) =	sbr.abs _section_cstart, $3  }
0xc2: {  	[dreg:$0x1] =	wrdreg $0xFFFFFFFF  }
0xc3: {  	_ =	task.clear_ibuf [dreg:s8], $0x2FFFF;
	_ =	strace $0x9FFFFFFF  }
0xc4: {  	(tm) =	ssettm $0x7FFFFFFF  }
0xc5: {  	_ =	shalt  }
tec
execute0_lowered:
.L_overlay_start_1:
0x0: {  	(tag) =	ssettag $0x1  }
0x1: {  	s0 =	rddreg [dreg:$0x0]  }
0x2: {  	s1 =	srdreg.scid;
	s6 =	rddreg [dreg:$0x1]  }
0x3: {  	s3 =	stileid.u32;
	s2 =	rddreg [dreg:$0x2];
	s9 =	simm.s32 $0x400  }
0x4: {  	s10 =	simm.s32 $0x8000;
	s12 =	simm.s32 $0x7;
	s13 =	simm.s32 $0x80  }
0x5: {  	s14 =	simm.s32 $0x3800;
	s15 =	simm.s32 $0x7800;
	s17 =	simm.s32 $0xB800  }
0x6: {  	s19 =	simm.s32 $0xF800;
	s20 =	simm.s32 $0x1;
	s21 =	simm.s32 $0x13800  }
0x7: {  	s22 =	simm.s32 $0x2;
	s23 =	simm.s32 $0x15800;
	s24 =	simm.s32 $0x5  }
0x8: {  	s25 =	simm.s32 $0x6;
	s26 =	simm.s32 $0x3;
	s28 =	simm.s32 $0x4  }
0x9: {  	v0 =	vlaneseq.u32;
	s29 =	simm.s32 $0x0;
	s30 =	simm.s32 $0x0;
	s1 =	sand.u32 $0x1, s1  }
.Ltmp0:
0xa: {  	s4 =	sshll.u32 s3, $0xB;
	v1 =	vmul.u32 $0x80, v0;
	v3 =	vor.u32 $0x10, v0;
	v5 =	vor.u32 $0x20, v0;
	s5 =	sshll.u32 s1, $0xA;
	(pc) =	sbr.rel .LBB2_1-.Ltmp0, $4  }
0xb: {  	s3 =	simm.s32 $0x0;
	v7 =	vor.u32 $0x30, v0;
	v9 =	vor.u32 $0x40, v0;
	v11 =	vor.u32 $0x50, v0;
	s1 =	ssub.s32 $0x2, s1;
	s4 =	sor.u32 s5, s4  }
0xc: {  	s6 =	sadd.s32 $0xF42800, s6;
	v13 =	vor.u32 $0x60, v0;
	v15 =	vor.u32 $0x70, v0;
	s7 =	sshrl.u32 s1, $0x1;
	v2 =	vor.u32 $0x800, v1;
	s5 =	sshrl.u32 s4, $0x3  }
0xd: {  	[smem:$0x7FF] =	sst s3;
	v4 =	vor.u32 $0x1000, v1;
	v6 =	vor.u32 $0x1800, v1;
	v8 =	vor.u32 $0x2000, v1;
	s31 =	ssub.s32 s1, s7;
	s5 =	sadd.s32 s0, s5  }
0xe: {  	_ =	strace $0x80000047;
	v10 =	vor.u32 $0x2800, v1;
	v12 =	vor.u32 $0x3000, v1;
	v14 =	vor.u32 $0x3800, v1;
	s8 =	smax.u32 s31, $0x1;
	s7 =	sadd.s32 $0x6000, s5  }
.LBB2_18:
0xf: {  	s29 =	sadd.s32 $0x1, s29  }
0x10: {  	_ =	swait.ge [sflag:s24], $0x2000;
	p0 =	sne.s32 s29, s8  }
.Ltmp1:
0x11: {  	[sflag:s24] =	ssyncset.done $0x0;
	(pc) =	sbr.rel @!p0 .LBB2_19-.Ltmp1, $4  }
0x12: {  	[sflag:s24] =	ssyncadd.s32 $0xFFFFE000  }
0x13: {  	_ =	swait.ge [sflag:s25], $0x2000  }
0x14: {  	[sflag:s25] =	ssyncset.done $0x0  }
0x15: {  	[sflag:s25] =	ssyncadd.s32 $0xFFFFE000  }
.LBB2_1:
0x16: {  	[tilespmem:s3], [sflag:$0x7] =	stream.strided.gather [hbm4b:s5+s9], $0x1800, s10, s9, $0x38;
	[tilespmem:$0x17800] =	vst v63  }
0x17: {  	s0 =	simm.s32 $0x1800  }
0x18: {  	[tilespmem:s0], [sflag:$0x7] =	stream.linear.gather [hbm4b:s7+s3], $0x100, $0x38;
	[tilespmem:$0x17800] =	vst v63  }
0x19: {  	_ =	swait.ge [sflag:s12], $0x1900  }
0x1a: {  	[sflag:s12] =	ssyncset.done $0x0  }
0x1b: {  	s0 =	simm.s32 $0x0;
	[sflag:s12] =	ssyncadd.s32 $0xFFFFE700  }
0x1c: {  	v17 =	vld [tilespmem:s0+$0x0]  }
0x1d: {  	v20 =	vld [tilespmem:s0+$0x10]  }
0x1e: {  	v19 =	vld [tilespmem:s0+$0x20]  }
0x1f: {  	v18 =	vld [tilespmem:s0+$0x30]  }
0x20: {  	v16 =	vld [tilespmem:s0+$0x40]  }
0x21: {  	s1 =	simm.s32 $0x200;
	v21 =	vshll.u32 v17, $0x6;
	v22 =	vshrl.u32 v17, $0x1;
	v17 =	vld [tilespmem:s0+$0x50]  }
.LBB2_2:
0x22: {  	p0 =	sne.s32 s1, $0x6200;
	v21 =	vand.u32 $0x40, v21;
	[tilespmem:s0+$0x0] =	vst v22;
	v22 =	vshll.u32 v20, $0x6;
	v20 =	vshrl.u32 v20, $0x1;
	v23 =	vld [tilespmem:s0+$0x60]  }
0x23: {  	v22 =	vand.u32 $0x40, v22;
	[tilespmem:s0+$0x10] =	vst v20;
	v20 =	vshll.u32 v19, $0x6;
	v19 =	vshrl.u32 v19, $0x1;
	v24 =	vld [tilespmem:s0+$0x70]  }
0x24: {  	v20 =	vand.u32 $0x40, v20;
	[tilespmem:s0+$0x20] =	vst v19;
	v19 =	vshll.u32 v18, $0x6;
	v18 =	vshrl.u32 v18, $0x1  }
0x25: {  	v19 =	vand.u32 $0x40, v19;
	[tilespmem:s0+$0x30] =	vst v18;
	v18 =	vshll.u32 v16, $0x6;
	v16 =	vshrl.u32 v16, $0x1  }
0x26: {  	v18 =	vand.u32 $0x40, v18;
	[tilespmem:s0+$0x40] =	vst v16;
	v16 =	vshll.u32 v17, $0x6;
	v17 =	vshrl.u32 v17, $0x1  }
0x27: {  	v16 =	vand.u32 $0x40, v16;
	[tilespmem:s0+$0x50] =	vst v17;
	v17 =	vshll.u32 v23, $0x6;
	v23 =	vshrl.u32 v23, $0x1  }
0x28: {  	v17 =	vand.u32 $0x40, v17;
	[tilespmem:s0+$0x60] =	vst v23;
	v23 =	vshll.u32 v24, $0x6;
	v24 =	vshrl.u32 v24, $0x1  }
0x29: {  	v23 =	vand.u32 $0x40, v23;
	[tilespmem:s0+$0x70] =	vst v24  }
0x2a: {  	[tilespmem:s0+$0x1C00] =	vst v21  }
0x2b: {  	s11 =	sshra.s32 s1, $0x2;
	[tilespmem:s0+$0x1C10] =	vst v22  }
0x2c: {  	v22 =	vld [tilespmem:s11+$0x0];
	[tilespmem:s0+$0x1C20] =	vst v20  }
.Ltmp2:
0x2d: {  	v20 =	vld [tilespmem:s11+$0x10];
	[tilespmem:s0+$0x1C30] =	vst v19;
	(pc) =	sbr.rel @p0 .LBB2_2-.Ltmp2, $4  }
0x2e: {  	v19 =	vld [tilespmem:s11+$0x20];
	[tilespmem:s0+$0x1C40] =	vst v18  }
0x2f: {  	v18 =	vld [tilespmem:s11+$0x30];
	[tilespmem:s0+$0x1C50] =	vst v16  }
0x30: {  	v16 =	vld [tilespmem:s11+$0x40];
	[tilespmem:s0+$0x1C60] =	vst v17  }
0x31: {  	s1 =	sadd.s32 $0x200, s1;
	v21 =	vshll.u32 v22, $0x6;
	v22 =	vshrl.u32 v22, $0x1;
	v17 =	vld [tilespmem:s11+$0x50];
	[tilespmem:s0+$0x1C70] =	vst v23;
	s0 =	smov.u32 s11  }
0x32: {  	[tilespmem:s0+$0x0] =	vst v22;
	v52 =	vshrl.u32 v20, $0x1  }
0x33: {  	v21 =	vand.u32 $0x40, v21;
	[tilespmem:s0+$0x10] =	vst v52  }
0x34: {  	v59 =	vshll.u32 v20, $0x6;
	v53 =	vshrl.u32 v19, $0x1;
	[tilespmem:s0+$0x1C00] =	vst v21  }
0x35: {  	v20 =	vand.u32 $0x40, v59;
	[tilespmem:s0+$0x20] =	vst v53  }
0x36: {  	v60 =	vshll.u32 v19, $0x6;
	v54 =	vshrl.u32 v18, $0x1;
	[tilespmem:s0+$0x1C10] =	vst v20  }
0x37: {  	v23 =	vld [tilespmem:s0+$0x60];
	v19 =	vand.u32 $0x40, v60;
	[tilespmem:s0+$0x30] =	vst v54  }
0x38: {  	v24 =	vld [tilespmem:s0+$0x70];
	v61 =	vshll.u32 v18, $0x6;
	v55 =	vshrl.u32 v16, $0x1;
	[tilespmem:s0+$0x1C20] =	vst v19  }
0x39: {  	v18 =	vand.u32 $0x40, v61;
	[tilespmem:s0+$0x40] =	vst v55  }
0x3a: {  	v16 =	vshll.u32 v16, $0x6;
	v56 =	vshrl.u32 v17, $0x1;
	[tilespmem:s0+$0x1C30] =	vst v18  }
0x3b: {  	v16 =	vand.u32 $0x40, v16;
	[tilespmem:s0+$0x50] =	vst v56  }
0x3c: {  	v57 =	vshrl.u32 v23, $0x1;
	[tilespmem:s0+$0x1C40] =	vst v16  }
0x3d: {  	v17 =	vshll.u32 v17, $0x6;
	v58 =	vshrl.u32 v24, $0x1;
	[tilespmem:s0+$0x60] =	vst v57  }
0x3e: {  	v17 =	vand.u32 $0x40, v17;
	v62 =	vshll.u32 v23, $0x6;
	[tilespmem:s0+$0x70] =	vst v58  }
0x3f: {  	v63 =	vshll.u32 v24, $0x6;
	v16 =	vand.u32 $0x40, v62;
	[tilespmem:s0+$0x1C50] =	vst v17  }
0x40: {  	v17 =	vand.u32 $0x40, v63;
	[tilespmem:s0+$0x1C60] =	vst v16  }
0x41: {  	[tilespmem:s0+$0x1C70] =	vst v17  }
0x42: {  	[tilespmem:s14], [sflag:$0x1] =	stream.indirect.gather [hbm4b:s6+s13], $0x80, s30, s13, $0xb8;
	[tilespmem:$0x17800] =	vst v63  }
0x43: {  	_ = 	snop  }
0x44: {  	[tilespmem:s15], [sflag:$0x2] =	stream.indirect.gather [hbm4b:s6+s13], $0x80, s13, s13, $0xb8;
	[tilespmem:$0x17800] =	vst v63  }
.Ltmp3:
0x45: {  	_ = 	snop;
	(pc) =	sbr.rel .LBB2_4-.Ltmp3, $4  }
0x46: {  	s16 =	simm.s32 $0x100  }
0x47: {  	[tilespmem:s17], [sflag:$0x3] =	stream.indirect.gather [hbm4b:s6+s13], $0x80, s16, s13, $0xb8;
	[tilespmem:$0x17800] =	vst v63  }
0x48: {  	s18 =	simm.s32 $0x180;
	s31 =	simm.s32 $0x0  }
0x49: {  	[tilespmem:s19], [sflag:$0x4] =	stream.indirect.gather [hbm4b:s6+s13], $0x80, s18, s13, $0xb8;
	[tilespmem:$0x17800] =	vst v63  }
.LBB2_17:
0x4a: {  	s31 =	sadd.s32 $0x1, s31  }
0x4b: {  	p0 =	sne.s32 s31, $0xD  }
.Ltmp4:
0x4c: {  	_ = 	snop;
	(pc) =	sbr.rel @!p0 .LBB2_18-.Ltmp4, $1  }
0x4d: {  	_ =	sdelay $0x3  }
.LBB2_4:
0x4e: {  	_ =	swait.ge [sflag:s20], $0x4000  }
0x4f: {  	p0 =	seq.s32 s31, $0x0;
	[sflag:s20] =	ssyncset.done $0x0  }
0x50: {  	s0 =	simm.s32 @!p0 $0x5;
	[sflag:s20] =	ssyncadd.s32 $0xFFFFC000  }
0x51: {  	_ =	swait.ge @!p0 [sflag:s0], $0x2000  }
0x52: {  	s11 =	sshll.u32 s31, $0xB;
	[sflag:s0] =	ssyncset.done @!p0 $0x0  }
0x53: {  	s1 =	sshrl.u32 s11, $0x2;
	[sflag:s0] =	ssyncadd.s32 @!p0 $0xFFFFE000  }
0x54: {  	v23 =	vld [tilespmem:s1+$0x1C00];
	_ =	sdelay $0x2  }
0x55: {  	v24 =	vadd.s32 s30, v0  }
0x56: {  	v25 =	vand.u32 $0xF, v24  }
0x57: {  	v16 =	vadd.s32 v23, v25  }
0x58: {  	v16 =	vadd.s32 v1, v16;
	_ =	sdelay $0x2  }
0x59: {  	v22 =	vld [tilespmem:s1+$0x1C10]  }
0x5a: {  	v27 =	vor.u32 $0x10, v24;
	v26 =	vshll.u32 v25, $0x7;
	v21 =	vld [tilespmem:s1+$0x1C20]  }
0x5b: {  	v29 =	vor.u32 v0, v26;
	v28 =	vld.idx.msk [tilespmem:v16+s14+$0x0], $0xffff;
	v16 =	vadd.s32 v23, v27  }
0x5c: {  	v20 =	vld [tilespmem:s1+$0x1C30];
	v30 =	vadd.s32 v1, v16  }
0x5d: {  	v19 =	vld [tilespmem:s1+$0x1C40]  }
0x5e: {  	v18 =	vld [tilespmem:s1+$0x1C50]  }
0x5f: {  	v17 =	vld [tilespmem:s1+$0x1C60]  }
0x60: {  	v16 =	vld [tilespmem:s1+$0x1C70];
	[tilespmem:v29+s21+$0x0] =	vst.idx.msk $0xffff, v28;
	v28 =	vshll.u32 v27, $0x7;
	v29 =	vor.u32 $0x20, v25  }
0x61: {  	v30 =	vld.idx.msk [tilespmem:v30+s14+$0x0], $0xffff;
	v31 =	vor.u32 v0, v28;
	v32 =	vadd.s32 v23, v29  }
0x62: {  	v32 =	vadd.s32 v1, v32;
	_ =	sdelay $0x3  }
0x63: {  	[tilespmem:v31+s21+$0x0] =	vst.idx.msk $0xffff, v30;
	v31 =	vshll.u32 v29, $0x7;
	v30 =	vor.u32 $0x30, v24  }
0x64: {  	v24 =	vld.idx.msk [tilespmem:v32+s14+$0x0], $0xffff;
	v43 =	vor.u32 v0, v31;
	v33 =	vadd.s32 v23, v30  }
0x65: {  	v33 =	vadd.s32 v1, v33;
	_ =	sdelay $0x3  }
0x66: {  	[tilespmem:v43+s21+$0x0] =	vst.idx.msk $0xffff, v24;
	v24 =	vshll.u32 v30, $0x7  }
0x67: {  	v34 =	vadd.s32 v22, v25;
	v32 =	vld.idx.msk [tilespmem:v33+s14+$0x0], $0xffff;
	v44 =	vor.u32 v0, v24  }
0x68: {  	v34 =	vadd.s32 v2, v34;
	_ =	sdelay $0x3  }
0x69: {  	[tilespmem:v44+s21+$0x0] =	vst.idx.msk $0xffff, v32  }
0x6a: {  	v45 =	vor.u32 v3, v26;
	v46 =	vadd.s32 v22, v27;
	v32 =	vld.idx.msk [tilespmem:v34+s14+$0x0], $0xffff  }
0x6b: {  	v34 =	vadd.s32 v2, v46;
	_ =	sdelay $0x3  }
0x6c: {  	[tilespmem:v45+s21+$0x0] =	vst.idx.msk $0xffff, v32  }
0x6d: {  	v47 =	vor.u32 v3, v28;
	v48 =	vadd.s32 v22, v29;
	v32 =	vld.idx.msk [tilespmem:v34+s14+$0x0], $0xffff  }
0x6e: {  	v34 =	vadd.s32 v2, v48;
	_ =	sdelay $0x3  }
0x6f: {  	[tilespmem:v47+s21+$0x0] =	vst.idx.msk $0xffff, v32  }
0x70: {  	v49 =	vor.u32 v3, v31;
	v50 =	vadd.s32 v22, v30;
	v32 =	vld.idx.msk [tilespmem:v34+s14+$0x0], $0xffff  }
0x71: {  	v34 =	vadd.s32 v2, v50;
	_ =	sdelay $0x3  }
0x72: {  	[tilespmem:v49+s21+$0x0] =	vst.idx.msk $0xffff, v32  }
0x73: {  	v52 =	vadd.s32 v21, v25;
	v51 =	vor.u32 v3, v24;
	v32 =	vld.idx.msk [tilespmem:v34+s14+$0x0], $0xffff  }
0x74: {  	v34 =	vadd.s32 v4, v52;
	_ =	sdelay $0x3  }
0x75: {  	[tilespmem:v51+s21+$0x0] =	vst.idx.msk $0xffff, v32  }
0x76: {  	v53 =	vor.u32 v5, v26;
	v54 =	vadd.s32 v21, v27;
	v32 =	vld.idx.msk [tilespmem:v34+s14+$0x0], $0xffff  }
0x77: {  	v34 =	vadd.s32 v4, v54;
	_ =	sdelay $0x3  }
0x78: {  	[tilespmem:v53+s21+$0x0] =	vst.idx.msk $0xffff, v32  }
0x79: {  	v55 =	vor.u32 v5, v28;
	v56 =	vadd.s32 v21, v29;
	v32 =	vld.idx.msk [tilespmem:v34+s14+$0x0], $0xffff  }
0x7a: {  	v34 =	vadd.s32 v4, v56;
	_ =	sdelay $0x3  }
0x7b: {  	[tilespmem:v55+s21+$0x0] =	vst.idx.msk $0xffff, v32  }
0x7c: {  	v57 =	vor.u32 v5, v31;
	v58 =	vadd.s32 v21, v30;
	v32 =	vld.idx.msk [tilespmem:v34+s14+$0x0], $0xffff  }
0x7d: {  	v34 =	vadd.s32 v4, v58;
	_ =	sdelay $0x3  }
0x7e: {  	[tilespmem:v57+s21+$0x0] =	vst.idx.msk $0xffff, v32  }
0x7f: {  	v60 =	vadd.s32 v20, v25;
	v59 =	vor.u32 v5, v24;
	v32 =	vld.idx.msk [tilespmem:v34+s14+$0x0], $0xffff  }
0x80: {  	v34 =	vadd.s32 v6, v60;
	_ =	sdelay $0x3  }
0x81: {  	[tilespmem:v59+s21+$0x0] =	vst.idx.msk $0xffff, v32  }
0x82: {  	v61 =	vor.u32 v7, v26;
	v62 =	vadd.s32 v20, v27;
	v32 =	vld.idx.msk [tilespmem:v34+s14+$0x0], $0xffff  }
0x83: {  	v34 =	vadd.s32 v6, v62;
	_ =	sdelay $0x3  }
0x84: {  	[tilespmem:v61+s21+$0x0] =	vst.idx.msk $0xffff, v32  }
0x85: {  	v63 =	vor.u32 v7, v28;
	v36 =	vadd.s32 v20, v29;
	v32 =	vld.idx.msk [tilespmem:v34+s14+$0x0], $0xffff  }
0x86: {  	v34 =	vadd.s32 v6, v36;
	_ =	sdelay $0x3  }
0x87: {  	[tilespmem:v63+s21+$0x0] =	vst.idx.msk $0xffff, v32  }
0x88: {  	v37 =	vor.u32 v7, v31;
	v38 =	vadd.s32 v20, v30;
	v32 =	vld.idx.msk [tilespmem:v34+s14+$0x0], $0xffff  }
0x89: {  	v34 =	vadd.s32 v6, v38;
	_ =	sdelay $0x3  }
0x8a: {  	[tilespmem:v37+s21+$0x0] =	vst.idx.msk $0xffff, v32  }
0x8b: {  	v40 =	vadd.s32 v19, v25;
	v39 =	vor.u32 v7, v24;
	v32 =	vld.idx.msk [tilespmem:v34+s14+$0x0], $0xffff  }
0x8c: {  	v34 =	vadd.s32 v8, v40;
	_ =	sdelay $0x3  }
0x8d: {  	[tilespmem:v39+s21+$0x0] =	vst.idx.msk $0xffff, v32  }
0x8e: {  	v41 =	vor.u32 v9, v26;
	v42 =	vadd.s32 v19, v27;
	v32 =	vld.idx.msk [tilespmem:v34+s14+$0x0], $0xffff  }
0x8f: {  	v34 =	vadd.s32 v8, v42;
	_ =	sdelay $0x3  }
0x90: {  	[tilespmem:v41+s21+$0x0] =	vst.idx.msk $0xffff, v32  }
0x91: {  	v43 =	vor.u32 v9, v28;
	v44 =	vadd.s32 v19, v29;
	v32 =	vld.idx.msk [tilespmem:v34+s14+$0x0], $0xffff  }
0x92: {  	v34 =	vadd.s32 v8, v44;
	_ =	sdelay $0x3  }
0x93: {  	[tilespmem:v43+s21+$0x0] =	vst.idx.msk $0xffff, v32  }
0x94: {  	v46 =	vadd.s32 v19, v30;
	v45 =	vor.u32 v9, v31;
	v32 =	vld.idx.msk [tilespmem:v34+s14+$0x0], $0xffff  }
0x95: {  	v34 =	vadd.s32 v8, v46;
	_ =	sdelay $0x3  }
0x96: {  	[tilespmem:v45+s21+$0x0] =	vst.idx.msk $0xffff, v32  }
0x97: {  	v48 =	vadd.s32 v18, v25;
	v47 =	vor.u32 v9, v24;
	v32 =	vld.idx.msk [tilespmem:v34+s14+$0x0], $0xffff  }
0x98: {  	v34 =	vadd.s32 v10, v48;
	_ =	sdelay $0x3  }
0x99: {  	[tilespmem:v47+s21+$0x0] =	vst.idx.msk $0xffff, v32  }
0x9a: {  	v50 =	vadd.s32 v18, v27;
	v49 =	vor.u32 v11, v26;
	v32 =	vld.idx.msk [tilespmem:v34+s14+$0x0], $0xffff  }
0x9b: {  	v34 =	vadd.s32 v10, v50;
	_ =	sdelay $0x3  }
0x9c: {  	[tilespmem:v49+s21+$0x0] =	vst.idx.msk $0xffff, v32  }
0x9d: {  	v52 =	vadd.s32 v18, v29;
	v51 =	vor.u32 v11, v28;
	v32 =	vld.idx.msk [tilespmem:v34+s14+$0x0], $0xffff  }
0x9e: {  	v34 =	vadd.s32 v10, v52;
	_ =	sdelay $0x3  }
0x9f: {  	[tilespmem:v51+s21+$0x0] =	vst.idx.msk $0xffff, v32  }
0xa0: {  	v54 =	vadd.s32 v18, v30;
	v53 =	vor.u32 v11, v31;
	v32 =	vld.idx.msk [tilespmem:v34+s14+$0x0], $0xffff  }
0xa1: {  	v34 =	vadd.s32 v10, v54;
	_ =	sdelay $0x3  }
0xa2: {  	[tilespmem:v53+s21+$0x0] =	vst.idx.msk $0xffff, v32  }
0xa3: {  	v56 =	vadd.s32 v17, v25;
	v55 =	vor.u32 v11, v24;
	v32 =	vld.idx.msk [tilespmem:v34+s14+$0x0], $0xffff  }
0xa4: {  	v34 =	vadd.s32 v12, v56;
	_ =	sdelay $0x3  }
0xa5: {  	[tilespmem:v55+s21+$0x0] =	vst.idx.msk $0xffff, v32  }
0xa6: {  	v58 =	vadd.s32 v17, v27;
	v57 =	vor.u32 v13, v26;
	v32 =	vld.idx.msk [tilespmem:v34+s14+$0x0], $0xffff  }
0xa7: {  	v34 =	vadd.s32 v12, v58;
	_ =	sdelay $0x3  }
0xa8: {  	[tilespmem:v57+s21+$0x0] =	vst.idx.msk $0xffff, v32  }
0xa9: {  	v60 =	vadd.s32 v17, v29;
	v59 =	vor.u32 v13, v28;
	v32 =	vld.idx.msk [tilespmem:v34+s14+$0x0], $0xffff  }
0xaa: {  	v34 =	vadd.s32 v12, v60;
	_ =	sdelay $0x3  }
0xab: {  	[tilespmem:v59+s21+$0x0] =	vst.idx.msk $0xffff, v32  }
0xac: {  	v62 =	vadd.s32 v17, v30;
	v61 =	vor.u32 v13, v31;
	v32 =	vld.idx.msk [tilespmem:v34+s14+$0x0], $0xffff  }
0xad: {  	v34 =	vadd.s32 v12, v62;
	_ =	sdelay $0x3  }
0xae: {  	[tilespmem:v61+s21+$0x0] =	vst.idx.msk $0xffff, v32  }
0xaf: {  	v25 =	vadd.s32 v16, v25;
	v63 =	vor.u32 v13, v24;
	v32 =	vld.idx.msk [tilespmem:v34+s14+$0x0], $0xffff  }
0xb0: {  	v25 =	vadd.s32 v14, v25;
	_ =	sdelay $0x3  }
0xb1: {  	[tilespmem:v63+s21+$0x0] =	vst.idx.msk $0xffff, v32  }
0xb2: {  	v27 =	vadd.s32 v16, v27;
	v26 =	vor.u32 v15, v26;
	v25 =	vld.idx.msk [tilespmem:v25+s14+$0x0], $0xffff  }
0xb3: {  	v27 =	vadd.s32 v14, v27;
	_ =	sdelay $0x3  }
0xb4: {  	[tilespmem:v26+s21+$0x0] =	vst.idx.msk $0xffff, v25  }
0xb5: {  	v26 =	vor.u32 v15, v28;
	v25 =	vld.idx.msk [tilespmem:v27+s14+$0x0], $0xffff;
	v27 =	vadd.s32 v16, v29  }
0xb6: {  	v27 =	vadd.s32 v14, v27;
	_ =	sdelay $0x3  }
0xb7: {  	[tilespmem:v26+s21+$0x0] =	vst.idx.msk $0xffff, v25  }
0xb8: {  	v26 =	vadd.s32 v16, v30;
	v25 =	vld.idx.msk [tilespmem:v27+s14+$0x0], $0xffff;
	v27 =	vor.u32 v15, v31  }
0xb9: {  	v26 =	vadd.s32 v14, v26;
	_ =	sdelay $0x2  }
0xba: {  	s16 =	simm.s32 $0x1  }
0xbb: {  	s0 =	sshll.u32 s31, $0x2;
	v31 =	vadd.s32 s16, v0;
	s16 =	simm.s32 $0x2;
	[tilespmem:v27+s21+$0x0] =	vst.idx.msk $0xffff, v25  }
.LBB2_5:
0xbc: {  	p1 =	sne.s32 s16, $0xF;
	v25 =	vand.u32 $0xF, v31;
	v26 =	vld.idx.msk [tilespmem:v26+s14+$0x0], $0xffff  }
0xbd: {  	v24 =	vor.u32 v15, v24;
	v27 =	vadd.s32 v23, v25  }
0xbe: {  	v27 =	vadd.s32 v1, v27;
	_ =	sdelay $0x3  }
0xbf: {  	[tilespmem:v24+s21+$0x0] =	vst.idx.msk $0xffff, v26  }
0xc0: {  	v26 =	vshll.u32 v25, $0x7;
	v24 =	vld.idx.msk [tilespmem:v27+s14+$0x0], $0xffff;
	v27 =	vor.u32 $0x10, v31  }
0xc1: {  	v28 =	vor.u32 v0, v26;
	v29 =	vadd.s32 v23, v27  }
0xc2: {  	v29 =	vadd.s32 v1, v29;
	_ =	sdelay $0x3  }
0xc3: {  	[tilespmem:v28+s21+$0x0] =	vst.idx.msk $0xffff, v24  }
0xc4: {  	v28 =	vshll.u32 v27, $0x7;
	v24 =	vld.idx.msk [tilespmem:v29+s14+$0x0], $0xffff;
	v29 =	vor.u32 $0x20, v25  }
0xc5: {  	v30 =	vor.u32 v0, v28;
	v32 =	vadd.s32 v23, v29  }
0xc6: {  	v32 =	vadd.s32 v1, v32;
	_ =	sdelay $0x3  }
0xc7: {  	[tilespmem:v30+s21+$0x0] =	vst.idx.msk $0xffff, v24  }
0xc8: {  	v31 =	vor.u32 $0x30, v31;
	v30 =	vshll.u32 v29, $0x7;
	v24 =	vld.idx.msk [tilespmem:v32+s14+$0x0], $0xffff  }
0xc9: {  	v33 =	vadd.s32 v23, v31;
	v32 =	vor.u32 v0, v30  }
0xca: {  	v33 =	vadd.s32 v1, v33;
	_ =	sdelay $0x3  }
0xcb: {  	[tilespmem:v32+s21+$0x0] =	vst.idx.msk $0xffff, v24  }
0xcc: {  	v24 =	vshll.u32 v31, $0x7;
	v32 =	vld.idx.msk [tilespmem:v33+s14+$0x0], $0xffff  }
0xcd: {  	v34 =	vadd.s32 v22, v25;
	v33 =	vor.u32 v0, v24  }
0xce: {  	v34 =	vadd.s32 v2, v34;
	_ =	sdelay $0x3  }
0xcf: {  	[tilespmem:v33+s21+$0x0] =	vst.idx.msk $0xffff, v32  }
0xd0: {  	v32 =	vld.idx.msk [tilespmem:v34+s14+$0x0], $0xffff  }
0xd1: {  	v33 =	vor.u32 v3, v26;
	v34 =	vadd.s32 v22, v27  }
0xd2: {  	v34 =	vadd.s32 v2, v34;
	_ =	sdelay $0x3  }
0xd3: {  	[tilespmem:v33+s21+$0x0] =	vst.idx.msk $0xffff, v32  }
0xd4: {  	v32 =	vld.idx.msk [tilespmem:v34+s14+$0x0], $0xffff  }
0xd5: {  	v33 =	vor.u32 v3, v28;
	v34 =	vadd.s32 v22, v29  }
0xd6: {  	v34 =	vadd.s32 v2, v34;
	_ =	sdelay $0x3  }
0xd7: {  	[tilespmem:v33+s21+$0x0] =	vst.idx.msk $0xffff, v32  }
0xd8: {  	v32 =	vld.idx.msk [tilespmem:v34+s14+$0x0], $0xffff  }
0xd9: {  	v33 =	vor.u32 v3, v30;
	v34 =	vadd.s32 v22, v31  }
0xda: {  	v34 =	vadd.s32 v2, v34;
	_ =	sdelay $0x3  }
0xdb: {  	[tilespmem:v33+s21+$0x0] =	vst.idx.msk $0xffff, v32  }
0xdc: {  	v32 =	vld.idx.msk [tilespmem:v34+s14+$0x0], $0xffff  }
0xdd: {  	v33 =	vor.u32 v3, v24;
	v34 =	vadd.s32 v21, v25  }
0xde: {  	v34 =	vadd.s32 v4, v34;
	_ =	sdelay $0x3  }
0xdf: {  	[tilespmem:v33+s21+$0x0] =	vst.idx.msk $0xffff, v32  }
0xe0: {  	v32 =	vld.idx.msk [tilespmem:v34+s14+$0x0], $0xffff  }
0xe1: {  	v33 =	vor.u32 v5, v26;
	v34 =	vadd.s32 v21, v27  }
0xe2: {  	v34 =	vadd.s32 v4, v34;
	_ =	sdelay $0x3  }
0xe3: {  	[tilespmem:v33+s21+$0x0] =	vst.idx.msk $0xffff, v32  }
0xe4: {  	v32 =	vld.idx.msk [tilespmem:v34+s14+$0x0], $0xffff  }
0xe5: {  	v33 =	vor.u32 v5, v28;
	v34 =	vadd.s32 v21, v29  }
0xe6: {  	v34 =	vadd.s32 v4, v34;
	_ =	sdelay $0x3  }
0xe7: {  	[tilespmem:v33+s21+$0x0] =	vst.idx.msk $0xffff, v32  }
0xe8: {  	v32 =	vld.idx.msk [tilespmem:v34+s14+$0x0], $0xffff  }
0xe9: {  	v33 =	vor.u32 v5, v30;
	v34 =	vadd.s32 v21, v31  }
0xea: {  	v34 =	vadd.s32 v4, v34;
	_ =	sdelay $0x3  }
0xeb: {  	[tilespmem:v33+s21+$0x0] =	vst.idx.msk $0xffff, v32  }
0xec: {  	v32 =	vld.idx.msk [tilespmem:v34+s14+$0x0], $0xffff  }
0xed: {  	v33 =	vor.u32 v5, v24;
	v34 =	vadd.s32 v20, v25  }
0xee: {  	v34 =	vadd.s32 v6, v34;
	_ =	sdelay $0x3  }
0xef: {  	[tilespmem:v33+s21+$0x0] =	vst.idx.msk $0xffff, v32  }
0xf0: {  	v32 =	vld.idx.msk [tilespmem:v34+s14+$0x0], $0xffff  }
0xf1: {  	v33 =	vor.u32 v7, v26;
	v34 =	vadd.s32 v20, v27  }
0xf2: {  	v34 =	vadd.s32 v6, v34;
	_ =	sdelay $0x3  }
0xf3: {  	[tilespmem:v33+s21+$0x0] =	vst.idx.msk $0xffff, v32  }
0xf4: {  	v32 =	vld.idx.msk [tilespmem:v34+s14+$0x0], $0xffff  }
0xf5: {  	v33 =	vor.u32 v7, v28;
	v34 =	vadd.s32 v20, v29  }
0xf6: {  	v34 =	vadd.s32 v6, v34;
	_ =	sdelay $0x3  }
0xf7: {  	[tilespmem:v33+s21+$0x0] =	vst.idx.msk $0xffff, v32  }
0xf8: {  	v32 =	vld.idx.msk [tilespmem:v34+s14+$0x0], $0xffff  }
0xf9: {  	v33 =	vor.u32 v7, v30;
	v34 =	vadd.s32 v20, v31  }
0xfa: {  	v34 =	vadd.s32 v6, v34;
	_ =	sdelay $0x3  }
0xfb: {  	[tilespmem:v33+s21+$0x0] =	vst.idx.msk $0xffff, v32  }
0xfc: {  	v32 =	vld.idx.msk [tilespmem:v34+s14+$0x0], $0xffff  }
0xfd: {  	v33 =	vor.u32 v7, v24;
	v34 =	vadd.s32 v19, v25  }
0xfe: {  	v34 =	vadd.s32 v8, v34;
	_ =	sdelay $0x3  }
0xff: {  	[tilespmem:v33+s21+$0x0] =	vst.idx.msk $0xffff, v32  }
0x100: {  	v32 =	vld.idx.msk [tilespmem:v34+s14+$0x0], $0xffff  }
0x101: {  	v33 =	vor.u32 v9, v26;
	v34 =	vadd.s32 v19, v27  }
0x102: {  	v34 =	vadd.s32 v8, v34;
	_ =	sdelay $0x3  }
0x103: {  	[tilespmem:v33+s21+$0x0] =	vst.idx.msk $0xffff, v32  }
0x104: {  	v32 =	vld.idx.msk [tilespmem:v34+s14+$0x0], $0xffff  }
0x105: {  	v33 =	vor.u32 v9, v28;
	v34 =	vadd.s32 v19, v29  }
0x106: {  	v34 =	vadd.s32 v8, v34;
	_ =	sdelay $0x3  }
0x107: {  	[tilespmem:v33+s21+$0x0] =	vst.idx.msk $0xffff, v32  }
0x108: {  	v32 =	vld.idx.msk [tilespmem:v34+s14+$0x0], $0xffff  }
0x109: {  	v33 =	vor.u32 v9, v30;
	v34 =	vadd.s32 v19, v31  }
0x10a: {  	v34 =	vadd.s32 v8, v34;
	_ =	sdelay $0x3  }
0x10b: {  	[tilespmem:v33+s21+$0x0] =	vst.idx.msk $0xffff, v32  }
0x10c: {  	v32 =	vld.idx.msk [tilespmem:v34+s14+$0x0], $0xffff  }
0x10d: {  	v33 =	vor.u32 v9, v24;
	v34 =	vadd.s32 v18, v25  }
0x10e: {  	v34 =	vadd.s32 v10, v34;
	_ =	sdelay $0x3  }
0x10f: {  	[tilespmem:v33+s21+$0x0] =	vst.idx.msk $0xffff, v32  }
0x110: {  	v32 =	vld.idx.msk [tilespmem:v34+s14+$0x0], $0xffff  }
0x111: {  	v33 =	vor.u32 v11, v26;
	v34 =	vadd.s32 v18, v27  }
0x112: {  	v34 =	vadd.s32 v10, v34;
	_ =	sdelay $0x3  }
0x113: {  	[tilespmem:v33+s21+$0x0] =	vst.idx.msk $0xffff, v32  }
0x114: {  	v32 =	vld.idx.msk [tilespmem:v34+s14+$0x0], $0xffff  }
0x115: {  	v33 =	vor.u32 v11, v28;
	v34 =	vadd.s32 v18, v29  }
0x116: {  	v34 =	vadd.s32 v10, v34;
	_ =	sdelay $0x3  }
0x117: {  	[tilespmem:v33+s21+$0x0] =	vst.idx.msk $0xffff, v32  }
0x118: {  	v32 =	vld.idx.msk [tilespmem:v34+s14+$0x0], $0xffff  }
0x119: {  	v33 =	vor.u32 v11, v30;
	v34 =	vadd.s32 v18, v31  }
0x11a: {  	v34 =	vadd.s32 v10, v34;
	_ =	sdelay $0x3  }
0x11b: {  	[tilespmem:v33+s21+$0x0] =	vst.idx.msk $0xffff, v32  }
0x11c: {  	v32 =	vld.idx.msk [tilespmem:v34+s14+$0x0], $0xffff  }
0x11d: {  	v33 =	vor.u32 v11, v24;
	v34 =	vadd.s32 v17, v25  }
0x11e: {  	v34 =	vadd.s32 v12, v34;
	_ =	sdelay $0x3  }
0x11f: {  	[tilespmem:v33+s21+$0x0] =	vst.idx.msk $0xffff, v32  }
0x120: {  	v32 =	vld.idx.msk [tilespmem:v34+s14+$0x0], $0xffff  }
0x121: {  	v33 =	vor.u32 v13, v26;
	v34 =	vadd.s32 v17, v27  }
0x122: {  	v34 =	vadd.s32 v12, v34;
	_ =	sdelay $0x3  }
0x123: {  	[tilespmem:v33+s21+$0x0] =	vst.idx.msk $0xffff, v32  }
0x124: {  	v32 =	vld.idx.msk [tilespmem:v34+s14+$0x0], $0xffff  }
0x125: {  	v33 =	vor.u32 v13, v28;
	v34 =	vadd.s32 v17, v29  }
0x126: {  	v34 =	vadd.s32 v12, v34;
	_ =	sdelay $0x3  }
0x127: {  	[tilespmem:v33+s21+$0x0] =	vst.idx.msk $0xffff, v32  }
0x128: {  	v32 =	vld.idx.msk [tilespmem:v34+s14+$0x0], $0xffff  }
0x129: {  	v33 =	vor.u32 v13, v30;
	v34 =	vadd.s32 v17, v31  }
0x12a: {  	v34 =	vadd.s32 v12, v34;
	_ =	sdelay $0x3  }
0x12b: {  	[tilespmem:v33+s21+$0x0] =	vst.idx.msk $0xffff, v32  }
0x12c: {  	v32 =	vld.idx.msk [tilespmem:v34+s14+$0x0], $0xffff  }
0x12d: {  	v25 =	vadd.s32 v16, v25;
	v33 =	vor.u32 v13, v24  }
0x12e: {  	v25 =	vadd.s32 v14, v25;
	_ =	sdelay $0x3  }
0x12f: {  	[tilespmem:v33+s21+$0x0] =	vst.idx.msk $0xffff, v32  }
0x130: {  	v25 =	vld.idx.msk [tilespmem:v25+s14+$0x0], $0xffff  }
0x131: {  	v26 =	vor.u32 v15, v26;
	v27 =	vadd.s32 v16, v27  }
0x132: {  	v27 =	vadd.s32 v14, v27;
	_ =	sdelay $0x3  }
0x133: {  	[tilespmem:v26+s21+$0x0] =	vst.idx.msk $0xffff, v25  }
0x134: {  	v25 =	vld.idx.msk [tilespmem:v27+s14+$0x0], $0xffff  }
0x135: {  	v26 =	vor.u32 v15, v28;
	v27 =	vadd.s32 v16, v29  }
0x136: {  	v27 =	vadd.s32 v14, v27;
	_ =	sdelay $0x3  }
0x137: {  	[tilespmem:v26+s21+$0x0] =	vst.idx.msk $0xffff, v25  }
0x138: {  	v25 =	vld.idx.msk [tilespmem:v27+s14+$0x0], $0xffff  }
0x139: {  	v26 =	vadd.s32 v16, v31;
	v27 =	vor.u32 v15, v30  }
.Ltmp5:
0x13a: {  	v26 =	vadd.s32 v14, v26;
	(pc) =	sbr.rel @p1 .LBB2_5-.Ltmp5, $2  }
0x13b: {  	_ =	sdelay $0x2  }
0x13c: {  	v31 =	vadd.s32 s16, v0;
	s16 =	sadd.s32 $0x1, s16;
	[tilespmem:v27+s21+$0x0] =	vst.idx.msk $0xffff, v25  }
0x13d: {  	_ =	sdelay $0x2  }
0x13e: {  	v25 =	vand.u32 $0xF, v31  }
0x13f: {  	v26 =	vld.idx.msk [tilespmem:v26+s14+$0x0], $0xffff;
	v24 =	vor.u32 v15, v24;
	v27 =	vadd.s32 v23, v25  }
0x140: {  	v27 =	vadd.s32 v1, v27;
	_ =	sdelay $0x3  }
0x141: {  	[tilespmem:v24+s21+$0x0] =	vst.idx.msk $0xffff, v26;
	v24 =	vshll.u32 v25, $0x7;
	v26 =	vor.u32 $0x10, v31  }
0x142: {  	v28 =	vor.u32 v0, v24;
	v29 =	vadd.s32 v23, v26;
	v27 =	vld.idx.msk [tilespmem:v27+s14+$0x0], $0xffff  }
0x143: {  	v29 =	vadd.s32 v1, v29;
	_ =	sdelay $0x3  }
0x144: {  	[tilespmem:v28+s21+$0x0] =	vst.idx.msk $0xffff, v27;
	v27 =	vshll.u32 v26, $0x7;
	v28 =	vor.u32 $0x20, v25  }
0x145: {  	v29 =	vld.idx.msk [tilespmem:v29+s14+$0x0], $0xffff;
	v30 =	vor.u32 v0, v27;
	v32 =	vadd.s32 v23, v28  }
0x146: {  	v32 =	vadd.s32 v1, v32;
	_ =	sdelay $0x3  }
0x147: {  	[tilespmem:v30+s21+$0x0] =	vst.idx.msk $0xffff, v29;
	v29 =	vshll.u32 v28, $0x7;
	v30 =	vor.u32 $0x30, v31  }
0x148: {  	v31 =	vld.idx.msk [tilespmem:v32+s14+$0x0], $0xffff;
	v58 =	vor.u32 v0, v29;
	v23 =	vadd.s32 v23, v30  }
0x149: {  	v33 =	vadd.s32 v1, v23;
	_ =	sdelay $0x3  }
0x14a: {  	v23 =	vshll.u32 v30, $0x7;
	[tilespmem:v58+s21+$0x0] =	vst.idx.msk $0xffff, v31  }
0x14b: {  	v60 =	vadd.s32 v22, v25;
	v59 =	vor.u32 v0, v23;
	v31 =	vld.idx.msk [tilespmem:v33+s14+$0x0], $0xffff  }
0x14c: {  	v33 =	vadd.s32 v2, v60;
	_ =	sdelay $0x3  }
0x14d: {  	[tilespmem:v59+s21+$0x0] =	vst.idx.msk $0xffff, v31  }
0x14e: {  	v61 =	vor.u32 v3, v24;
	v62 =	vadd.s32 v22, v26;
	v31 =	vld.idx.msk [tilespmem:v33+s14+$0x0], $0xffff  }
0x14f: {  	v33 =	vadd.s32 v2, v62;
	_ =	sdelay $0x3  }
0x150: {  	[tilespmem:v61+s21+$0x0] =	vst.idx.msk $0xffff, v31  }
0x151: {  	v63 =	vor.u32 v3, v27;
	v36 =	vadd.s32 v22, v28;
	v31 =	vld.idx.msk [tilespmem:v33+s14+$0x0], $0xffff  }
0x152: {  	v33 =	vadd.s32 v2, v36;
	_ =	sdelay $0x3  }
0x153: {  	[tilespmem:v63+s21+$0x0] =	vst.idx.msk $0xffff, v31  }
0x154: {  	v37 =	vor.u32 v3, v29;
	v22 =	vadd.s32 v22, v30;
	v31 =	vld.idx.msk [tilespmem:v33+s14+$0x0], $0xffff  }
0x155: {  	v22 =	vadd.s32 v2, v22;
	_ =	sdelay $0x3  }
0x156: {  	[tilespmem:v37+s21+$0x0] =	vst.idx.msk $0xffff, v31  }
0x157: {  	v38 =	vadd.s32 v21, v25;
	v31 =	vor.u32 v3, v23;
	v22 =	vld.idx.msk [tilespmem:v22+s14+$0x0], $0xffff  }
0x158: {  	v32 =	vadd.s32 v4, v38;
	_ =	sdelay $0x3  }
0x159: {  	[tilespmem:v31+s21+$0x0] =	vst.idx.msk $0xffff, v22  }
0x15a: {  	v39 =	vadd.s32 v21, v26;
	v31 =	vor.u32 v5, v24;
	v22 =	vld.idx.msk [tilespmem:v32+s14+$0x0], $0xffff  }
0x15b: {  	v32 =	vadd.s32 v4, v39;
	_ =	sdelay $0x3  }
0x15c: {  	[tilespmem:v31+s21+$0x0] =	vst.idx.msk $0xffff, v22  }
0x15d: {  	v40 =	vadd.s32 v21, v28;
	v31 =	vor.u32 v5, v27;
	v22 =	vld.idx.msk [tilespmem:v32+s14+$0x0], $0xffff  }
0x15e: {  	v32 =	vadd.s32 v4, v40;
	_ =	sdelay $0x3  }
0x15f: {  	[tilespmem:v31+s21+$0x0] =	vst.idx.msk $0xffff, v22  }
0x160: {  	v21 =	vadd.s32 v21, v30;
	v31 =	vor.u32 v5, v29;
	v22 =	vld.idx.msk [tilespmem:v32+s14+$0x0], $0xffff  }
0x161: {  	v21 =	vadd.s32 v4, v21;
	_ =	sdelay $0x3  }
0x162: {  	[tilespmem:v31+s21+$0x0] =	vst.idx.msk $0xffff, v22  }
0x163: {  	v22 =	vor.u32 v5, v23;
	v31 =	vadd.s32 v20, v25;
	v21 =	vld.idx.msk [tilespmem:v21+s14+$0x0], $0xffff  }
0x164: {  	v31 =	vadd.s32 v6, v31;
	_ =	sdelay $0x3  }
0x165: {  	[tilespmem:v22+s21+$0x0] =	vst.idx.msk $0xffff, v21  }
0x166: {  	v22 =	vor.u32 v7, v24;
	v21 =	vld.idx.msk [tilespmem:v31+s14+$0x0], $0xffff;
	v31 =	vadd.s32 v20, v26  }
0x167: {  	v31 =	vadd.s32 v6, v31;
	_ =	sdelay $0x3  }
0x168: {  	[tilespmem:v22+s21+$0x0] =	vst.idx.msk $0xffff, v21  }
0x169: {  	v22 =	vor.u32 v7, v27;
	v21 =	vld.idx.msk [tilespmem:v31+s14+$0x0], $0xffff;
	v31 =	vadd.s32 v20, v28  }
0x16a: {  	v31 =	vadd.s32 v6, v31;
	_ =	sdelay $0x3  }
0x16b: {  	[tilespmem:v22+s21+$0x0] =	vst.idx.msk $0xffff, v21  }
0x16c: {  	v20 =	vadd.s32 v20, v30;
	v22 =	vor.u32 v7, v29;
	v21 =	vld.idx.msk [tilespmem:v31+s14+$0x0], $0xffff  }
0x16d: {  	v20 =	vadd.s32 v6, v20;
	_ =	sdelay $0x3  }
0x16e: {  	[tilespmem:v22+s21+$0x0] =	vst.idx.msk $0xffff, v21  }
0x16f: {  	v21 =	vor.u32 v7, v23;
	v22 =	vadd.s32 v19, v25;
	v20 =	vld.idx.msk [tilespmem:v20+s14+$0x0], $0xffff  }
0x170: {  	v22 =	vadd.s32 v8, v22;
	_ =	sdelay $0x3  }
0x171: {  	[tilespmem:v21+s21+$0x0] =	vst.idx.msk $0xffff, v20  }
0x172: {  	v21 =	vor.u32 v9, v24;
	v20 =	vld.idx.msk [tilespmem:v22+s14+$0x0], $0xffff;
	v22 =	vadd.s32 v19, v26  }
0x173: {  	v22 =	vadd.s32 v8, v22;
	_ =	sdelay $0x3  }
0x174: {  	[tilespmem:v21+s21+$0x0] =	vst.idx.msk $0xffff, v20  }
0x175: {  	v21 =	vor.u32 v9, v27;
	v20 =	vld.idx.msk [tilespmem:v22+s14+$0x0], $0xffff;
	v22 =	vadd.s32 v19, v28  }
0x176: {  	v22 =	vadd.s32 v8, v22;
	_ =	sdelay $0x3  }
0x177: {  	[tilespmem:v21+s21+$0x0] =	vst.idx.msk $0xffff, v20  }
0x178: {  	v19 =	vadd.s32 v19, v30;
	v21 =	vor.u32 v9, v29;
	v20 =	vld.idx.msk [tilespmem:v22+s14+$0x0], $0xffff  }
0x179: {  	v19 =	vadd.s32 v8, v19;
	_ =	sdelay $0x3  }
0x17a: {  	[tilespmem:v21+s21+$0x0] =	vst.idx.msk $0xffff, v20  }
0x17b: {  	v20 =	vor.u32 v9, v23;
	v21 =	vadd.s32 v18, v25;
	v19 =	vld.idx.msk [tilespmem:v19+s14+$0x0], $0xffff  }
0x17c: {  	v21 =	vadd.s32 v10, v21;
	_ =	sdelay $0x3  }
0x17d: {  	[tilespmem:v20+s21+$0x0] =	vst.idx.msk $0xffff, v19  }
0x17e: {  	v20 =	vor.u32 v11, v24;
	v19 =	vld.idx.msk [tilespmem:v21+s14+$0x0], $0xffff;
	v21 =	vadd.s32 v18, v26  }
0x17f: {  	v21 =	vadd.s32 v10, v21;
	_ =	sdelay $0x3  }
0x180: {  	[tilespmem:v20+s21+$0x0] =	vst.idx.msk $0xffff, v19  }
0x181: {  	v20 =	vor.u32 v11, v27;
	v19 =	vld.idx.msk [tilespmem:v21+s14+$0x0], $0xffff;
	v21 =	vadd.s32 v18, v28  }
0x182: {  	v21 =	vadd.s32 v10, v21;
	_ =	sdelay $0x3  }
0x183: {  	[tilespmem:v20+s21+$0x0] =	vst.idx.msk $0xffff, v19  }
0x184: {  	v18 =	vadd.s32 v18, v30;
	v20 =	vor.u32 v11, v29;
	v19 =	vld.idx.msk [tilespmem:v21+s14+$0x0], $0xffff  }
0x185: {  	v18 =	vadd.s32 v10, v18;
	_ =	sdelay $0x3  }
0x186: {  	[tilespmem:v20+s21+$0x0] =	vst.idx.msk $0xffff, v19  }
0x187: {  	v19 =	vor.u32 v11, v23;
	v20 =	vadd.s32 v17, v25;
	v18 =	vld.idx.msk [tilespmem:v18+s14+$0x0], $0xffff  }
0x188: {  	v20 =	vadd.s32 v12, v20;
	_ =	sdelay $0x3  }
0x189: {  	[tilespmem:v19+s21+$0x0] =	vst.idx.msk $0xffff, v18  }
0x18a: {  	v19 =	vor.u32 v13, v24;
	v18 =	vld.idx.msk [tilespmem:v20+s14+$0x0], $0xffff;
	v20 =	vadd.s32 v17, v26  }
0x18b: {  	v20 =	vadd.s32 v12, v20;
	_ =	sdelay $0x3  }
0x18c: {  	[tilespmem:v19+s21+$0x0] =	vst.idx.msk $0xffff, v18  }
0x18d: {  	v19 =	vor.u32 v13, v27;
	v18 =	vld.idx.msk [tilespmem:v20+s14+$0x0], $0xffff;
	v20 =	vadd.s32 v17, v28  }
0x18e: {  	v20 =	vadd.s32 v12, v20;
	_ =	sdelay $0x3  }
0x18f: {  	[tilespmem:v19+s21+$0x0] =	vst.idx.msk $0xffff, v18  }
0x190: {  	v17 =	vadd.s32 v17, v30;
	v19 =	vor.u32 v13, v29;
	v18 =	vld.idx.msk [tilespmem:v20+s14+$0x0], $0xffff  }
0x191: {  	v17 =	vadd.s32 v12, v17;
	_ =	sdelay $0x3  }
0x192: {  	[tilespmem:v19+s21+$0x0] =	vst.idx.msk $0xffff, v18  }
0x193: {  	v18 =	vor.u32 v13, v23;
	v19 =	vadd.s32 v16, v25;
	v17 =	vld.idx.msk [tilespmem:v17+s14+$0x0], $0xffff  }
0x194: {  	v19 =	vadd.s32 v14, v19;
	_ =	sdelay $0x3  }
0x195: {  	[tilespmem:v18+s21+$0x0] =	vst.idx.msk $0xffff, v17  }
0x196: {  	v18 =	vor.u32 v15, v24;
	v17 =	vld.idx.msk [tilespmem:v19+s14+$0x0], $0xffff;
	v19 =	vadd.s32 v16, v26  }
0x197: {  	v19 =	vadd.s32 v14, v19;
	_ =	sdelay $0x3  }
0x198: {  	[tilespmem:v18+s21+$0x0] =	vst.idx.msk $0xffff, v17  }
0x199: {  	v18 =	vor.u32 v15, v27;
	v17 =	vld.idx.msk [tilespmem:v19+s14+$0x0], $0xffff;
	v19 =	vadd.s32 v16, v28  }
0x19a: {  	v19 =	vadd.s32 v14, v19;
	_ =	sdelay $0x3  }
0x19b: {  	[tilespmem:v18+s21+$0x0] =	vst.idx.msk $0xffff, v17  }
0x19c: {  	v16 =	vadd.s32 v16, v30;
	v18 =	vor.u32 v15, v29;
	v17 =	vld.idx.msk [tilespmem:v19+s14+$0x0], $0xffff  }
0x19d: {  	v16 =	vadd.s32 v14, v16;
	_ =	sdelay $0x3  }
0x19e: {  	[tilespmem:v18+s21+$0x0] =	vst.idx.msk $0xffff, v17  }
0x19f: {  	v17 =	vor.u32 v15, v23;
	v16 =	vld.idx.msk [tilespmem:v16+s14+$0x0], $0xffff;
	_ =	sdelay $0x1  }
0x1a0: {  	s16 =	sshll.u32 s31, $0x14  }
0x1a1: {  	s16 =	sor.u32 s4, s16  }
0x1a2: {  	p1 =	seq.s32 s31, $0xC;
	s16 =	sshrl.u32 s16, $0x3  }
0x1a3: {  	s11 =	sshrl.u32 @!p1 s11, $0x2;
	s16 =	sadd.s32 s2, s16;
	[tilespmem:v17+s21+$0x0] =	vst.idx.msk $0xffff, v16  }
0x1a4: {  	[hbm4b:s16+s9] =	stream.strided.scatter [tilespmem:s21], [sflag:$0x5], $0x2000, s10, s9, $0x38;
	[tilespmem:$0x17800] =	vst v63  }
0x1a5: {  	s18 =	simm.s32 @!p1 $0x3800;
	s11 =	sadd.s32 @!p1 $0x200, s11;
	s16 =	simm.s32 @!p1 $0x80  }
0x1a6: {  	[tilespmem:s18], [sflag:$0x1] =	stream.indirect.gather @!p1 [hbm4b:s6+s16], $0x80, s11, s16, $0xb8;
	[tilespmem:$0x17800] =	vst v63  }
0x1a7: {  	_ =	swait.ge [sflag:s22], $0x4000  }
0x1a8: {  	[sflag:s22] =	ssyncset.done $0x0  }
0x1a9: {  	s16 =	simm.s32 @!p0 $0x6;
	[sflag:s22] =	ssyncadd.s32 $0xFFFFC000  }
0x1aa: {  	s11 =	sor.u32 $0x1, s0;
	_ =	swait.ge @!p0 [sflag:s16], $0x2000  }
0x1ab: {  	s18 =	sshll.u32 s11, $0x7;
	[sflag:s16] =	ssyncset.done @!p0 $0x0  }
0x1ac: {  	[sflag:s16] =	ssyncadd.s32 @!p0 $0xFFFFE000;
	s16 =	sand.u32 $0x3FFFFF80, s18  }
0x1ad: {  	v23 =	vld [tilespmem:s16+$0x1C00];
	_ =	sdelay $0x1  }
0x1ae: {  	s18 =	simm.s32 $0x0  }
0x1af: {  	v24 =	vadd.s32 s18, v0  }
0x1b0: {  	v25 =	vand.u32 $0xF, v24  }
0x1b1: {  	v16 =	vadd.s32 v23, v25  }
0x1b2: {  	v16 =	vadd.s32 v1, v16;
	_ =	sdelay $0x2  }
0x1b3: {  	v22 =	vld [tilespmem:s16+$0x1C10]  }
0x1b4: {  	v21 =	vld [tilespmem:s16+$0x1C20];
	v27 =	vor.u32 $0x10, v24;
	v26 =	vshll.u32 v25, $0x7  }
0x1b5: {  	v29 =	vor.u32 v0, v26;
	v28 =	vld.idx.msk [tilespmem:v16+s15+$0x0], $0xffff;
	v16 =	vadd.s32 v23, v27  }
0x1b6: {  	v20 =	vld [tilespmem:s16+$0x1C30];
	v30 =	vadd.s32 v1, v16  }
0x1b7: {  	v19 =	vld [tilespmem:s16+$0x1C40]  }
0x1b8: {  	v18 =	vld [tilespmem:s16+$0x1C50]  }
0x1b9: {  	v17 =	vld [tilespmem:s16+$0x1C60]  }
0x1ba: {  	v16 =	vld [tilespmem:s16+$0x1C70];
	[tilespmem:v29+s23+$0x0] =	vst.idx.msk $0xffff, v28;
	v28 =	vshll.u32 v27, $0x7;
	v29 =	vor.u32 $0x20, v25  }
0x1bb: {  	v30 =	vld.idx.msk [tilespmem:v30+s15+$0x0], $0xffff;
	v31 =	vor.u32 v0, v28;
	v41 =	vadd.s32 v23, v29  }
0x1bc: {  	v32 =	vadd.s32 v1, v41;
	_ =	sdelay $0x3  }
0x1bd: {  	[tilespmem:v31+s23+$0x0] =	vst.idx.msk $0xffff, v30;
	v31 =	vshll.u32 v29, $0x7;
	v30 =	vor.u32 $0x30, v24  }
0x1be: {  	v24 =	vld.idx.msk [tilespmem:v32+s15+$0x0], $0xffff;
	v42 =	vor.u32 v0, v31;
	v43 =	vadd.s32 v23, v30  }
0x1bf: {  	v33 =	vadd.s32 v1, v43;
	_ =	sdelay $0x3  }
0x1c0: {  	[tilespmem:v42+s23+$0x0] =	vst.idx.msk $0xffff, v24;
	v24 =	vshll.u32 v30, $0x7  }
0x1c1: {  	v34 =	vadd.s32 v22, v25;
	v32 =	vld.idx.msk [tilespmem:v33+s15+$0x0], $0xffff;
	v44 =	vor.u32 v0, v24  }
0x1c2: {  	v34 =	vadd.s32 v2, v34;
	_ =	sdelay $0x3  }
0x1c3: {  	[tilespmem:v44+s23+$0x0] =	vst.idx.msk $0xffff, v32  }
0x1c4: {  	v45 =	vor.u32 v3, v26;
	v46 =	vadd.s32 v22, v27;
	v32 =	vld.idx.msk [tilespmem:v34+s15+$0x0], $0xffff  }
0x1c5: {  	v34 =	vadd.s32 v2, v46;
	_ =	sdelay $0x3  }
0x1c6: {  	[tilespmem:v45+s23+$0x0] =	vst.idx.msk $0xffff, v32  }
0x1c7: {  	v47 =	vor.u32 v3, v28;
	v48 =	vadd.s32 v22, v29;
	v32 =	vld.idx.msk [tilespmem:v34+s15+$0x0], $0xffff  }
0x1c8: {  	v34 =	vadd.s32 v2, v48;
	_ =	sdelay $0x3  }
0x1c9: {  	[tilespmem:v47+s23+$0x0] =	vst.idx.msk $0xffff, v32  }
0x1ca: {  	v49 =	vor.u32 v3, v31;
	v50 =	vadd.s32 v22, v30;
	v32 =	vld.idx.msk [tilespmem:v34+s15+$0x0], $0xffff  }
0x1cb: {  	v34 =	vadd.s32 v2, v50;
	_ =	sdelay $0x3  }
0x1cc: {  	[tilespmem:v49+s23+$0x0] =	vst.idx.msk $0xffff, v32  }
0x1cd: {  	v52 =	vadd.s32 v21, v25;
	v51 =	vor.u32 v3, v24;
	v32 =	vld.idx.msk [tilespmem:v34+s15+$0x0], $0xffff  }
0x1ce: {  	v34 =	vadd.s32 v4, v52;
	_ =	sdelay $0x3  }
0x1cf: {  	[tilespmem:v51+s23+$0x0] =	vst.idx.msk $0xffff, v32  }
0x1d0: {  	v53 =	vor.u32 v5, v26;
	v54 =	vadd.s32 v21, v27;
	v32 =	vld.idx.msk [tilespmem:v34+s15+$0x0], $0xffff  }
0x1d1: {  	v34 =	vadd.s32 v4, v54;
	_ =	sdelay $0x3  }
0x1d2: {  	[tilespmem:v53+s23+$0x0] =	vst.idx.msk $0xffff, v32  }
0x1d3: {  	v55 =	vor.u32 v5, v28;
	v56 =	vadd.s32 v21, v29;
	v32 =	vld.idx.msk [tilespmem:v34+s15+$0x0], $0xffff  }
0x1d4: {  	v34 =	vadd.s32 v4, v56;
	_ =	sdelay $0x3  }
0x1d5: {  	[tilespmem:v55+s23+$0x0] =	vst.idx.msk $0xffff, v32  }
0x1d6: {  	v57 =	vor.u32 v5, v31;
	v58 =	vadd.s32 v21, v30;
	v32 =	vld.idx.msk [tilespmem:v34+s15+$0x0], $0xffff  }
0x1d7: {  	v34 =	vadd.s32 v4, v58;
	_ =	sdelay $0x3  }
0x1d8: {  	[tilespmem:v57+s23+$0x0] =	vst.idx.msk $0xffff, v32  }
0x1d9: {  	v60 =	vadd.s32 v20, v25;
	v59 =	vor.u32 v5, v24;
	v32 =	vld.idx.msk [tilespmem:v34+s15+$0x0], $0xffff  }
0x1da: {  	v34 =	vadd.s32 v6, v60;
	_ =	sdelay $0x3  }
0x1db: {  	[tilespmem:v59+s23+$0x0] =	vst.idx.msk $0xffff, v32  }
0x1dc: {  	v61 =	vor.u32 v7, v26;
	v62 =	vadd.s32 v20, v27;
	v32 =	vld.idx.msk [tilespmem:v34+s15+$0x0], $0xffff  }
0x1dd: {  	v34 =	vadd.s32 v6, v62;
	_ =	sdelay $0x3  }
0x1de: {  	[tilespmem:v61+s23+$0x0] =	vst.idx.msk $0xffff, v32  }
0x1df: {  	v63 =	vor.u32 v7, v28;
	v36 =	vadd.s32 v20, v29;
	v32 =	vld.idx.msk [tilespmem:v34+s15+$0x0], $0xffff  }
0x1e0: {  	v34 =	vadd.s32 v6, v36;
	_ =	sdelay $0x3  }
0x1e1: {  	[tilespmem:v63+s23+$0x0] =	vst.idx.msk $0xffff, v32  }
0x1e2: {  	v37 =	vor.u32 v7, v31;
	v38 =	vadd.s32 v20, v30;
	v32 =	vld.idx.msk [tilespmem:v34+s15+$0x0], $0xffff  }
0x1e3: {  	v34 =	vadd.s32 v6, v38;
	_ =	sdelay $0x3  }
0x1e4: {  	[tilespmem:v37+s23+$0x0] =	vst.idx.msk $0xffff, v32  }
0x1e5: {  	v40 =	vadd.s32 v19, v25;
	v39 =	vor.u32 v7, v24;
	v32 =	vld.idx.msk [tilespmem:v34+s15+$0x0], $0xffff  }
0x1e6: {  	v34 =	vadd.s32 v8, v40;
	_ =	sdelay $0x3  }
0x1e7: {  	[tilespmem:v39+s23+$0x0] =	vst.idx.msk $0xffff, v32  }
0x1e8: {  	v41 =	vor.u32 v9, v26;
	v42 =	vadd.s32 v19, v27;
	v32 =	vld.idx.msk [tilespmem:v34+s15+$0x0], $0xffff  }
0x1e9: {  	v34 =	vadd.s32 v8, v42;
	_ =	sdelay $0x3  }
0x1ea: {  	[tilespmem:v41+s23+$0x0] =	vst.idx.msk $0xffff, v32  }
0x1eb: {  	v43 =	vor.u32 v9, v28;
	v44 =	vadd.s32 v19, v29;
	v32 =	vld.idx.msk [tilespmem:v34+s15+$0x0], $0xffff  }
0x1ec: {  	v34 =	vadd.s32 v8, v44;
	_ =	sdelay $0x3  }
0x1ed: {  	[tilespmem:v43+s23+$0x0] =	vst.idx.msk $0xffff, v32  }
0x1ee: {  	v46 =	vadd.s32 v19, v30;
	v45 =	vor.u32 v9, v31;
	v32 =	vld.idx.msk [tilespmem:v34+s15+$0x0], $0xffff  }
0x1ef: {  	v34 =	vadd.s32 v8, v46;
	_ =	sdelay $0x3  }
0x1f0: {  	[tilespmem:v45+s23+$0x0] =	vst.idx.msk $0xffff, v32  }
0x1f1: {  	v48 =	vadd.s32 v18, v25;
	v47 =	vor.u32 v9, v24;
	v32 =	vld.idx.msk [tilespmem:v34+s15+$0x0], $0xffff  }
0x1f2: {  	v34 =	vadd.s32 v10, v48;
	_ =	sdelay $0x3  }
0x1f3: {  	[tilespmem:v47+s23+$0x0] =	vst.idx.msk $0xffff, v32  }
0x1f4: {  	v50 =	vadd.s32 v18, v27;
	v49 =	vor.u32 v11, v26;
	v32 =	vld.idx.msk [tilespmem:v34+s15+$0x0], $0xffff  }
0x1f5: {  	v34 =	vadd.s32 v10, v50;
	_ =	sdelay $0x3  }
0x1f6: {  	[tilespmem:v49+s23+$0x0] =	vst.idx.msk $0xffff, v32  }
0x1f7: {  	v52 =	vadd.s32 v18, v29;
	v51 =	vor.u32 v11, v28;
	v32 =	vld.idx.msk [tilespmem:v34+s15+$0x0], $0xffff  }
0x1f8: {  	v34 =	vadd.s32 v10, v52;
	_ =	sdelay $0x3  }
0x1f9: {  	[tilespmem:v51+s23+$0x0] =	vst.idx.msk $0xffff, v32  }
0x1fa: {  	v54 =	vadd.s32 v18, v30;
	v53 =	vor.u32 v11, v31;
	v32 =	vld.idx.msk [tilespmem:v34+s15+$0x0], $0xffff  }
0x1fb: {  	v34 =	vadd.s32 v10, v54;
	_ =	sdelay $0x3  }
0x1fc: {  	[tilespmem:v53+s23+$0x0] =	vst.idx.msk $0xffff, v32  }
0x1fd: {  	v56 =	vadd.s32 v17, v25;
	v55 =	vor.u32 v11, v24;
	v32 =	vld.idx.msk [tilespmem:v34+s15+$0x0], $0xffff  }
0x1fe: {  	v34 =	vadd.s32 v12, v56;
	_ =	sdelay $0x3  }
0x1ff: {  	[tilespmem:v55+s23+$0x0] =	vst.idx.msk $0xffff, v32  }
0x200: {  	v58 =	vadd.s32 v17, v27;
	v57 =	vor.u32 v13, v26;
	v32 =	vld.idx.msk [tilespmem:v34+s15+$0x0], $0xffff  }
0x201: {  	v34 =	vadd.s32 v12, v58;
	_ =	sdelay $0x3  }
0x202: {  	[tilespmem:v57+s23+$0x0] =	vst.idx.msk $0xffff, v32  }
0x203: {  	v60 =	vadd.s32 v17, v29;
	v59 =	vor.u32 v13, v28;
	v32 =	vld.idx.msk [tilespmem:v34+s15+$0x0], $0xffff  }
0x204: {  	v34 =	vadd.s32 v12, v60;
	_ =	sdelay $0x3  }
0x205: {  	[tilespmem:v59+s23+$0x0] =	vst.idx.msk $0xffff, v32  }
0x206: {  	v62 =	vadd.s32 v17, v30;
	v61 =	vor.u32 v13, v31;
	v32 =	vld.idx.msk [tilespmem:v34+s15+$0x0], $0xffff  }
0x207: {  	v34 =	vadd.s32 v12, v62;
	_ =	sdelay $0x3  }
0x208: {  	[tilespmem:v61+s23+$0x0] =	vst.idx.msk $0xffff, v32  }
0x209: {  	v25 =	vadd.s32 v16, v25;
	v63 =	vor.u32 v13, v24;
	v32 =	vld.idx.msk [tilespmem:v34+s15+$0x0], $0xffff  }
0x20a: {  	v25 =	vadd.s32 v14, v25;
	_ =	sdelay $0x3  }
0x20b: {  	[tilespmem:v63+s23+$0x0] =	vst.idx.msk $0xffff, v32  }
0x20c: {  	v27 =	vadd.s32 v16, v27;
	v26 =	vor.u32 v15, v26;
	v25 =	vld.idx.msk [tilespmem:v25+s15+$0x0], $0xffff  }
0x20d: {  	v27 =	vadd.s32 v14, v27;
	_ =	sdelay $0x3  }
0x20e: {  	[tilespmem:v26+s23+$0x0] =	vst.idx.msk $0xffff, v25  }
0x20f: {  	v26 =	vor.u32 v15, v28;
	v25 =	vld.idx.msk [tilespmem:v27+s15+$0x0], $0xffff;
	v27 =	vadd.s32 v16, v29  }
0x210: {  	v27 =	vadd.s32 v14, v27;
	_ =	sdelay $0x3  }
0x211: {  	[tilespmem:v26+s23+$0x0] =	vst.idx.msk $0xffff, v25  }
0x212: {  	v26 =	vadd.s32 v16, v30;
	v25 =	vld.idx.msk [tilespmem:v27+s15+$0x0], $0xffff;
	v27 =	vor.u32 v15, v31  }
0x213: {  	v26 =	vadd.s32 v14, v26;
	_ =	sdelay $0x2  }
0x214: {  	s18 =	simm.s32 $0x1  }
0x215: {  	s16 =	simm.s32 $0x2;
	v31 =	vadd.s32 s18, v0;
	[tilespmem:v27+s23+$0x0] =	vst.idx.msk $0xffff, v25  }
.LBB2_7:
0x216: {  	p0 =	sne.s32 s16, $0xF;
	v25 =	vand.u32 $0xF, v31;
	v26 =	vld.idx.msk [tilespmem:v26+s15+$0x0], $0xffff  }
0x217: {  	v24 =	vor.u32 v15, v24;
	v27 =	vadd.s32 v23, v25  }
0x218: {  	v27 =	vadd.s32 v1, v27;
	_ =	sdelay $0x3  }
0x219: {  	[tilespmem:v24+s23+$0x0] =	vst.idx.msk $0xffff, v26  }
0x21a: {  	v26 =	vshll.u32 v25, $0x7;
	v24 =	vld.idx.msk [tilespmem:v27+s15+$0x0], $0xffff;
	v27 =	vor.u32 $0x10, v31  }
0x21b: {  	v28 =	vor.u32 v0, v26;
	v29 =	vadd.s32 v23, v27  }
0x21c: {  	v29 =	vadd.s32 v1, v29;
	_ =	sdelay $0x3  }
0x21d: {  	[tilespmem:v28+s23+$0x0] =	vst.idx.msk $0xffff, v24  }
0x21e: {  	v28 =	vshll.u32 v27, $0x7;
	v24 =	vld.idx.msk [tilespmem:v29+s15+$0x0], $0xffff;
	v29 =	vor.u32 $0x20, v25  }
0x21f: {  	v30 =	vor.u32 v0, v28;
	v32 =	vadd.s32 v23, v29  }
0x220: {  	v32 =	vadd.s32 v1, v32;
	_ =	sdelay $0x3  }
0x221: {  	[tilespmem:v30+s23+$0x0] =	vst.idx.msk $0xffff, v24  }
0x222: {  	v31 =	vor.u32 $0x30, v31;
	v30 =	vshll.u32 v29, $0x7;
	v24 =	vld.idx.msk [tilespmem:v32+s15+$0x0], $0xffff  }
0x223: {  	v33 =	vadd.s32 v23, v31;
	v32 =	vor.u32 v0, v30  }
0x224: {  	v33 =	vadd.s32 v1, v33;
	_ =	sdelay $0x3  }
0x225: {  	[tilespmem:v32+s23+$0x0] =	vst.idx.msk $0xffff, v24  }
0x226: {  	v24 =	vshll.u32 v31, $0x7;
	v32 =	vld.idx.msk [tilespmem:v33+s15+$0x0], $0xffff  }
0x227: {  	v34 =	vadd.s32 v22, v25;
	v33 =	vor.u32 v0, v24  }
0x228: {  	v34 =	vadd.s32 v2, v34;
	_ =	sdelay $0x3  }
0x229: {  	[tilespmem:v33+s23+$0x0] =	vst.idx.msk $0xffff, v32  }
0x22a: {  	v32 =	vld.idx.msk [tilespmem:v34+s15+$0x0], $0xffff  }
0x22b: {  	v33 =	vor.u32 v3, v26;
	v34 =	vadd.s32 v22, v27  }
0x22c: {  	v34 =	vadd.s32 v2, v34;
	_ =	sdelay $0x3  }
0x22d: {  	[tilespmem:v33+s23+$0x0] =	vst.idx.msk $0xffff, v32  }
0x22e: {  	v32 =	vld.idx.msk [tilespmem:v34+s15+$0x0], $0xffff  }
0x22f: {  	v33 =	vor.u32 v3, v28;
	v34 =	vadd.s32 v22, v29  }
0x230: {  	v34 =	vadd.s32 v2, v34;
	_ =	sdelay $0x3  }
0x231: {  	[tilespmem:v33+s23+$0x0] =	vst.idx.msk $0xffff, v32  }
0x232: {  	v32 =	vld.idx.msk [tilespmem:v34+s15+$0x0], $0xffff  }
0x233: {  	v33 =	vor.u32 v3, v30;
	v34 =	vadd.s32 v22, v31  }
0x234: {  	v34 =	vadd.s32 v2, v34;
	_ =	sdelay $0x3  }
0x235: {  	[tilespmem:v33+s23+$0x0] =	vst.idx.msk $0xffff, v32  }
0x236: {  	v32 =	vld.idx.msk [tilespmem:v34+s15+$0x0], $0xffff  }
0x237: {  	v33 =	vor.u32 v3, v24;
	v34 =	vadd.s32 v21, v25  }
0x238: {  	v34 =	vadd.s32 v4, v34;
	_ =	sdelay $0x3  }
0x239: {  	[tilespmem:v33+s23+$0x0] =	vst.idx.msk $0xffff, v32  }
0x23a: {  	v32 =	vld.idx.msk [tilespmem:v34+s15+$0x0], $0xffff  }
0x23b: {  	v33 =	vor.u32 v5, v26;
	v34 =	vadd.s32 v21, v27  }
0x23c: {  	v34 =	vadd.s32 v4, v34;
	_ =	sdelay $0x3  }
0x23d: {  	[tilespmem:v33+s23+$0x0] =	vst.idx.msk $0xffff, v32  }
0x23e: {  	v32 =	vld.idx.msk [tilespmem:v34+s15+$0x0], $0xffff  }
0x23f: {  	v33 =	vor.u32 v5, v28;
	v34 =	vadd.s32 v21, v29  }
0x240: {  	v34 =	vadd.s32 v4, v34;
	_ =	sdelay $0x3  }
0x241: {  	[tilespmem:v33+s23+$0x0] =	vst.idx.msk $0xffff, v32  }
0x242: {  	v32 =	vld.idx.msk [tilespmem:v34+s15+$0x0], $0xffff  }
0x243: {  	v33 =	vor.u32 v5, v30;
	v34 =	vadd.s32 v21, v31  }
0x244: {  	v34 =	vadd.s32 v4, v34;
	_ =	sdelay $0x3  }
0x245: {  	[tilespmem:v33+s23+$0x0] =	vst.idx.msk $0xffff, v32  }
0x246: {  	v32 =	vld.idx.msk [tilespmem:v34+s15+$0x0], $0xffff  }
0x247: {  	v33 =	vor.u32 v5, v24;
	v34 =	vadd.s32 v20, v25  }
0x248: {  	v34 =	vadd.s32 v6, v34;
	_ =	sdelay $0x3  }
0x249: {  	[tilespmem:v33+s23+$0x0] =	vst.idx.msk $0xffff, v32  }
0x24a: {  	v32 =	vld.idx.msk [tilespmem:v34+s15+$0x0], $0xffff  }
0x24b: {  	v33 =	vor.u32 v7, v26;
	v34 =	vadd.s32 v20, v27  }
0x24c: {  	v34 =	vadd.s32 v6, v34;
	_ =	sdelay $0x3  }
0x24d: {  	[tilespmem:v33+s23+$0x0] =	vst.idx.msk $0xffff, v32  }
0x24e: {  	v32 =	vld.idx.msk [tilespmem:v34+s15+$0x0], $0xffff  }
0x24f: {  	v33 =	vor.u32 v7, v28;
	v34 =	vadd.s32 v20, v29  }
0x250: {  	v34 =	vadd.s32 v6, v34;
	_ =	sdelay $0x3  }
0x251: {  	[tilespmem:v33+s23+$0x0] =	vst.idx.msk $0xffff, v32  }
0x252: {  	v32 =	vld.idx.msk [tilespmem:v34+s15+$0x0], $0xffff  }
0x253: {  	v33 =	vor.u32 v7, v30;
	v34 =	vadd.s32 v20, v31  }
0x254: {  	v34 =	vadd.s32 v6, v34;
	_ =	sdelay $0x3  }
0x255: {  	[tilespmem:v33+s23+$0x0] =	vst.idx.msk $0xffff, v32  }
0x256: {  	v32 =	vld.idx.msk [tilespmem:v34+s15+$0x0], $0xffff  }
0x257: {  	v33 =	vor.u32 v7, v24;
	v34 =	vadd.s32 v19, v25  }
0x258: {  	v34 =	vadd.s32 v8, v34;
	_ =	sdelay $0x3  }
0x259: {  	[tilespmem:v33+s23+$0x0] =	vst.idx.msk $0xffff, v32  }
0x25a: {  	v32 =	vld.idx.msk [tilespmem:v34+s15+$0x0], $0xffff  }
0x25b: {  	v33 =	vor.u32 v9, v26;
	v34 =	vadd.s32 v19, v27  }
0x25c: {  	v34 =	vadd.s32 v8, v34;
	_ =	sdelay $0x3  }
0x25d: {  	[tilespmem:v33+s23+$0x0] =	vst.idx.msk $0xffff, v32  }
0x25e: {  	v32 =	vld.idx.msk [tilespmem:v34+s15+$0x0], $0xffff  }
0x25f: {  	v33 =	vor.u32 v9, v28;
	v34 =	vadd.s32 v19, v29  }
0x260: {  	v34 =	vadd.s32 v8, v34;
	_ =	sdelay $0x3  }
0x261: {  	[tilespmem:v33+s23+$0x0] =	vst.idx.msk $0xffff, v32  }
0x262: {  	v32 =	vld.idx.msk [tilespmem:v34+s15+$0x0], $0xffff  }
0x263: {  	v33 =	vor.u32 v9, v30;
	v34 =	vadd.s32 v19, v31  }
0x264: {  	v34 =	vadd.s32 v8, v34;
	_ =	sdelay $0x3  }
0x265: {  	[tilespmem:v33+s23+$0x0] =	vst.idx.msk $0xffff, v32  }
0x266: {  	v32 =	vld.idx.msk [tilespmem:v34+s15+$0x0], $0xffff  }
0x267: {  	v33 =	vor.u32 v9, v24;
	v34 =	vadd.s32 v18, v25  }
0x268: {  	v34 =	vadd.s32 v10, v34;
	_ =	sdelay $0x3  }
0x269: {  	[tilespmem:v33+s23+$0x0] =	vst.idx.msk $0xffff, v32  }
0x26a: {  	v32 =	vld.idx.msk [tilespmem:v34+s15+$0x0], $0xffff  }
0x26b: {  	v33 =	vor.u32 v11, v26;
	v34 =	vadd.s32 v18, v27  }
0x26c: {  	v34 =	vadd.s32 v10, v34;
	_ =	sdelay $0x3  }
0x26d: {  	[tilespmem:v33+s23+$0x0] =	vst.idx.msk $0xffff, v32  }
0x26e: {  	v32 =	vld.idx.msk [tilespmem:v34+s15+$0x0], $0xffff  }
0x26f: {  	v33 =	vor.u32 v11, v28;
	v34 =	vadd.s32 v18, v29  }
0x270: {  	v34 =	vadd.s32 v10, v34;
	_ =	sdelay $0x3  }
0x271: {  	[tilespmem:v33+s23+$0x0] =	vst.idx.msk $0xffff, v32  }
0x272: {  	v32 =	vld.idx.msk [tilespmem:v34+s15+$0x0], $0xffff  }
0x273: {  	v33 =	vor.u32 v11, v30;
	v34 =	vadd.s32 v18, v31  }
0x274: {  	v34 =	vadd.s32 v10, v34;
	_ =	sdelay $0x3  }
0x275: {  	[tilespmem:v33+s23+$0x0] =	vst.idx.msk $0xffff, v32  }
0x276: {  	v32 =	vld.idx.msk [tilespmem:v34+s15+$0x0], $0xffff  }
0x277: {  	v33 =	vor.u32 v11, v24;
	v34 =	vadd.s32 v17, v25  }
0x278: {  	v34 =	vadd.s32 v12, v34;
	_ =	sdelay $0x3  }
0x279: {  	[tilespmem:v33+s23+$0x0] =	vst.idx.msk $0xffff, v32  }
0x27a: {  	v32 =	vld.idx.msk [tilespmem:v34+s15+$0x0], $0xffff  }
0x27b: {  	v33 =	vor.u32 v13, v26;
	v34 =	vadd.s32 v17, v27  }
0x27c: {  	v34 =	vadd.s32 v12, v34;
	_ =	sdelay $0x3  }
0x27d: {  	[tilespmem:v33+s23+$0x0] =	vst.idx.msk $0xffff, v32  }
0x27e: {  	v32 =	vld.idx.msk [tilespmem:v34+s15+$0x0], $0xffff  }
0x27f: {  	v33 =	vor.u32 v13, v28;
	v34 =	vadd.s32 v17, v29  }
0x280: {  	v34 =	vadd.s32 v12, v34;
	_ =	sdelay $0x3  }
0x281: {  	[tilespmem:v33+s23+$0x0] =	vst.idx.msk $0xffff, v32  }
0x282: {  	v32 =	vld.idx.msk [tilespmem:v34+s15+$0x0], $0xffff  }
0x283: {  	v33 =	vor.u32 v13, v30;
	v34 =	vadd.s32 v17, v31  }
0x284: {  	v34 =	vadd.s32 v12, v34;
	_ =	sdelay $0x3  }
0x285: {  	[tilespmem:v33+s23+$0x0] =	vst.idx.msk $0xffff, v32  }
0x286: {  	v32 =	vld.idx.msk [tilespmem:v34+s15+$0x0], $0xffff  }
0x287: {  	v25 =	vadd.s32 v16, v25;
	v33 =	vor.u32 v13, v24  }
0x288: {  	v25 =	vadd.s32 v14, v25;
	_ =	sdelay $0x3  }
0x289: {  	[tilespmem:v33+s23+$0x0] =	vst.idx.msk $0xffff, v32  }
0x28a: {  	v25 =	vld.idx.msk [tilespmem:v25+s15+$0x0], $0xffff  }
0x28b: {  	v26 =	vor.u32 v15, v26;
	v27 =	vadd.s32 v16, v27  }
0x28c: {  	v27 =	vadd.s32 v14, v27;
	_ =	sdelay $0x3  }
0x28d: {  	[tilespmem:v26+s23+$0x0] =	vst.idx.msk $0xffff, v25  }
0x28e: {  	v25 =	vld.idx.msk [tilespmem:v27+s15+$0x0], $0xffff  }
0x28f: {  	v26 =	vor.u32 v15, v28;
	v27 =	vadd.s32 v16, v29  }
0x290: {  	v27 =	vadd.s32 v14, v27;
	_ =	sdelay $0x3  }
0x291: {  	[tilespmem:v26+s23+$0x0] =	vst.idx.msk $0xffff, v25  }
0x292: {  	v25 =	vld.idx.msk [tilespmem:v27+s15+$0x0], $0xffff  }
0x293: {  	v26 =	vadd.s32 v16, v31;
	v27 =	vor.u32 v15, v30  }
.Ltmp6:
0x294: {  	v26 =	vadd.s32 v14, v26;
	(pc) =	sbr.rel @p0 .LBB2_7-.Ltmp6, $2  }
0x295: {  	_ =	sdelay $0x2  }
0x296: {  	v31 =	vadd.s32 s16, v0;
	s16 =	sadd.s32 $0x1, s16;
	[tilespmem:v27+s23+$0x0] =	vst.idx.msk $0xffff, v25  }
0x297: {  	_ =	sdelay $0x2  }
0x298: {  	v25 =	vand.u32 $0xF, v31  }
0x299: {  	v26 =	vld.idx.msk [tilespmem:v26+s15+$0x0], $0xffff;
	v24 =	vor.u32 v15, v24;
	v27 =	vadd.s32 v23, v25  }
0x29a: {  	v27 =	vadd.s32 v1, v27;
	_ =	sdelay $0x3  }
0x29b: {  	[tilespmem:v24+s23+$0x0] =	vst.idx.msk $0xffff, v26;
	v24 =	vshll.u32 v25, $0x7;
	v26 =	vor.u32 $0x10, v31  }
0x29c: {  	v28 =	vor.u32 v0, v24;
	v29 =	vadd.s32 v23, v26;
	v27 =	vld.idx.msk [tilespmem:v27+s15+$0x0], $0xffff  }
0x29d: {  	v29 =	vadd.s32 v1, v29;
	_ =	sdelay $0x3  }
0x29e: {  	[tilespmem:v28+s23+$0x0] =	vst.idx.msk $0xffff, v27;
	v27 =	vshll.u32 v26, $0x7;
	v28 =	vor.u32 $0x20, v25  }
0x29f: {  	v29 =	vld.idx.msk [tilespmem:v29+s15+$0x0], $0xffff;
	v30 =	vor.u32 v0, v27;
	v32 =	vadd.s32 v23, v28  }
0x2a0: {  	v32 =	vadd.s32 v1, v32;
	_ =	sdelay $0x3  }
0x2a1: {  	[tilespmem:v30+s23+$0x0] =	vst.idx.msk $0xffff, v29;
	v29 =	vshll.u32 v28, $0x7;
	v30 =	vor.u32 $0x30, v31  }
0x2a2: {  	v39 =	vld.idx.msk [tilespmem:v32+s15+$0x0], $0xffff;
	v40 =	vor.u32 v0, v29;
	v41 =	vadd.s32 v23, v30  }
0x2a3: {  	v33 =	vadd.s32 v1, v41;
	_ =	sdelay $0x3  }
0x2a4: {  	v23 =	vshll.u32 v30, $0x7;
	[tilespmem:v40+s23+$0x0] =	vst.idx.msk $0xffff, v39  }
0x2a5: {  	v43 =	vadd.s32 v22, v25;
	v42 =	vor.u32 v0, v23;
	v31 =	vld.idx.msk [tilespmem:v33+s15+$0x0], $0xffff  }
0x2a6: {  	v33 =	vadd.s32 v2, v43;
	_ =	sdelay $0x3  }
0x2a7: {  	[tilespmem:v42+s23+$0x0] =	vst.idx.msk $0xffff, v31  }
0x2a8: {  	v44 =	vor.u32 v3, v24;
	v45 =	vadd.s32 v22, v26;
	v31 =	vld.idx.msk [tilespmem:v33+s15+$0x0], $0xffff  }
0x2a9: {  	v33 =	vadd.s32 v2, v45;
	_ =	sdelay $0x3  }
0x2aa: {  	[tilespmem:v44+s23+$0x0] =	vst.idx.msk $0xffff, v31  }
0x2ab: {  	v46 =	vor.u32 v3, v27;
	v47 =	vadd.s32 v22, v28;
	v31 =	vld.idx.msk [tilespmem:v33+s15+$0x0], $0xffff  }
0x2ac: {  	v33 =	vadd.s32 v2, v47;
	_ =	sdelay $0x3  }
0x2ad: {  	[tilespmem:v46+s23+$0x0] =	vst.idx.msk $0xffff, v31  }
0x2ae: {  	v48 =	vor.u32 v3, v29;
	v49 =	vadd.s32 v22, v30;
	v31 =	vld.idx.msk [tilespmem:v33+s15+$0x0], $0xffff  }
0x2af: {  	v22 =	vadd.s32 v2, v49;
	_ =	sdelay $0x3  }
0x2b0: {  	[tilespmem:v48+s23+$0x0] =	vst.idx.msk $0xffff, v31  }
0x2b1: {  	v51 =	vadd.s32 v21, v25;
	v50 =	vor.u32 v3, v23;
	v22 =	vld.idx.msk [tilespmem:v22+s15+$0x0], $0xffff  }
0x2b2: {  	v32 =	vadd.s32 v4, v51;
	_ =	sdelay $0x3  }
0x2b3: {  	[tilespmem:v50+s23+$0x0] =	vst.idx.msk $0xffff, v22  }
0x2b4: {  	v52 =	vor.u32 v5, v24;
	v53 =	vadd.s32 v21, v26;
	v22 =	vld.idx.msk [tilespmem:v32+s15+$0x0], $0xffff  }
0x2b5: {  	v32 =	vadd.s32 v4, v53;
	_ =	sdelay $0x3  }
0x2b6: {  	[tilespmem:v52+s23+$0x0] =	vst.idx.msk $0xffff, v22  }
0x2b7: {  	v54 =	vor.u32 v5, v27;
	v55 =	vadd.s32 v21, v28;
	v22 =	vld.idx.msk [tilespmem:v32+s15+$0x0], $0xffff  }
0x2b8: {  	v32 =	vadd.s32 v4, v55;
	_ =	sdelay $0x3  }
0x2b9: {  	[tilespmem:v54+s23+$0x0] =	vst.idx.msk $0xffff, v22  }
0x2ba: {  	v56 =	vor.u32 v5, v29;
	v57 =	vadd.s32 v21, v30;
	v22 =	vld.idx.msk [tilespmem:v32+s15+$0x0], $0xffff  }
0x2bb: {  	v21 =	vadd.s32 v4, v57;
	_ =	sdelay $0x3  }
0x2bc: {  	[tilespmem:v56+s23+$0x0] =	vst.idx.msk $0xffff, v22  }
0x2bd: {  	v59 =	vadd.s32 v20, v25;
	v58 =	vor.u32 v5, v23;
	v21 =	vld.idx.msk [tilespmem:v21+s15+$0x0], $0xffff  }
0x2be: {  	v31 =	vadd.s32 v6, v59;
	_ =	sdelay $0x3  }
0x2bf: {  	[tilespmem:v58+s23+$0x0] =	vst.idx.msk $0xffff, v21  }
0x2c0: {  	v60 =	vor.u32 v7, v24;
	v61 =	vadd.s32 v20, v26;
	v21 =	vld.idx.msk [tilespmem:v31+s15+$0x0], $0xffff  }
0x2c1: {  	v31 =	vadd.s32 v6, v61;
	_ =	sdelay $0x3  }
0x2c2: {  	[tilespmem:v60+s23+$0x0] =	vst.idx.msk $0xffff, v21  }
0x2c3: {  	v62 =	vor.u32 v7, v27;
	v63 =	vadd.s32 v20, v28;
	v21 =	vld.idx.msk [tilespmem:v31+s15+$0x0], $0xffff  }
0x2c4: {  	v31 =	vadd.s32 v6, v63;
	_ =	sdelay $0x3  }
0x2c5: {  	[tilespmem:v62+s23+$0x0] =	vst.idx.msk $0xffff, v21  }
0x2c6: {  	v33 =	vadd.s32 v20, v30;
	v32 =	vor.u32 v7, v29;
	v21 =	vld.idx.msk [tilespmem:v31+s15+$0x0], $0xffff  }
0x2c7: {  	v20 =	vadd.s32 v6, v33;
	_ =	sdelay $0x3  }
0x2c8: {  	[tilespmem:v32+s23+$0x0] =	vst.idx.msk $0xffff, v21  }
0x2c9: {  	v35 =	vadd.s32 v19, v25;
	v34 =	vor.u32 v7, v23;
	v20 =	vld.idx.msk [tilespmem:v20+s15+$0x0], $0xffff  }
0x2ca: {  	v22 =	vadd.s32 v8, v35;
	_ =	sdelay $0x3  }
0x2cb: {  	[tilespmem:v34+s23+$0x0] =	vst.idx.msk $0xffff, v20  }
0x2cc: {  	v36 =	vor.u32 v9, v24;
	v37 =	vadd.s32 v19, v26;
	v20 =	vld.idx.msk [tilespmem:v22+s15+$0x0], $0xffff  }
0x2cd: {  	v22 =	vadd.s32 v8, v37;
	_ =	sdelay $0x3  }
0x2ce: {  	[tilespmem:v36+s23+$0x0] =	vst.idx.msk $0xffff, v20  }
0x2cf: {  	v38 =	vor.u32 v9, v27;
	v39 =	vadd.s32 v19, v28;
	v20 =	vld.idx.msk [tilespmem:v22+s15+$0x0], $0xffff  }
0x2d0: {  	v22 =	vadd.s32 v8, v39;
	_ =	sdelay $0x3  }
0x2d1: {  	[tilespmem:v38+s23+$0x0] =	vst.idx.msk $0xffff, v20  }
0x2d2: {  	v41 =	vadd.s32 v19, v30;
	v40 =	vor.u32 v9, v29;
	v20 =	vld.idx.msk [tilespmem:v22+s15+$0x0], $0xffff  }
0x2d3: {  	v19 =	vadd.s32 v8, v41;
	_ =	sdelay $0x3  }
0x2d4: {  	[tilespmem:v40+s23+$0x0] =	vst.idx.msk $0xffff, v20  }
0x2d5: {  	v43 =	vadd.s32 v18, v25;
	v42 =	vor.u32 v9, v23;
	v19 =	vld.idx.msk [tilespmem:v19+s15+$0x0], $0xffff  }
0x2d6: {  	v21 =	vadd.s32 v10, v43;
	_ =	sdelay $0x3  }
0x2d7: {  	[tilespmem:v42+s23+$0x0] =	vst.idx.msk $0xffff, v19  }
0x2d8: {  	v45 =	vadd.s32 v18, v26;
	v44 =	vor.u32 v11, v24;
	v19 =	vld.idx.msk [tilespmem:v21+s15+$0x0], $0xffff  }
0x2d9: {  	v21 =	vadd.s32 v10, v45;
	_ =	sdelay $0x3  }
0x2da: {  	[tilespmem:v44+s23+$0x0] =	vst.idx.msk $0xffff, v19  }
0x2db: {  	v47 =	vadd.s32 v18, v28;
	v46 =	vor.u32 v11, v27;
	v19 =	vld.idx.msk [tilespmem:v21+s15+$0x0], $0xffff  }
0x2dc: {  	v21 =	vadd.s32 v10, v47;
	_ =	sdelay $0x3  }
0x2dd: {  	[tilespmem:v46+s23+$0x0] =	vst.idx.msk $0xffff, v19  }
0x2de: {  	v49 =	vadd.s32 v18, v30;
	v48 =	vor.u32 v11, v29;
	v19 =	vld.idx.msk [tilespmem:v21+s15+$0x0], $0xffff  }
0x2df: {  	v18 =	vadd.s32 v10, v49;
	_ =	sdelay $0x3  }
0x2e0: {  	[tilespmem:v48+s23+$0x0] =	vst.idx.msk $0xffff, v19  }
0x2e1: {  	v51 =	vadd.s32 v17, v25;
	v50 =	vor.u32 v11, v23;
	v18 =	vld.idx.msk [tilespmem:v18+s15+$0x0], $0xffff  }
0x2e2: {  	v20 =	vadd.s32 v12, v51;
	_ =	sdelay $0x3  }
0x2e3: {  	[tilespmem:v50+s23+$0x0] =	vst.idx.msk $0xffff, v18  }
0x2e4: {  	v53 =	vadd.s32 v17, v26;
	v52 =	vor.u32 v13, v24;
	v18 =	vld.idx.msk [tilespmem:v20+s15+$0x0], $0xffff  }
0x2e5: {  	v20 =	vadd.s32 v12, v53;
	_ =	sdelay $0x3  }
0x2e6: {  	[tilespmem:v52+s23+$0x0] =	vst.idx.msk $0xffff, v18  }
0x2e7: {  	v55 =	vadd.s32 v17, v28;
	v54 =	vor.u32 v13, v27;
	v18 =	vld.idx.msk [tilespmem:v20+s15+$0x0], $0xffff  }
0x2e8: {  	v20 =	vadd.s32 v12, v55;
	_ =	sdelay $0x3  }
0x2e9: {  	[tilespmem:v54+s23+$0x0] =	vst.idx.msk $0xffff, v18  }
0x2ea: {  	v17 =	vadd.s32 v17, v30;
	v56 =	vor.u32 v13, v29;
	v18 =	vld.idx.msk [tilespmem:v20+s15+$0x0], $0xffff  }
0x2eb: {  	v17 =	vadd.s32 v12, v17;
	_ =	sdelay $0x3  }
0x2ec: {  	[tilespmem:v56+s23+$0x0] =	vst.idx.msk $0xffff, v18  }
0x2ed: {  	v57 =	vor.u32 v13, v23;
	v58 =	vadd.s32 v16, v25;
	v17 =	vld.idx.msk [tilespmem:v17+s15+$0x0], $0xffff  }
0x2ee: {  	v19 =	vadd.s32 v14, v58;
	_ =	sdelay $0x3  }
0x2ef: {  	[tilespmem:v57+s23+$0x0] =	vst.idx.msk $0xffff, v17  }
0x2f0: {  	v59 =	vor.u32 v15, v24;
	v60 =	vadd.s32 v16, v26;
	v17 =	vld.idx.msk [tilespmem:v19+s15+$0x0], $0xffff  }
0x2f1: {  	v19 =	vadd.s32 v14, v60;
	_ =	sdelay $0x3  }
0x2f2: {  	[tilespmem:v59+s23+$0x0] =	vst.idx.msk $0xffff, v17  }
0x2f3: {  	v61 =	vor.u32 v15, v27;
	v62 =	vadd.s32 v16, v28;
	v17 =	vld.idx.msk [tilespmem:v19+s15+$0x0], $0xffff  }
0x2f4: {  	v19 =	vadd.s32 v14, v62;
	_ =	sdelay $0x3  }
0x2f5: {  	[tilespmem:v61+s23+$0x0] =	vst.idx.msk $0xffff, v17  }
0x2f6: {  	v63 =	vor.u32 v15, v29;
	v16 =	vadd.s32 v16, v30;
	v17 =	vld.idx.msk [tilespmem:v19+s15+$0x0], $0xffff  }
0x2f7: {  	v16 =	vadd.s32 v14, v16;
	_ =	sdelay $0x3  }
0x2f8: {  	[tilespmem:v63+s23+$0x0] =	vst.idx.msk $0xffff, v17  }
0x2f9: {  	v17 =	vor.u32 v15, v23;
	v16 =	vld.idx.msk [tilespmem:v16+s15+$0x0], $0xffff;
	_ =	sdelay $0x1  }
.Ltmp7:
0x2fa: {  	s11 =	sshll.u32 s11, $0x12;
	(pc) =	sbr.rel @p1 .LBB2_18-.Ltmp7, $4  }
0x2fb: {  	s11 =	sor.u32 s4, s11  }
0x2fc: {  	s11 =	sshrl.u32 s11, $0x3  }
0x2fd: {  	s11 =	sadd.s32 s2, s11;
	[tilespmem:v17+s23+$0x0] =	vst.idx.msk $0xffff, v16  }
0x2fe: {  	[hbm4b:s11+s9] =	stream.strided.scatter [tilespmem:s23], [sflag:$0x6], $0x2000, s10, s9, $0x38;
	[tilespmem:$0x17800] =	vst v63  }
0x2ff: {  	s11 =	sadd.s32 $0x280, s1  }
0x300: {  	[tilespmem:s15], [sflag:$0x2] =	stream.indirect.gather [hbm4b:s6+s13], $0x80, s11, s13, $0xb8;
	[tilespmem:$0x17800] =	vst v63  }
0x301: {  	s11 =	sor.u32 $0x2, s0  }
0x302: {  	p0 =	sgt.u32 s11, $0x31  }
.Ltmp8:
0x303: {  	_ = 	snop;
	(pc) =	sbr.rel @p0 .LBB2_13-.Ltmp8, $1  }
0x304: {  	_ =	sdelay $0x3  }
0x305: {  	_ =	swait.ge [sflag:s26], $0x4000  }
0x306: {  	[sflag:s26] =	ssyncset.done $0x0  }
0x307: {  	[sflag:s26] =	ssyncadd.s32 $0xFFFFC000  }
0x308: {  	_ =	swait.ge [sflag:s24], $0x2000  }
0x309: {  	s16 =	sshll.u32 s11, $0x7;
	[sflag:s24] =	ssyncset.done $0x0  }
0x30a: {  	s16 =	sand.u32 $0x3FFFFF80, s16;
	[sflag:s24] =	ssyncadd.s32 $0xFFFFE000  }
0x30b: {  	v23 =	vld [tilespmem:s16+$0x1C00];
	_ =	sdelay $0x1  }
0x30c: {  	s18 =	simm.s32 $0x0  }
0x30d: {  	v24 =	vadd.s32 s18, v0  }
0x30e: {  	v25 =	vand.u32 $0xF, v24  }
0x30f: {  	v16 =	vadd.s32 v23, v25  }
0x310: {  	v16 =	vadd.s32 v1, v16;
	_ =	sdelay $0x2  }
0x311: {  	v22 =	vld [tilespmem:s16+$0x1C10]  }
0x312: {  	v27 =	vor.u32 $0x10, v24;
	v26 =	vshll.u32 v25, $0x7;
	v21 =	vld [tilespmem:s16+$0x1C20]  }
0x313: {  	v29 =	vor.u32 v0, v26;
	v28 =	vld.idx.msk [tilespmem:v16+s17+$0x0], $0xffff;
	v16 =	vadd.s32 v23, v27  }
0x314: {  	v20 =	vld [tilespmem:s16+$0x1C30];
	v30 =	vadd.s32 v1, v16  }
0x315: {  	v19 =	vld [tilespmem:s16+$0x1C40]  }
0x316: {  	v18 =	vld [tilespmem:s16+$0x1C50]  }
0x317: {  	v17 =	vld [tilespmem:s16+$0x1C60]  }
0x318: {  	v16 =	vld [tilespmem:s16+$0x1C70];
	[tilespmem:v29+s21+$0x0] =	vst.idx.msk $0xffff, v28;
	v28 =	vshll.u32 v27, $0x7;
	v29 =	vor.u32 $0x20, v25  }
0x319: {  	v30 =	vld.idx.msk [tilespmem:v30+s17+$0x0], $0xffff;
	v31 =	vor.u32 v0, v28;
	v32 =	vadd.s32 v23, v29  }
0x31a: {  	v32 =	vadd.s32 v1, v32;
	_ =	sdelay $0x3  }
0x31b: {  	[tilespmem:v31+s21+$0x0] =	vst.idx.msk $0xffff, v30;
	v31 =	vshll.u32 v29, $0x7;
	v30 =	vor.u32 $0x30, v24  }
0x31c: {  	v24 =	vld.idx.msk [tilespmem:v32+s17+$0x0], $0xffff;
	v43 =	vor.u32 v0, v31;
	v33 =	vadd.s32 v23, v30  }
0x31d: {  	v33 =	vadd.s32 v1, v33;
	_ =	sdelay $0x3  }
0x31e: {  	[tilespmem:v43+s21+$0x0] =	vst.idx.msk $0xffff, v24;
	v24 =	vshll.u32 v30, $0x7  }
0x31f: {  	v34 =	vadd.s32 v22, v25;
	v32 =	vld.idx.msk [tilespmem:v33+s17+$0x0], $0xffff;
	v44 =	vor.u32 v0, v24  }
0x320: {  	v34 =	vadd.s32 v2, v34;
	_ =	sdelay $0x3  }
0x321: {  	[tilespmem:v44+s21+$0x0] =	vst.idx.msk $0xffff, v32  }
0x322: {  	v45 =	vor.u32 v3, v26;
	v46 =	vadd.s32 v22, v27;
	v32 =	vld.idx.msk [tilespmem:v34+s17+$0x0], $0xffff  }
0x323: {  	v34 =	vadd.s32 v2, v46;
	_ =	sdelay $0x3  }
0x324: {  	[tilespmem:v45+s21+$0x0] =	vst.idx.msk $0xffff, v32  }
0x325: {  	v47 =	vor.u32 v3, v28;
	v48 =	vadd.s32 v22, v29;
	v32 =	vld.idx.msk [tilespmem:v34+s17+$0x0], $0xffff  }
0x326: {  	v34 =	vadd.s32 v2, v48;
	_ =	sdelay $0x3  }
0x327: {  	[tilespmem:v47+s21+$0x0] =	vst.idx.msk $0xffff, v32  }
0x328: {  	v49 =	vor.u32 v3, v31;
	v50 =	vadd.s32 v22, v30;
	v32 =	vld.idx.msk [tilespmem:v34+s17+$0x0], $0xffff  }
0x329: {  	v34 =	vadd.s32 v2, v50;
	_ =	sdelay $0x3  }
0x32a: {  	[tilespmem:v49+s21+$0x0] =	vst.idx.msk $0xffff, v32  }
0x32b: {  	v52 =	vadd.s32 v21, v25;
	v51 =	vor.u32 v3, v24;
	v32 =	vld.idx.msk [tilespmem:v34+s17+$0x0], $0xffff  }
0x32c: {  	v34 =	vadd.s32 v4, v52;
	_ =	sdelay $0x3  }
0x32d: {  	[tilespmem:v51+s21+$0x0] =	vst.idx.msk $0xffff, v32  }
0x32e: {  	v53 =	vor.u32 v5, v26;
	v54 =	vadd.s32 v21, v27;
	v32 =	vld.idx.msk [tilespmem:v34+s17+$0x0], $0xffff  }
0x32f: {  	v34 =	vadd.s32 v4, v54;
	_ =	sdelay $0x3  }
0x330: {  	[tilespmem:v53+s21+$0x0] =	vst.idx.msk $0xffff, v32  }
0x331: {  	v55 =	vor.u32 v5, v28;
	v56 =	vadd.s32 v21, v29;
	v32 =	vld.idx.msk [tilespmem:v34+s17+$0x0], $0xffff  }
0x332: {  	v34 =	vadd.s32 v4, v56;
	_ =	sdelay $0x3  }
0x333: {  	[tilespmem:v55+s21+$0x0] =	vst.idx.msk $0xffff, v32  }
0x334: {  	v57 =	vor.u32 v5, v31;
	v58 =	vadd.s32 v21, v30;
	v32 =	vld.idx.msk [tilespmem:v34+s17+$0x0], $0xffff  }
0x335: {  	v34 =	vadd.s32 v4, v58;
	_ =	sdelay $0x3  }
0x336: {  	[tilespmem:v57+s21+$0x0] =	vst.idx.msk $0xffff, v32  }
0x337: {  	v60 =	vadd.s32 v20, v25;
	v59 =	vor.u32 v5, v24;
	v32 =	vld.idx.msk [tilespmem:v34+s17+$0x0], $0xffff  }
0x338: {  	v34 =	vadd.s32 v6, v60;
	_ =	sdelay $0x3  }
0x339: {  	[tilespmem:v59+s21+$0x0] =	vst.idx.msk $0xffff, v32  }
0x33a: {  	v61 =	vor.u32 v7, v26;
	v62 =	vadd.s32 v20, v27;
	v32 =	vld.idx.msk [tilespmem:v34+s17+$0x0], $0xffff  }
0x33b: {  	v34 =	vadd.s32 v6, v62;
	_ =	sdelay $0x3  }
0x33c: {  	[tilespmem:v61+s21+$0x0] =	vst.idx.msk $0xffff, v32  }
0x33d: {  	v63 =	vor.u32 v7, v28;
	v36 =	vadd.s32 v20, v29;
	v32 =	vld.idx.msk [tilespmem:v34+s17+$0x0], $0xffff  }
0x33e: {  	v34 =	vadd.s32 v6, v36;
	_ =	sdelay $0x3  }
0x33f: {  	[tilespmem:v63+s21+$0x0] =	vst.idx.msk $0xffff, v32  }
0x340: {  	v37 =	vor.u32 v7, v31;
	v38 =	vadd.s32 v20, v30;
	v32 =	vld.idx.msk [tilespmem:v34+s17+$0x0], $0xffff  }
0x341: {  	v34 =	vadd.s32 v6, v38;
	_ =	sdelay $0x3  }
0x342: {  	[tilespmem:v37+s21+$0x0] =	vst.idx.msk $0xffff, v32  }
0x343: {  	v40 =	vadd.s32 v19, v25;
	v39 =	vor.u32 v7, v24;
	v32 =	vld.idx.msk [tilespmem:v34+s17+$0x0], $0xffff  }
0x344: {  	v34 =	vadd.s32 v8, v40;
	_ =	sdelay $0x3  }
0x345: {  	[tilespmem:v39+s21+$0x0] =	vst.idx.msk $0xffff, v32  }
0x346: {  	v41 =	vor.u32 v9, v26;
	v42 =	vadd.s32 v19, v27;
	v32 =	vld.idx.msk [tilespmem:v34+s17+$0x0], $0xffff  }
0x347: {  	v34 =	vadd.s32 v8, v42;
	_ =	sdelay $0x3  }
0x348: {  	[tilespmem:v41+s21+$0x0] =	vst.idx.msk $0xffff, v32  }
0x349: {  	v43 =	vor.u32 v9, v28;
	v44 =	vadd.s32 v19, v29;
	v32 =	vld.idx.msk [tilespmem:v34+s17+$0x0], $0xffff  }
0x34a: {  	v34 =	vadd.s32 v8, v44;
	_ =	sdelay $0x3  }
0x34b: {  	[tilespmem:v43+s21+$0x0] =	vst.idx.msk $0xffff, v32  }
0x34c: {  	v46 =	vadd.s32 v19, v30;
	v45 =	vor.u32 v9, v31;
	v32 =	vld.idx.msk [tilespmem:v34+s17+$0x0], $0xffff  }
0x34d: {  	v34 =	vadd.s32 v8, v46;
	_ =	sdelay $0x3  }
0x34e: {  	[tilespmem:v45+s21+$0x0] =	vst.idx.msk $0xffff, v32  }
0x34f: {  	v48 =	vadd.s32 v18, v25;
	v47 =	vor.u32 v9, v24;
	v32 =	vld.idx.msk [tilespmem:v34+s17+$0x0], $0xffff  }
0x350: {  	v34 =	vadd.s32 v10, v48;
	_ =	sdelay $0x3  }
0x351: {  	[tilespmem:v47+s21+$0x0] =	vst.idx.msk $0xffff, v32  }
0x352: {  	v50 =	vadd.s32 v18, v27;
	v49 =	vor.u32 v11, v26;
	v32 =	vld.idx.msk [tilespmem:v34+s17+$0x0], $0xffff  }
0x353: {  	v34 =	vadd.s32 v10, v50;
	_ =	sdelay $0x3  }
0x354: {  	[tilespmem:v49+s21+$0x0] =	vst.idx.msk $0xffff, v32  }
0x355: {  	v52 =	vadd.s32 v18, v29;
	v51 =	vor.u32 v11, v28;
	v32 =	vld.idx.msk [tilespmem:v34+s17+$0x0], $0xffff  }
0x356: {  	v34 =	vadd.s32 v10, v52;
	_ =	sdelay $0x3  }
0x357: {  	[tilespmem:v51+s21+$0x0] =	vst.idx.msk $0xffff, v32  }
0x358: {  	v54 =	vadd.s32 v18, v30;
	v53 =	vor.u32 v11, v31;
	v32 =	vld.idx.msk [tilespmem:v34+s17+$0x0], $0xffff  }
0x359: {  	v34 =	vadd.s32 v10, v54;
	_ =	sdelay $0x3  }
0x35a: {  	[tilespmem:v53+s21+$0x0] =	vst.idx.msk $0xffff, v32  }
0x35b: {  	v56 =	vadd.s32 v17, v25;
	v55 =	vor.u32 v11, v24;
	v32 =	vld.idx.msk [tilespmem:v34+s17+$0x0], $0xffff  }
0x35c: {  	v34 =	vadd.s32 v12, v56;
	_ =	sdelay $0x3  }
0x35d: {  	[tilespmem:v55+s21+$0x0] =	vst.idx.msk $0xffff, v32  }
0x35e: {  	v58 =	vadd.s32 v17, v27;
	v57 =	vor.u32 v13, v26;
	v32 =	vld.idx.msk [tilespmem:v34+s17+$0x0], $0xffff  }
0x35f: {  	v34 =	vadd.s32 v12, v58;
	_ =	sdelay $0x3  }
0x360: {  	[tilespmem:v57+s21+$0x0] =	vst.idx.msk $0xffff, v32  }
0x361: {  	v60 =	vadd.s32 v17, v29;
	v59 =	vor.u32 v13, v28;
	v32 =	vld.idx.msk [tilespmem:v34+s17+$0x0], $0xffff  }
0x362: {  	v34 =	vadd.s32 v12, v60;
	_ =	sdelay $0x3  }
0x363: {  	[tilespmem:v59+s21+$0x0] =	vst.idx.msk $0xffff, v32  }
0x364: {  	v62 =	vadd.s32 v17, v30;
	v61 =	vor.u32 v13, v31;
	v32 =	vld.idx.msk [tilespmem:v34+s17+$0x0], $0xffff  }
0x365: {  	v34 =	vadd.s32 v12, v62;
	_ =	sdelay $0x3  }
0x366: {  	[tilespmem:v61+s21+$0x0] =	vst.idx.msk $0xffff, v32  }
0x367: {  	v25 =	vadd.s32 v16, v25;
	v63 =	vor.u32 v13, v24;
	v32 =	vld.idx.msk [tilespmem:v34+s17+$0x0], $0xffff  }
0x368: {  	v25 =	vadd.s32 v14, v25;
	_ =	sdelay $0x3  }
0x369: {  	[tilespmem:v63+s21+$0x0] =	vst.idx.msk $0xffff, v32  }
0x36a: {  	v27 =	vadd.s32 v16, v27;
	v26 =	vor.u32 v15, v26;
	v25 =	vld.idx.msk [tilespmem:v25+s17+$0x0], $0xffff  }
0x36b: {  	v27 =	vadd.s32 v14, v27;
	_ =	sdelay $0x3  }
0x36c: {  	[tilespmem:v26+s21+$0x0] =	vst.idx.msk $0xffff, v25  }
0x36d: {  	v26 =	vor.u32 v15, v28;
	v25 =	vld.idx.msk [tilespmem:v27+s17+$0x0], $0xffff;
	v27 =	vadd.s32 v16, v29  }
0x36e: {  	v27 =	vadd.s32 v14, v27;
	_ =	sdelay $0x3  }
0x36f: {  	[tilespmem:v26+s21+$0x0] =	vst.idx.msk $0xffff, v25  }
0x370: {  	v26 =	vadd.s32 v16, v30;
	v25 =	vld.idx.msk [tilespmem:v27+s17+$0x0], $0xffff;
	v27 =	vor.u32 v15, v31  }
0x371: {  	v26 =	vadd.s32 v14, v26;
	_ =	sdelay $0x2  }
0x372: {  	s18 =	simm.s32 $0x1  }
0x373: {  	s16 =	simm.s32 $0x2;
	v31 =	vadd.s32 s18, v0;
	[tilespmem:v27+s21+$0x0] =	vst.idx.msk $0xffff, v25  }
.LBB2_11:
0x374: {  	p0 =	sne.s32 s16, $0xF;
	v25 =	vand.u32 $0xF, v31;
	v26 =	vld.idx.msk [tilespmem:v26+s17+$0x0], $0xffff  }
0x375: {  	v24 =	vor.u32 v15, v24;
	v27 =	vadd.s32 v23, v25  }
0x376: {  	v27 =	vadd.s32 v1, v27;
	_ =	sdelay $0x3  }
0x377: {  	[tilespmem:v24+s21+$0x0] =	vst.idx.msk $0xffff, v26  }
0x378: {  	v26 =	vshll.u32 v25, $0x7;
	v24 =	vld.idx.msk [tilespmem:v27+s17+$0x0], $0xffff;
	v27 =	vor.u32 $0x10, v31  }
0x379: {  	v28 =	vor.u32 v0, v26;
	v29 =	vadd.s32 v23, v27  }
0x37a: {  	v29 =	vadd.s32 v1, v29;
	_ =	sdelay $0x3  }
0x37b: {  	[tilespmem:v28+s21+$0x0] =	vst.idx.msk $0xffff, v24  }
0x37c: {  	v28 =	vshll.u32 v27, $0x7;
	v24 =	vld.idx.msk [tilespmem:v29+s17+$0x0], $0xffff;
	v29 =	vor.u32 $0x20, v25  }
0x37d: {  	v30 =	vor.u32 v0, v28;
	v32 =	vadd.s32 v23, v29  }
0x37e: {  	v32 =	vadd.s32 v1, v32;
	_ =	sdelay $0x3  }
0x37f: {  	[tilespmem:v30+s21+$0x0] =	vst.idx.msk $0xffff, v24  }
0x380: {  	v31 =	vor.u32 $0x30, v31;
	v30 =	vshll.u32 v29, $0x7;
	v24 =	vld.idx.msk [tilespmem:v32+s17+$0x0], $0xffff  }
0x381: {  	v33 =	vadd.s32 v23, v31;
	v32 =	vor.u32 v0, v30  }
0x382: {  	v33 =	vadd.s32 v1, v33;
	_ =	sdelay $0x3  }
0x383: {  	[tilespmem:v32+s21+$0x0] =	vst.idx.msk $0xffff, v24  }
0x384: {  	v24 =	vshll.u32 v31, $0x7;
	v32 =	vld.idx.msk [tilespmem:v33+s17+$0x0], $0xffff  }
0x385: {  	v34 =	vadd.s32 v22, v25;
	v33 =	vor.u32 v0, v24  }
0x386: {  	v34 =	vadd.s32 v2, v34;
	_ =	sdelay $0x3  }
0x387: {  	[tilespmem:v33+s21+$0x0] =	vst.idx.msk $0xffff, v32  }
0x388: {  	v32 =	vld.idx.msk [tilespmem:v34+s17+$0x0], $0xffff  }
0x389: {  	v33 =	vor.u32 v3, v26;
	v34 =	vadd.s32 v22, v27  }
0x38a: {  	v34 =	vadd.s32 v2, v34;
	_ =	sdelay $0x3  }
0x38b: {  	[tilespmem:v33+s21+$0x0] =	vst.idx.msk $0xffff, v32  }
0x38c: {  	v32 =	vld.idx.msk [tilespmem:v34+s17+$0x0], $0xffff  }
0x38d: {  	v33 =	vor.u32 v3, v28;
	v34 =	vadd.s32 v22, v29  }
0x38e: {  	v34 =	vadd.s32 v2, v34;
	_ =	sdelay $0x3  }
0x38f: {  	[tilespmem:v33+s21+$0x0] =	vst.idx.msk $0xffff, v32  }
0x390: {  	v32 =	vld.idx.msk [tilespmem:v34+s17+$0x0], $0xffff  }
0x391: {  	v33 =	vor.u32 v3, v30;
	v34 =	vadd.s32 v22, v31  }
0x392: {  	v34 =	vadd.s32 v2, v34;
	_ =	sdelay $0x3  }
0x393: {  	[tilespmem:v33+s21+$0x0] =	vst.idx.msk $0xffff, v32  }
0x394: {  	v32 =	vld.idx.msk [tilespmem:v34+s17+$0x0], $0xffff  }
0x395: {  	v33 =	vor.u32 v3, v24;
	v34 =	vadd.s32 v21, v25  }
0x396: {  	v34 =	vadd.s32 v4, v34;
	_ =	sdelay $0x3  }
0x397: {  	[tilespmem:v33+s21+$0x0] =	vst.idx.msk $0xffff, v32  }
0x398: {  	v32 =	vld.idx.msk [tilespmem:v34+s17+$0x0], $0xffff  }
0x399: {  	v33 =	vor.u32 v5, v26;
	v34 =	vadd.s32 v21, v27  }
0x39a: {  	v34 =	vadd.s32 v4, v34;
	_ =	sdelay $0x3  }
0x39b: {  	[tilespmem:v33+s21+$0x0] =	vst.idx.msk $0xffff, v32  }
0x39c: {  	v32 =	vld.idx.msk [tilespmem:v34+s17+$0x0], $0xffff  }
0x39d: {  	v33 =	vor.u32 v5, v28;
	v34 =	vadd.s32 v21, v29  }
0x39e: {  	v34 =	vadd.s32 v4, v34;
	_ =	sdelay $0x3  }
0x39f: {  	[tilespmem:v33+s21+$0x0] =	vst.idx.msk $0xffff, v32  }
0x3a0: {  	v32 =	vld.idx.msk [tilespmem:v34+s17+$0x0], $0xffff  }
0x3a1: {  	v33 =	vor.u32 v5, v30;
	v34 =	vadd.s32 v21, v31  }
0x3a2: {  	v34 =	vadd.s32 v4, v34;
	_ =	sdelay $0x3  }
0x3a3: {  	[tilespmem:v33+s21+$0x0] =	vst.idx.msk $0xffff, v32  }
0x3a4: {  	v32 =	vld.idx.msk [tilespmem:v34+s17+$0x0], $0xffff  }
0x3a5: {  	v33 =	vor.u32 v5, v24;
	v34 =	vadd.s32 v20, v25  }
0x3a6: {  	v34 =	vadd.s32 v6, v34;
	_ =	sdelay $0x3  }
0x3a7: {  	[tilespmem:v33+s21+$0x0] =	vst.idx.msk $0xffff, v32  }
0x3a8: {  	v32 =	vld.idx.msk [tilespmem:v34+s17+$0x0], $0xffff  }
0x3a9: {  	v33 =	vor.u32 v7, v26;
	v34 =	vadd.s32 v20, v27  }
0x3aa: {  	v34 =	vadd.s32 v6, v34;
	_ =	sdelay $0x3  }
0x3ab: {  	[tilespmem:v33+s21+$0x0] =	vst.idx.msk $0xffff, v32  }
0x3ac: {  	v32 =	vld.idx.msk [tilespmem:v34+s17+$0x0], $0xffff  }
0x3ad: {  	v33 =	vor.u32 v7, v28;
	v34 =	vadd.s32 v20, v29  }
0x3ae: {  	v34 =	vadd.s32 v6, v34;
	_ =	sdelay $0x3  }
0x3af: {  	[tilespmem:v33+s21+$0x0] =	vst.idx.msk $0xffff, v32  }
0x3b0: {  	v32 =	vld.idx.msk [tilespmem:v34+s17+$0x0], $0xffff  }
0x3b1: {  	v33 =	vor.u32 v7, v30;
	v34 =	vadd.s32 v20, v31  }
0x3b2: {  	v34 =	vadd.s32 v6, v34;
	_ =	sdelay $0x3  }
0x3b3: {  	[tilespmem:v33+s21+$0x0] =	vst.idx.msk $0xffff, v32  }
0x3b4: {  	v32 =	vld.idx.msk [tilespmem:v34+s17+$0x0], $0xffff  }
0x3b5: {  	v33 =	vor.u32 v7, v24;
	v34 =	vadd.s32 v19, v25  }
0x3b6: {  	v34 =	vadd.s32 v8, v34;
	_ =	sdelay $0x3  }
0x3b7: {  	[tilespmem:v33+s21+$0x0] =	vst.idx.msk $0xffff, v32  }
0x3b8: {  	v32 =	vld.idx.msk [tilespmem:v34+s17+$0x0], $0xffff  }
0x3b9: {  	v33 =	vor.u32 v9, v26;
	v34 =	vadd.s32 v19, v27  }
0x3ba: {  	v34 =	vadd.s32 v8, v34;
	_ =	sdelay $0x3  }
0x3bb: {  	[tilespmem:v33+s21+$0x0] =	vst.idx.msk $0xffff, v32  }
0x3bc: {  	v32 =	vld.idx.msk [tilespmem:v34+s17+$0x0], $0xffff  }
0x3bd: {  	v33 =	vor.u32 v9, v28;
	v34 =	vadd.s32 v19, v29  }
0x3be: {  	v34 =	vadd.s32 v8, v34;
	_ =	sdelay $0x3  }
0x3bf: {  	[tilespmem:v33+s21+$0x0] =	vst.idx.msk $0xffff, v32  }
0x3c0: {  	v32 =	vld.idx.msk [tilespmem:v34+s17+$0x0], $0xffff  }
0x3c1: {  	v33 =	vor.u32 v9, v30;
	v34 =	vadd.s32 v19, v31  }
0x3c2: {  	v34 =	vadd.s32 v8, v34;
	_ =	sdelay $0x3  }
0x3c3: {  	[tilespmem:v33+s21+$0x0] =	vst.idx.msk $0xffff, v32  }
0x3c4: {  	v32 =	vld.idx.msk [tilespmem:v34+s17+$0x0], $0xffff  }
0x3c5: {  	v33 =	vor.u32 v9, v24;
	v34 =	vadd.s32 v18, v25  }
0x3c6: {  	v34 =	vadd.s32 v10, v34;
	_ =	sdelay $0x3  }
0x3c7: {  	[tilespmem:v33+s21+$0x0] =	vst.idx.msk $0xffff, v32  }
0x3c8: {  	v32 =	vld.idx.msk [tilespmem:v34+s17+$0x0], $0xffff  }
0x3c9: {  	v33 =	vor.u32 v11, v26;
	v34 =	vadd.s32 v18, v27  }
0x3ca: {  	v34 =	vadd.s32 v10, v34;
	_ =	sdelay $0x3  }
0x3cb: {  	[tilespmem:v33+s21+$0x0] =	vst.idx.msk $0xffff, v32  }
0x3cc: {  	v32 =	vld.idx.msk [tilespmem:v34+s17+$0x0], $0xffff  }
0x3cd: {  	v33 =	vor.u32 v11, v28;
	v34 =	vadd.s32 v18, v29  }
0x3ce: {  	v34 =	vadd.s32 v10, v34;
	_ =	sdelay $0x3  }
0x3cf: {  	[tilespmem:v33+s21+$0x0] =	vst.idx.msk $0xffff, v32  }
0x3d0: {  	v32 =	vld.idx.msk [tilespmem:v34+s17+$0x0], $0xffff  }
0x3d1: {  	v33 =	vor.u32 v11, v30;
	v34 =	vadd.s32 v18, v31  }
0x3d2: {  	v34 =	vadd.s32 v10, v34;
	_ =	sdelay $0x3  }
0x3d3: {  	[tilespmem:v33+s21+$0x0] =	vst.idx.msk $0xffff, v32  }
0x3d4: {  	v32 =	vld.idx.msk [tilespmem:v34+s17+$0x0], $0xffff  }
0x3d5: {  	v33 =	vor.u32 v11, v24;
	v34 =	vadd.s32 v17, v25  }
0x3d6: {  	v34 =	vadd.s32 v12, v34;
	_ =	sdelay $0x3  }
0x3d7: {  	[tilespmem:v33+s21+$0x0] =	vst.idx.msk $0xffff, v32  }
0x3d8: {  	v32 =	vld.idx.msk [tilespmem:v34+s17+$0x0], $0xffff  }
0x3d9: {  	v33 =	vor.u32 v13, v26;
	v34 =	vadd.s32 v17, v27  }
0x3da: {  	v34 =	vadd.s32 v12, v34;
	_ =	sdelay $0x3  }
0x3db: {  	[tilespmem:v33+s21+$0x0] =	vst.idx.msk $0xffff, v32  }
0x3dc: {  	v32 =	vld.idx.msk [tilespmem:v34+s17+$0x0], $0xffff  }
0x3dd: {  	v33 =	vor.u32 v13, v28;
	v34 =	vadd.s32 v17, v29  }
0x3de: {  	v34 =	vadd.s32 v12, v34;
	_ =	sdelay $0x3  }
0x3df: {  	[tilespmem:v33+s21+$0x0] =	vst.idx.msk $0xffff, v32  }
0x3e0: {  	v32 =	vld.idx.msk [tilespmem:v34+s17+$0x0], $0xffff  }
0x3e1: {  	v33 =	vor.u32 v13, v30;
	v34 =	vadd.s32 v17, v31  }
0x3e2: {  	v34 =	vadd.s32 v12, v34;
	_ =	sdelay $0x3  }
0x3e3: {  	[tilespmem:v33+s21+$0x0] =	vst.idx.msk $0xffff, v32  }
0x3e4: {  	v32 =	vld.idx.msk [tilespmem:v34+s17+$0x0], $0xffff  }
0x3e5: {  	v25 =	vadd.s32 v16, v25;
	v33 =	vor.u32 v13, v24  }
0x3e6: {  	v25 =	vadd.s32 v14, v25;
	_ =	sdelay $0x3  }
0x3e7: {  	[tilespmem:v33+s21+$0x0] =	vst.idx.msk $0xffff, v32  }
0x3e8: {  	v25 =	vld.idx.msk [tilespmem:v25+s17+$0x0], $0xffff  }
0x3e9: {  	v26 =	vor.u32 v15, v26;
	v27 =	vadd.s32 v16, v27  }
0x3ea: {  	v27 =	vadd.s32 v14, v27;
	_ =	sdelay $0x3  }
0x3eb: {  	[tilespmem:v26+s21+$0x0] =	vst.idx.msk $0xffff, v25  }
0x3ec: {  	v25 =	vld.idx.msk [tilespmem:v27+s17+$0x0], $0xffff  }
0x3ed: {  	v26 =	vor.u32 v15, v28;
	v27 =	vadd.s32 v16, v29  }
0x3ee: {  	v27 =	vadd.s32 v14, v27;
	_ =	sdelay $0x3  }
0x3ef: {  	[tilespmem:v26+s21+$0x0] =	vst.idx.msk $0xffff, v25  }
0x3f0: {  	v25 =	vld.idx.msk [tilespmem:v27+s17+$0x0], $0xffff  }
0x3f1: {  	v26 =	vadd.s32 v16, v31;
	v27 =	vor.u32 v15, v30  }
.Ltmp9:
0x3f2: {  	v26 =	vadd.s32 v14, v26;
	(pc) =	sbr.rel @p0 .LBB2_11-.Ltmp9, $2  }
0x3f3: {  	_ =	sdelay $0x2  }
0x3f4: {  	v31 =	vadd.s32 s16, v0;
	s16 =	sadd.s32 $0x1, s16;
	[tilespmem:v27+s21+$0x0] =	vst.idx.msk $0xffff, v25  }
0x3f5: {  	_ =	sdelay $0x2  }
0x3f6: {  	v25 =	vand.u32 $0xF, v31  }
0x3f7: {  	v26 =	vld.idx.msk [tilespmem:v26+s17+$0x0], $0xffff;
	v24 =	vor.u32 v15, v24;
	v27 =	vadd.s32 v23, v25  }
0x3f8: {  	v27 =	vadd.s32 v1, v27;
	_ =	sdelay $0x3  }
0x3f9: {  	[tilespmem:v24+s21+$0x0] =	vst.idx.msk $0xffff, v26;
	v24 =	vshll.u32 v25, $0x7;
	v26 =	vor.u32 $0x10, v31  }
0x3fa: {  	v28 =	vor.u32 v0, v24;
	v29 =	vadd.s32 v23, v26;
	v27 =	vld.idx.msk [tilespmem:v27+s17+$0x0], $0xffff  }
0x3fb: {  	v29 =	vadd.s32 v1, v29;
	_ =	sdelay $0x3  }
0x3fc: {  	[tilespmem:v28+s21+$0x0] =	vst.idx.msk $0xffff, v27;
	v27 =	vshll.u32 v26, $0x7;
	v28 =	vor.u32 $0x20, v25  }
0x3fd: {  	v29 =	vld.idx.msk [tilespmem:v29+s17+$0x0], $0xffff;
	v30 =	vor.u32 v0, v27;
	v32 =	vadd.s32 v23, v28  }
0x3fe: {  	v32 =	vadd.s32 v1, v32;
	_ =	sdelay $0x3  }
0x3ff: {  	[tilespmem:v30+s21+$0x0] =	vst.idx.msk $0xffff, v29;
	v29 =	vshll.u32 v28, $0x7;
	v30 =	vor.u32 $0x30, v31  }
0x400: {  	v39 =	vld.idx.msk [tilespmem:v32+s17+$0x0], $0xffff;
	v40 =	vor.u32 v0, v29;
	v41 =	vadd.s32 v23, v30  }
0x401: {  	v33 =	vadd.s32 v1, v41;
	_ =	sdelay $0x3  }
0x402: {  	v23 =	vshll.u32 v30, $0x7;
	[tilespmem:v40+s21+$0x0] =	vst.idx.msk $0xffff, v39  }
0x403: {  	v43 =	vadd.s32 v22, v25;
	v42 =	vor.u32 v0, v23;
	v31 =	vld.idx.msk [tilespmem:v33+s17+$0x0], $0xffff  }
0x404: {  	v33 =	vadd.s32 v2, v43;
	_ =	sdelay $0x3  }
0x405: {  	[tilespmem:v42+s21+$0x0] =	vst.idx.msk $0xffff, v31  }
0x406: {  	v44 =	vor.u32 v3, v24;
	v45 =	vadd.s32 v22, v26;
	v31 =	vld.idx.msk [tilespmem:v33+s17+$0x0], $0xffff  }
0x407: {  	v33 =	vadd.s32 v2, v45;
	_ =	sdelay $0x3  }
0x408: {  	[tilespmem:v44+s21+$0x0] =	vst.idx.msk $0xffff, v31  }
0x409: {  	v46 =	vor.u32 v3, v27;
	v47 =	vadd.s32 v22, v28;
	v31 =	vld.idx.msk [tilespmem:v33+s17+$0x0], $0xffff  }
0x40a: {  	v33 =	vadd.s32 v2, v47;
	_ =	sdelay $0x3  }
0x40b: {  	[tilespmem:v46+s21+$0x0] =	vst.idx.msk $0xffff, v31  }
0x40c: {  	v48 =	vor.u32 v3, v29;
	v49 =	vadd.s32 v22, v30;
	v31 =	vld.idx.msk [tilespmem:v33+s17+$0x0], $0xffff  }
0x40d: {  	v22 =	vadd.s32 v2, v49;
	_ =	sdelay $0x3  }
0x40e: {  	[tilespmem:v48+s21+$0x0] =	vst.idx.msk $0xffff, v31  }
0x40f: {  	v51 =	vadd.s32 v21, v25;
	v50 =	vor.u32 v3, v23;
	v22 =	vld.idx.msk [tilespmem:v22+s17+$0x0], $0xffff  }
0x410: {  	v32 =	vadd.s32 v4, v51;
	_ =	sdelay $0x3  }
0x411: {  	[tilespmem:v50+s21+$0x0] =	vst.idx.msk $0xffff, v22  }
0x412: {  	v52 =	vor.u32 v5, v24;
	v53 =	vadd.s32 v21, v26;
	v22 =	vld.idx.msk [tilespmem:v32+s17+$0x0], $0xffff  }
0x413: {  	v32 =	vadd.s32 v4, v53;
	_ =	sdelay $0x3  }
0x414: {  	[tilespmem:v52+s21+$0x0] =	vst.idx.msk $0xffff, v22  }
0x415: {  	v54 =	vor.u32 v5, v27;
	v55 =	vadd.s32 v21, v28;
	v22 =	vld.idx.msk [tilespmem:v32+s17+$0x0], $0xffff  }
0x416: {  	v32 =	vadd.s32 v4, v55;
	_ =	sdelay $0x3  }
0x417: {  	[tilespmem:v54+s21+$0x0] =	vst.idx.msk $0xffff, v22  }
0x418: {  	v56 =	vor.u32 v5, v29;
	v57 =	vadd.s32 v21, v30;
	v22 =	vld.idx.msk [tilespmem:v32+s17+$0x0], $0xffff  }
0x419: {  	v21 =	vadd.s32 v4, v57;
	_ =	sdelay $0x3  }
0x41a: {  	[tilespmem:v56+s21+$0x0] =	vst.idx.msk $0xffff, v22  }
0x41b: {  	v59 =	vadd.s32 v20, v25;
	v58 =	vor.u32 v5, v23;
	v21 =	vld.idx.msk [tilespmem:v21+s17+$0x0], $0xffff  }
0x41c: {  	v31 =	vadd.s32 v6, v59;
	_ =	sdelay $0x3  }
0x41d: {  	[tilespmem:v58+s21+$0x0] =	vst.idx.msk $0xffff, v21  }
0x41e: {  	v60 =	vor.u32 v7, v24;
	v61 =	vadd.s32 v20, v26;
	v21 =	vld.idx.msk [tilespmem:v31+s17+$0x0], $0xffff  }
0x41f: {  	v31 =	vadd.s32 v6, v61;
	_ =	sdelay $0x3  }
0x420: {  	[tilespmem:v60+s21+$0x0] =	vst.idx.msk $0xffff, v21  }
0x421: {  	v62 =	vor.u32 v7, v27;
	v63 =	vadd.s32 v20, v28;
	v21 =	vld.idx.msk [tilespmem:v31+s17+$0x0], $0xffff  }
0x422: {  	v31 =	vadd.s32 v6, v63;
	_ =	sdelay $0x3  }
0x423: {  	[tilespmem:v62+s21+$0x0] =	vst.idx.msk $0xffff, v21  }
0x424: {  	v33 =	vadd.s32 v20, v30;
	v32 =	vor.u32 v7, v29;
	v21 =	vld.idx.msk [tilespmem:v31+s17+$0x0], $0xffff  }
0x425: {  	v20 =	vadd.s32 v6, v33;
	_ =	sdelay $0x3  }
0x426: {  	[tilespmem:v32+s21+$0x0] =	vst.idx.msk $0xffff, v21  }
0x427: {  	v35 =	vadd.s32 v19, v25;
	v34 =	vor.u32 v7, v23;
	v20 =	vld.idx.msk [tilespmem:v20+s17+$0x0], $0xffff  }
0x428: {  	v22 =	vadd.s32 v8, v35;
	_ =	sdelay $0x3  }
0x429: {  	[tilespmem:v34+s21+$0x0] =	vst.idx.msk $0xffff, v20  }
0x42a: {  	v36 =	vor.u32 v9, v24;
	v37 =	vadd.s32 v19, v26;
	v20 =	vld.idx.msk [tilespmem:v22+s17+$0x0], $0xffff  }
0x42b: {  	v22 =	vadd.s32 v8, v37;
	_ =	sdelay $0x3  }
0x42c: {  	[tilespmem:v36+s21+$0x0] =	vst.idx.msk $0xffff, v20  }
0x42d: {  	v38 =	vor.u32 v9, v27;
	v39 =	vadd.s32 v19, v28;
	v20 =	vld.idx.msk [tilespmem:v22+s17+$0x0], $0xffff  }
0x42e: {  	v22 =	vadd.s32 v8, v39;
	_ =	sdelay $0x3  }
0x42f: {  	[tilespmem:v38+s21+$0x0] =	vst.idx.msk $0xffff, v20  }
0x430: {  	v41 =	vadd.s32 v19, v30;
	v40 =	vor.u32 v9, v29;
	v20 =	vld.idx.msk [tilespmem:v22+s17+$0x0], $0xffff  }
0x431: {  	v19 =	vadd.s32 v8, v41;
	_ =	sdelay $0x3  }
0x432: {  	[tilespmem:v40+s21+$0x0] =	vst.idx.msk $0xffff, v20  }
0x433: {  	v43 =	vadd.s32 v18, v25;
	v42 =	vor.u32 v9, v23;
	v19 =	vld.idx.msk [tilespmem:v19+s17+$0x0], $0xffff  }
0x434: {  	v21 =	vadd.s32 v10, v43;
	_ =	sdelay $0x3  }
0x435: {  	[tilespmem:v42+s21+$0x0] =	vst.idx.msk $0xffff, v19  }
0x436: {  	v45 =	vadd.s32 v18, v26;
	v44 =	vor.u32 v11, v24;
	v19 =	vld.idx.msk [tilespmem:v21+s17+$0x0], $0xffff  }
0x437: {  	v21 =	vadd.s32 v10, v45;
	_ =	sdelay $0x3  }
0x438: {  	[tilespmem:v44+s21+$0x0] =	vst.idx.msk $0xffff, v19  }
0x439: {  	v47 =	vadd.s32 v18, v28;
	v46 =	vor.u32 v11, v27;
	v19 =	vld.idx.msk [tilespmem:v21+s17+$0x0], $0xffff  }
0x43a: {  	v21 =	vadd.s32 v10, v47;
	_ =	sdelay $0x3  }
0x43b: {  	[tilespmem:v46+s21+$0x0] =	vst.idx.msk $0xffff, v19  }
0x43c: {  	v49 =	vadd.s32 v18, v30;
	v48 =	vor.u32 v11, v29;
	v19 =	vld.idx.msk [tilespmem:v21+s17+$0x0], $0xffff  }
0x43d: {  	v18 =	vadd.s32 v10, v49;
	_ =	sdelay $0x3  }
0x43e: {  	[tilespmem:v48+s21+$0x0] =	vst.idx.msk $0xffff, v19  }
0x43f: {  	v51 =	vadd.s32 v17, v25;
	v50 =	vor.u32 v11, v23;
	v18 =	vld.idx.msk [tilespmem:v18+s17+$0x0], $0xffff  }
0x440: {  	v20 =	vadd.s32 v12, v51;
	_ =	sdelay $0x3  }
0x441: {  	[tilespmem:v50+s21+$0x0] =	vst.idx.msk $0xffff, v18  }
0x442: {  	v53 =	vadd.s32 v17, v26;
	v52 =	vor.u32 v13, v24;
	v18 =	vld.idx.msk [tilespmem:v20+s17+$0x0], $0xffff  }
0x443: {  	v20 =	vadd.s32 v12, v53;
	_ =	sdelay $0x3  }
0x444: {  	[tilespmem:v52+s21+$0x0] =	vst.idx.msk $0xffff, v18  }
0x445: {  	v55 =	vadd.s32 v17, v28;
	v54 =	vor.u32 v13, v27;
	v18 =	vld.idx.msk [tilespmem:v20+s17+$0x0], $0xffff  }
0x446: {  	v20 =	vadd.s32 v12, v55;
	_ =	sdelay $0x3  }
0x447: {  	[tilespmem:v54+s21+$0x0] =	vst.idx.msk $0xffff, v18  }
0x448: {  	v17 =	vadd.s32 v17, v30;
	v56 =	vor.u32 v13, v29;
	v18 =	vld.idx.msk [tilespmem:v20+s17+$0x0], $0xffff  }
0x449: {  	v17 =	vadd.s32 v12, v17;
	_ =	sdelay $0x3  }
0x44a: {  	[tilespmem:v56+s21+$0x0] =	vst.idx.msk $0xffff, v18  }
0x44b: {  	v57 =	vor.u32 v13, v23;
	v58 =	vadd.s32 v16, v25;
	v17 =	vld.idx.msk [tilespmem:v17+s17+$0x0], $0xffff  }
0x44c: {  	v19 =	vadd.s32 v14, v58;
	_ =	sdelay $0x3  }
0x44d: {  	[tilespmem:v57+s21+$0x0] =	vst.idx.msk $0xffff, v17  }
0x44e: {  	v59 =	vor.u32 v15, v24;
	v60 =	vadd.s32 v16, v26;
	v17 =	vld.idx.msk [tilespmem:v19+s17+$0x0], $0xffff  }
0x44f: {  	v19 =	vadd.s32 v14, v60;
	_ =	sdelay $0x3  }
0x450: {  	[tilespmem:v59+s21+$0x0] =	vst.idx.msk $0xffff, v17  }
0x451: {  	v61 =	vor.u32 v15, v27;
	v62 =	vadd.s32 v16, v28;
	v17 =	vld.idx.msk [tilespmem:v19+s17+$0x0], $0xffff  }
0x452: {  	v19 =	vadd.s32 v14, v62;
	_ =	sdelay $0x3  }
0x453: {  	[tilespmem:v61+s21+$0x0] =	vst.idx.msk $0xffff, v17  }
0x454: {  	v63 =	vor.u32 v15, v29;
	v16 =	vadd.s32 v16, v30;
	v17 =	vld.idx.msk [tilespmem:v19+s17+$0x0], $0xffff  }
0x455: {  	v16 =	vadd.s32 v14, v16;
	_ =	sdelay $0x3  }
0x456: {  	[tilespmem:v63+s21+$0x0] =	vst.idx.msk $0xffff, v17  }
0x457: {  	v17 =	vor.u32 v15, v23;
	v16 =	vld.idx.msk [tilespmem:v16+s17+$0x0], $0xffff;
	_ =	sdelay $0x1  }
0x458: {  	s11 =	sshll.u32 s11, $0x12  }
0x459: {  	s11 =	sor.u32 s4, s11  }
0x45a: {  	s11 =	sshrl.u32 s11, $0x3  }
0x45b: {  	p0 =	sgt.u32 s31, $0xA;
	s11 =	sadd.s32 s2, s11;
	[tilespmem:v17+s21+$0x0] =	vst.idx.msk $0xffff, v16  }
0x45c: {  	[hbm4b:s11+s9] =	stream.strided.scatter [tilespmem:s21], [sflag:$0x5], $0x2000, s10, s9, $0x38;
	[tilespmem:$0x17800] =	vst v63  }
0x45d: {  	s16 =	simm.s32 @!p0 $0x80;
	s18 =	simm.s32 @!p0 $0xB800;
	s11 =	sadd.s32 @!p0 $0x300, s1  }
0x45e: {  	[tilespmem:s18], [sflag:$0x3] =	stream.indirect.gather @!p0 [hbm4b:s6+s16], $0x80, s11, s16, $0xb8;
	[tilespmem:$0x17800] =	vst v63  }
.LBB2_13:
0x45f: {  	s0 =	sor.u32 $0x3, s0  }
0x460: {  	p0 =	sgt.u32 s0, $0x31  }
.Ltmp10:
0x461: {  	_ = 	snop;
	(pc) =	sbr.rel @p0 .LBB2_17-.Ltmp10, $1  }
0x462: {  	_ =	sdelay $0x3  }
0x463: {  	_ =	swait.ge [sflag:s28], $0x4000  }
0x464: {  	[sflag:s28] =	ssyncset.done $0x0  }
0x465: {  	[sflag:s28] =	ssyncadd.s32 $0xFFFFC000  }
0x466: {  	_ =	swait.ge [sflag:s25], $0x2000  }
0x467: {  	s11 =	sshll.u32 s0, $0x7;
	[sflag:s25] =	ssyncset.done $0x0  }
0x468: {  	s11 =	sand.u32 $0x3FFFFF80, s11;
	[sflag:s25] =	ssyncadd.s32 $0xFFFFE000  }
0x469: {  	v23 =	vld [tilespmem:s11+$0x1C00];
	_ =	sdelay $0x1  }
0x46a: {  	s16 =	simm.s32 $0x0  }
0x46b: {  	v24 =	vadd.s32 s16, v0  }
0x46c: {  	v25 =	vand.u32 $0xF, v24  }
0x46d: {  	v16 =	vadd.s32 v23, v25  }
0x46e: {  	v16 =	vadd.s32 v1, v16;
	_ =	sdelay $0x2  }
0x46f: {  	v22 =	vld [tilespmem:s11+$0x1C10]  }
0x470: {  	v27 =	vor.u32 $0x10, v24;
	v26 =	vshll.u32 v25, $0x7;
	v21 =	vld [tilespmem:s11+$0x1C20]  }
0x471: {  	v29 =	vor.u32 v0, v26;
	v28 =	vld.idx.msk [tilespmem:v16+s19+$0x0], $0xffff;
	v16 =	vadd.s32 v23, v27  }
0x472: {  	v20 =	vld [tilespmem:s11+$0x1C30];
	v30 =	vadd.s32 v1, v16  }
0x473: {  	v19 =	vld [tilespmem:s11+$0x1C40]  }
0x474: {  	v18 =	vld [tilespmem:s11+$0x1C50]  }
0x475: {  	v17 =	vld [tilespmem:s11+$0x1C60]  }
0x476: {  	v16 =	vld [tilespmem:s11+$0x1C70];
	[tilespmem:v29+s23+$0x0] =	vst.idx.msk $0xffff, v28;
	v28 =	vshll.u32 v27, $0x7;
	v29 =	vor.u32 $0x20, v25  }
0x477: {  	v30 =	vld.idx.msk [tilespmem:v30+s19+$0x0], $0xffff;
	v31 =	vor.u32 v0, v28;
	v32 =	vadd.s32 v23, v29  }
0x478: {  	v32 =	vadd.s32 v1, v32;
	_ =	sdelay $0x3  }
0x479: {  	[tilespmem:v31+s23+$0x0] =	vst.idx.msk $0xffff, v30;
	v31 =	vshll.u32 v29, $0x7;
	v30 =	vor.u32 $0x30, v24  }
0x47a: {  	v24 =	vld.idx.msk [tilespmem:v32+s19+$0x0], $0xffff;
	v43 =	vor.u32 v0, v31;
	v33 =	vadd.s32 v23, v30  }
0x47b: {  	v33 =	vadd.s32 v1, v33;
	_ =	sdelay $0x3  }
0x47c: {  	[tilespmem:v43+s23+$0x0] =	vst.idx.msk $0xffff, v24;
	v24 =	vshll.u32 v30, $0x7  }
0x47d: {  	v34 =	vadd.s32 v22, v25;
	v32 =	vld.idx.msk [tilespmem:v33+s19+$0x0], $0xffff;
	v44 =	vor.u32 v0, v24  }
0x47e: {  	v34 =	vadd.s32 v2, v34;
	_ =	sdelay $0x3  }
0x47f: {  	[tilespmem:v44+s23+$0x0] =	vst.idx.msk $0xffff, v32  }
0x480: {  	v45 =	vor.u32 v3, v26;
	v46 =	vadd.s32 v22, v27;
	v32 =	vld.idx.msk [tilespmem:v34+s19+$0x0], $0xffff  }
0x481: {  	v34 =	vadd.s32 v2, v46;
	_ =	sdelay $0x3  }
0x482: {  	[tilespmem:v45+s23+$0x0] =	vst.idx.msk $0xffff, v32  }
0x483: {  	v47 =	vor.u32 v3, v28;
	v48 =	vadd.s32 v22, v29;
	v32 =	vld.idx.msk [tilespmem:v34+s19+$0x0], $0xffff  }
0x484: {  	v34 =	vadd.s32 v2, v48;
	_ =	sdelay $0x3  }
0x485: {  	[tilespmem:v47+s23+$0x0] =	vst.idx.msk $0xffff, v32  }
0x486: {  	v49 =	vor.u32 v3, v31;
	v50 =	vadd.s32 v22, v30;
	v32 =	vld.idx.msk [tilespmem:v34+s19+$0x0], $0xffff  }
0x487: {  	v34 =	vadd.s32 v2, v50;
	_ =	sdelay $0x3  }
0x488: {  	[tilespmem:v49+s23+$0x0] =	vst.idx.msk $0xffff, v32  }
0x489: {  	v52 =	vadd.s32 v21, v25;
	v51 =	vor.u32 v3, v24;
	v32 =	vld.idx.msk [tilespmem:v34+s19+$0x0], $0xffff  }
0x48a: {  	v34 =	vadd.s32 v4, v52;
	_ =	sdelay $0x3  }
0x48b: {  	[tilespmem:v51+s23+$0x0] =	vst.idx.msk $0xffff, v32  }
0x48c: {  	v53 =	vor.u32 v5, v26;
	v54 =	vadd.s32 v21, v27;
	v32 =	vld.idx.msk [tilespmem:v34+s19+$0x0], $0xffff  }
0x48d: {  	v34 =	vadd.s32 v4, v54;
	_ =	sdelay $0x3  }
0x48e: {  	[tilespmem:v53+s23+$0x0] =	vst.idx.msk $0xffff, v32  }
0x48f: {  	v55 =	vor.u32 v5, v28;
	v56 =	vadd.s32 v21, v29;
	v32 =	vld.idx.msk [tilespmem:v34+s19+$0x0], $0xffff  }
0x490: {  	v34 =	vadd.s32 v4, v56;
	_ =	sdelay $0x3  }
0x491: {  	[tilespmem:v55+s23+$0x0] =	vst.idx.msk $0xffff, v32  }
0x492: {  	v57 =	vor.u32 v5, v31;
	v58 =	vadd.s32 v21, v30;
	v32 =	vld.idx.msk [tilespmem:v34+s19+$0x0], $0xffff  }
0x493: {  	v34 =	vadd.s32 v4, v58;
	_ =	sdelay $0x3  }
0x494: {  	[tilespmem:v57+s23+$0x0] =	vst.idx.msk $0xffff, v32  }
0x495: {  	v60 =	vadd.s32 v20, v25;
	v59 =	vor.u32 v5, v24;
	v32 =	vld.idx.msk [tilespmem:v34+s19+$0x0], $0xffff  }
0x496: {  	v34 =	vadd.s32 v6, v60;
	_ =	sdelay $0x3  }
0x497: {  	[tilespmem:v59+s23+$0x0] =	vst.idx.msk $0xffff, v32  }
0x498: {  	v61 =	vor.u32 v7, v26;
	v62 =	vadd.s32 v20, v27;
	v32 =	vld.idx.msk [tilespmem:v34+s19+$0x0], $0xffff  }
0x499: {  	v34 =	vadd.s32 v6, v62;
	_ =	sdelay $0x3  }
0x49a: {  	[tilespmem:v61+s23+$0x0] =	vst.idx.msk $0xffff, v32  }
0x49b: {  	v63 =	vor.u32 v7, v28;
	v36 =	vadd.s32 v20, v29;
	v32 =	vld.idx.msk [tilespmem:v34+s19+$0x0], $0xffff  }
0x49c: {  	v34 =	vadd.s32 v6, v36;
	_ =	sdelay $0x3  }
0x49d: {  	[tilespmem:v63+s23+$0x0] =	vst.idx.msk $0xffff, v32  }
0x49e: {  	v37 =	vor.u32 v7, v31;
	v38 =	vadd.s32 v20, v30;
	v32 =	vld.idx.msk [tilespmem:v34+s19+$0x0], $0xffff  }
0x49f: {  	v34 =	vadd.s32 v6, v38;
	_ =	sdelay $0x3  }
0x4a0: {  	[tilespmem:v37+s23+$0x0] =	vst.idx.msk $0xffff, v32  }
0x4a1: {  	v40 =	vadd.s32 v19, v25;
	v39 =	vor.u32 v7, v24;
	v32 =	vld.idx.msk [tilespmem:v34+s19+$0x0], $0xffff  }
0x4a2: {  	v34 =	vadd.s32 v8, v40;
	_ =	sdelay $0x3  }
0x4a3: {  	[tilespmem:v39+s23+$0x0] =	vst.idx.msk $0xffff, v32  }
0x4a4: {  	v41 =	vor.u32 v9, v26;
	v42 =	vadd.s32 v19, v27;
	v32 =	vld.idx.msk [tilespmem:v34+s19+$0x0], $0xffff  }
0x4a5: {  	v34 =	vadd.s32 v8, v42;
	_ =	sdelay $0x3  }
0x4a6: {  	[tilespmem:v41+s23+$0x0] =	vst.idx.msk $0xffff, v32  }
0x4a7: {  	v43 =	vor.u32 v9, v28;
	v44 =	vadd.s32 v19, v29;
	v32 =	vld.idx.msk [tilespmem:v34+s19+$0x0], $0xffff  }
0x4a8: {  	v34 =	vadd.s32 v8, v44;
	_ =	sdelay $0x3  }
0x4a9: {  	[tilespmem:v43+s23+$0x0] =	vst.idx.msk $0xffff, v32  }
0x4aa: {  	v46 =	vadd.s32 v19, v30;
	v45 =	vor.u32 v9, v31;
	v32 =	vld.idx.msk [tilespmem:v34+s19+$0x0], $0xffff  }
0x4ab: {  	v34 =	vadd.s32 v8, v46;
	_ =	sdelay $0x3  }
0x4ac: {  	[tilespmem:v45+s23+$0x0] =	vst.idx.msk $0xffff, v32  }
0x4ad: {  	v48 =	vadd.s32 v18, v25;
	v47 =	vor.u32 v9, v24;
	v32 =	vld.idx.msk [tilespmem:v34+s19+$0x0], $0xffff  }
0x4ae: {  	v34 =	vadd.s32 v10, v48;
	_ =	sdelay $0x3  }
0x4af: {  	[tilespmem:v47+s23+$0x0] =	vst.idx.msk $0xffff, v32  }
0x4b0: {  	v50 =	vadd.s32 v18, v27;
	v49 =	vor.u32 v11, v26;
	v32 =	vld.idx.msk [tilespmem:v34+s19+$0x0], $0xffff  }
0x4b1: {  	v34 =	vadd.s32 v10, v50;
	_ =	sdelay $0x3  }
0x4b2: {  	[tilespmem:v49+s23+$0x0] =	vst.idx.msk $0xffff, v32  }
0x4b3: {  	v52 =	vadd.s32 v18, v29;
	v51 =	vor.u32 v11, v28;
	v32 =	vld.idx.msk [tilespmem:v34+s19+$0x0], $0xffff  }
0x4b4: {  	v34 =	vadd.s32 v10, v52;
	_ =	sdelay $0x3  }
0x4b5: {  	[tilespmem:v51+s23+$0x0] =	vst.idx.msk $0xffff, v32  }
0x4b6: {  	v54 =	vadd.s32 v18, v30;
	v53 =	vor.u32 v11, v31;
	v32 =	vld.idx.msk [tilespmem:v34+s19+$0x0], $0xffff  }
0x4b7: {  	v34 =	vadd.s32 v10, v54;
	_ =	sdelay $0x3  }
0x4b8: {  	[tilespmem:v53+s23+$0x0] =	vst.idx.msk $0xffff, v32  }
0x4b9: {  	v56 =	vadd.s32 v17, v25;
	v55 =	vor.u32 v11, v24;
	v32 =	vld.idx.msk [tilespmem:v34+s19+$0x0], $0xffff  }
0x4ba: {  	v34 =	vadd.s32 v12, v56;
	_ =	sdelay $0x3  }
0x4bb: {  	[tilespmem:v55+s23+$0x0] =	vst.idx.msk $0xffff, v32  }
0x4bc: {  	v58 =	vadd.s32 v17, v27;
	v57 =	vor.u32 v13, v26;
	v32 =	vld.idx.msk [tilespmem:v34+s19+$0x0], $0xffff  }
0x4bd: {  	v34 =	vadd.s32 v12, v58;
	_ =	sdelay $0x3  }
0x4be: {  	[tilespmem:v57+s23+$0x0] =	vst.idx.msk $0xffff, v32  }
0x4bf: {  	v60 =	vadd.s32 v17, v29;
	v59 =	vor.u32 v13, v28;
	v32 =	vld.idx.msk [tilespmem:v34+s19+$0x0], $0xffff  }
0x4c0: {  	v34 =	vadd.s32 v12, v60;
	_ =	sdelay $0x3  }
0x4c1: {  	[tilespmem:v59+s23+$0x0] =	vst.idx.msk $0xffff, v32  }
0x4c2: {  	v62 =	vadd.s32 v17, v30;
	v61 =	vor.u32 v13, v31;
	v32 =	vld.idx.msk [tilespmem:v34+s19+$0x0], $0xffff  }
0x4c3: {  	v34 =	vadd.s32 v12, v62;
	_ =	sdelay $0x3  }
0x4c4: {  	[tilespmem:v61+s23+$0x0] =	vst.idx.msk $0xffff, v32  }
0x4c5: {  	v25 =	vadd.s32 v16, v25;
	v63 =	vor.u32 v13, v24;
	v32 =	vld.idx.msk [tilespmem:v34+s19+$0x0], $0xffff  }
0x4c6: {  	v25 =	vadd.s32 v14, v25;
	_ =	sdelay $0x3  }
0x4c7: {  	[tilespmem:v63+s23+$0x0] =	vst.idx.msk $0xffff, v32  }
0x4c8: {  	v27 =	vadd.s32 v16, v27;
	v26 =	vor.u32 v15, v26;
	v25 =	vld.idx.msk [tilespmem:v25+s19+$0x0], $0xffff  }
0x4c9: {  	v27 =	vadd.s32 v14, v27;
	_ =	sdelay $0x3  }
0x4ca: {  	[tilespmem:v26+s23+$0x0] =	vst.idx.msk $0xffff, v25  }
0x4cb: {  	v26 =	vor.u32 v15, v28;
	v25 =	vld.idx.msk [tilespmem:v27+s19+$0x0], $0xffff;
	v27 =	vadd.s32 v16, v29  }
0x4cc: {  	v27 =	vadd.s32 v14, v27;
	_ =	sdelay $0x3  }
0x4cd: {  	[tilespmem:v26+s23+$0x0] =	vst.idx.msk $0xffff, v25  }
0x4ce: {  	v26 =	vadd.s32 v16, v30;
	v25 =	vld.idx.msk [tilespmem:v27+s19+$0x0], $0xffff;
	v27 =	vor.u32 v15, v31  }
0x4cf: {  	v26 =	vadd.s32 v14, v26;
	_ =	sdelay $0x2  }
0x4d0: {  	s18 =	simm.s32 $0x1  }
0x4d1: {  	s11 =	simm.s32 $0x2;
	v31 =	vadd.s32 s18, v0;
	[tilespmem:v27+s23+$0x0] =	vst.idx.msk $0xffff, v25  }
.LBB2_15:
0x4d2: {  	p0 =	sne.s32 s11, $0xF;
	v25 =	vand.u32 $0xF, v31;
	v26 =	vld.idx.msk [tilespmem:v26+s19+$0x0], $0xffff  }
0x4d3: {  	v24 =	vor.u32 v15, v24;
	v27 =	vadd.s32 v23, v25  }
0x4d4: {  	v27 =	vadd.s32 v1, v27;
	_ =	sdelay $0x3  }
0x4d5: {  	[tilespmem:v24+s23+$0x0] =	vst.idx.msk $0xffff, v26  }
0x4d6: {  	v26 =	vshll.u32 v25, $0x7;
	v24 =	vld.idx.msk [tilespmem:v27+s19+$0x0], $0xffff;
	v27 =	vor.u32 $0x10, v31  }
0x4d7: {  	v28 =	vor.u32 v0, v26;
	v29 =	vadd.s32 v23, v27  }
0x4d8: {  	v29 =	vadd.s32 v1, v29;
	_ =	sdelay $0x3  }
0x4d9: {  	[tilespmem:v28+s23+$0x0] =	vst.idx.msk $0xffff, v24  }
0x4da: {  	v28 =	vshll.u32 v27, $0x7;
	v24 =	vld.idx.msk [tilespmem:v29+s19+$0x0], $0xffff;
	v29 =	vor.u32 $0x20, v25  }
0x4db: {  	v30 =	vor.u32 v0, v28;
	v32 =	vadd.s32 v23, v29  }
0x4dc: {  	v32 =	vadd.s32 v1, v32;
	_ =	sdelay $0x3  }
0x4dd: {  	[tilespmem:v30+s23+$0x0] =	vst.idx.msk $0xffff, v24  }
0x4de: {  	v31 =	vor.u32 $0x30, v31;
	v30 =	vshll.u32 v29, $0x7;
	v24 =	vld.idx.msk [tilespmem:v32+s19+$0x0], $0xffff  }
0x4df: {  	v33 =	vadd.s32 v23, v31;
	v32 =	vor.u32 v0, v30  }
0x4e0: {  	v33 =	vadd.s32 v1, v33;
	_ =	sdelay $0x3  }
0x4e1: {  	[tilespmem:v32+s23+$0x0] =	vst.idx.msk $0xffff, v24  }
0x4e2: {  	v24 =	vshll.u32 v31, $0x7;
	v32 =	vld.idx.msk [tilespmem:v33+s19+$0x0], $0xffff  }
0x4e3: {  	v34 =	vadd.s32 v22, v25;
	v33 =	vor.u32 v0, v24  }
0x4e4: {  	v34 =	vadd.s32 v2, v34;
	_ =	sdelay $0x3  }
0x4e5: {  	[tilespmem:v33+s23+$0x0] =	vst.idx.msk $0xffff, v32  }
0x4e6: {  	v32 =	vld.idx.msk [tilespmem:v34+s19+$0x0], $0xffff  }
0x4e7: {  	v33 =	vor.u32 v3, v26;
	v34 =	vadd.s32 v22, v27  }
0x4e8: {  	v34 =	vadd.s32 v2, v34;
	_ =	sdelay $0x3  }
0x4e9: {  	[tilespmem:v33+s23+$0x0] =	vst.idx.msk $0xffff, v32  }
0x4ea: {  	v32 =	vld.idx.msk [tilespmem:v34+s19+$0x0], $0xffff  }
0x4eb: {  	v33 =	vor.u32 v3, v28;
	v34 =	vadd.s32 v22, v29  }
0x4ec: {  	v34 =	vadd.s32 v2, v34;
	_ =	sdelay $0x3  }
0x4ed: {  	[tilespmem:v33+s23+$0x0] =	vst.idx.msk $0xffff, v32  }
0x4ee: {  	v32 =	vld.idx.msk [tilespmem:v34+s19+$0x0], $0xffff  }
0x4ef: {  	v33 =	vor.u32 v3, v30;
	v34 =	vadd.s32 v22, v31  }
0x4f0: {  	v34 =	vadd.s32 v2, v34;
	_ =	sdelay $0x3  }
0x4f1: {  	[tilespmem:v33+s23+$0x0] =	vst.idx.msk $0xffff, v32  }
0x4f2: {  	v32 =	vld.idx.msk [tilespmem:v34+s19+$0x0], $0xffff  }
0x4f3: {  	v33 =	vor.u32 v3, v24;
	v34 =	vadd.s32 v21, v25  }
0x4f4: {  	v34 =	vadd.s32 v4, v34;
	_ =	sdelay $0x3  }
0x4f5: {  	[tilespmem:v33+s23+$0x0] =	vst.idx.msk $0xffff, v32  }
0x4f6: {  	v32 =	vld.idx.msk [tilespmem:v34+s19+$0x0], $0xffff  }
0x4f7: {  	v33 =	vor.u32 v5, v26;
	v34 =	vadd.s32 v21, v27  }
0x4f8: {  	v34 =	vadd.s32 v4, v34;
	_ =	sdelay $0x3  }
0x4f9: {  	[tilespmem:v33+s23+$0x0] =	vst.idx.msk $0xffff, v32  }
0x4fa: {  	v32 =	vld.idx.msk [tilespmem:v34+s19+$0x0], $0xffff  }
0x4fb: {  	v33 =	vor.u32 v5, v28;
	v34 =	vadd.s32 v21, v29  }
0x4fc: {  	v34 =	vadd.s32 v4, v34;
	_ =	sdelay $0x3  }
0x4fd: {  	[tilespmem:v33+s23+$0x0] =	vst.idx.msk $0xffff, v32  }
0x4fe: {  	v32 =	vld.idx.msk [tilespmem:v34+s19+$0x0], $0xffff  }
0x4ff: {  	v33 =	vor.u32 v5, v30;
	v34 =	vadd.s32 v21, v31  }
0x500: {  	v34 =	vadd.s32 v4, v34;
	_ =	sdelay $0x3  }
0x501: {  	[tilespmem:v33+s23+$0x0] =	vst.idx.msk $0xffff, v32  }
0x502: {  	v32 =	vld.idx.msk [tilespmem:v34+s19+$0x0], $0xffff  }
0x503: {  	v33 =	vor.u32 v5, v24;
	v34 =	vadd.s32 v20, v25  }
0x504: {  	v34 =	vadd.s32 v6, v34;
	_ =	sdelay $0x3  }
0x505: {  	[tilespmem:v33+s23+$0x0] =	vst.idx.msk $0xffff, v32  }
0x506: {  	v32 =	vld.idx.msk [tilespmem:v34+s19+$0x0], $0xffff  }
0x507: {  	v33 =	vor.u32 v7, v26;
	v34 =	vadd.s32 v20, v27  }
0x508: {  	v34 =	vadd.s32 v6, v34;
	_ =	sdelay $0x3  }
0x509: {  	[tilespmem:v33+s23+$0x0] =	vst.idx.msk $0xffff, v32  }
0x50a: {  	v32 =	vld.idx.msk [tilespmem:v34+s19+$0x0], $0xffff  }
0x50b: {  	v33 =	vor.u32 v7, v28;
	v34 =	vadd.s32 v20, v29  }
0x50c: {  	v34 =	vadd.s32 v6, v34;
	_ =	sdelay $0x3  }
0x50d: {  	[tilespmem:v33+s23+$0x0] =	vst.idx.msk $0xffff, v32  }
0x50e: {  	v32 =	vld.idx.msk [tilespmem:v34+s19+$0x0], $0xffff  }
0x50f: {  	v33 =	vor.u32 v7, v30;
	v34 =	vadd.s32 v20, v31  }
0x510: {  	v34 =	vadd.s32 v6, v34;
	_ =	sdelay $0x3  }
0x511: {  	[tilespmem:v33+s23+$0x0] =	vst.idx.msk $0xffff, v32  }
0x512: {  	v32 =	vld.idx.msk [tilespmem:v34+s19+$0x0], $0xffff  }
0x513: {  	v33 =	vor.u32 v7, v24;
	v34 =	vadd.s32 v19, v25  }
0x514: {  	v34 =	vadd.s32 v8, v34;
	_ =	sdelay $0x3  }
0x515: {  	[tilespmem:v33+s23+$0x0] =	vst.idx.msk $0xffff, v32  }
0x516: {  	v32 =	vld.idx.msk [tilespmem:v34+s19+$0x0], $0xffff  }
0x517: {  	v33 =	vor.u32 v9, v26;
	v34 =	vadd.s32 v19, v27  }
0x518: {  	v34 =	vadd.s32 v8, v34;
	_ =	sdelay $0x3  }
0x519: {  	[tilespmem:v33+s23+$0x0] =	vst.idx.msk $0xffff, v32  }
0x51a: {  	v32 =	vld.idx.msk [tilespmem:v34+s19+$0x0], $0xffff  }
0x51b: {  	v33 =	vor.u32 v9, v28;
	v34 =	vadd.s32 v19, v29  }
0x51c: {  	v34 =	vadd.s32 v8, v34;
	_ =	sdelay $0x3  }
0x51d: {  	[tilespmem:v33+s23+$0x0] =	vst.idx.msk $0xffff, v32  }
0x51e: {  	v32 =	vld.idx.msk [tilespmem:v34+s19+$0x0], $0xffff  }
0x51f: {  	v33 =	vor.u32 v9, v30;
	v34 =	vadd.s32 v19, v31  }
0x520: {  	v34 =	vadd.s32 v8, v34;
	_ =	sdelay $0x3  }
0x521: {  	[tilespmem:v33+s23+$0x0] =	vst.idx.msk $0xffff, v32  }
0x522: {  	v32 =	vld.idx.msk [tilespmem:v34+s19+$0x0], $0xffff  }
0x523: {  	v33 =	vor.u32 v9, v24;
	v34 =	vadd.s32 v18, v25  }
0x524: {  	v34 =	vadd.s32 v10, v34;
	_ =	sdelay $0x3  }
0x525: {  	[tilespmem:v33+s23+$0x0] =	vst.idx.msk $0xffff, v32  }
0x526: {  	v32 =	vld.idx.msk [tilespmem:v34+s19+$0x0], $0xffff  }
0x527: {  	v33 =	vor.u32 v11, v26;
	v34 =	vadd.s32 v18, v27  }
0x528: {  	v34 =	vadd.s32 v10, v34;
	_ =	sdelay $0x3  }
0x529: {  	[tilespmem:v33+s23+$0x0] =	vst.idx.msk $0xffff, v32  }
0x52a: {  	v32 =	vld.idx.msk [tilespmem:v34+s19+$0x0], $0xffff  }
0x52b: {  	v33 =	vor.u32 v11, v28;
	v34 =	vadd.s32 v18, v29  }
0x52c: {  	v34 =	vadd.s32 v10, v34;
	_ =	sdelay $0x3  }
0x52d: {  	[tilespmem:v33+s23+$0x0] =	vst.idx.msk $0xffff, v32  }
0x52e: {  	v32 =	vld.idx.msk [tilespmem:v34+s19+$0x0], $0xffff  }
0x52f: {  	v33 =	vor.u32 v11, v30;
	v34 =	vadd.s32 v18, v31  }
0x530: {  	v34 =	vadd.s32 v10, v34;
	_ =	sdelay $0x3  }
0x531: {  	[tilespmem:v33+s23+$0x0] =	vst.idx.msk $0xffff, v32  }
0x532: {  	v32 =	vld.idx.msk [tilespmem:v34+s19+$0x0], $0xffff  }
0x533: {  	v33 =	vor.u32 v11, v24;
	v34 =	vadd.s32 v17, v25  }
0x534: {  	v34 =	vadd.s32 v12, v34;
	_ =	sdelay $0x3  }
0x535: {  	[tilespmem:v33+s23+$0x0] =	vst.idx.msk $0xffff, v32  }
0x536: {  	v32 =	vld.idx.msk [tilespmem:v34+s19+$0x0], $0xffff  }
0x537: {  	v33 =	vor.u32 v13, v26;
	v34 =	vadd.s32 v17, v27  }
0x538: {  	v34 =	vadd.s32 v12, v34;
	_ =	sdelay $0x3  }
0x539: {  	[tilespmem:v33+s23+$0x0] =	vst.idx.msk $0xffff, v32  }
0x53a: {  	v32 =	vld.idx.msk [tilespmem:v34+s19+$0x0], $0xffff  }
0x53b: {  	v33 =	vor.u32 v13, v28;
	v34 =	vadd.s32 v17, v29  }
0x53c: {  	v34 =	vadd.s32 v12, v34;
	_ =	sdelay $0x3  }
0x53d: {  	[tilespmem:v33+s23+$0x0] =	vst.idx.msk $0xffff, v32  }
0x53e: {  	v32 =	vld.idx.msk [tilespmem:v34+s19+$0x0], $0xffff  }
0x53f: {  	v33 =	vor.u32 v13, v30;
	v34 =	vadd.s32 v17, v31  }
0x540: {  	v34 =	vadd.s32 v12, v34;
	_ =	sdelay $0x3  }
0x541: {  	[tilespmem:v33+s23+$0x0] =	vst.idx.msk $0xffff, v32  }
0x542: {  	v32 =	vld.idx.msk [tilespmem:v34+s19+$0x0], $0xffff  }
0x543: {  	v25 =	vadd.s32 v16, v25;
	v33 =	vor.u32 v13, v24  }
0x544: {  	v25 =	vadd.s32 v14, v25;
	_ =	sdelay $0x3  }
0x545: {  	[tilespmem:v33+s23+$0x0] =	vst.idx.msk $0xffff, v32  }
0x546: {  	v25 =	vld.idx.msk [tilespmem:v25+s19+$0x0], $0xffff  }
0x547: {  	v26 =	vor.u32 v15, v26;
	v27 =	vadd.s32 v16, v27  }
0x548: {  	v27 =	vadd.s32 v14, v27;
	_ =	sdelay $0x3  }
0x549: {  	[tilespmem:v26+s23+$0x0] =	vst.idx.msk $0xffff, v25  }
0x54a: {  	v25 =	vld.idx.msk [tilespmem:v27+s19+$0x0], $0xffff  }
0x54b: {  	v26 =	vor.u32 v15, v28;
	v27 =	vadd.s32 v16, v29  }
0x54c: {  	v27 =	vadd.s32 v14, v27;
	_ =	sdelay $0x3  }
0x54d: {  	[tilespmem:v26+s23+$0x0] =	vst.idx.msk $0xffff, v25  }
0x54e: {  	v25 =	vld.idx.msk [tilespmem:v27+s19+$0x0], $0xffff  }
0x54f: {  	v26 =	vadd.s32 v16, v31;
	v27 =	vor.u32 v15, v30  }
.Ltmp11:
0x550: {  	v26 =	vadd.s32 v14, v26;
	(pc) =	sbr.rel @p0 .LBB2_15-.Ltmp11, $2  }
0x551: {  	_ =	sdelay $0x2  }
0x552: {  	v31 =	vadd.s32 s11, v0;
	s11 =	sadd.s32 $0x1, s11;
	[tilespmem:v27+s23+$0x0] =	vst.idx.msk $0xffff, v25  }
0x553: {  	_ =	sdelay $0x2  }
0x554: {  	v25 =	vand.u32 $0xF, v31  }
0x555: {  	v26 =	vld.idx.msk [tilespmem:v26+s19+$0x0], $0xffff;
	v24 =	vor.u32 v15, v24;
	v27 =	vadd.s32 v23, v25  }
0x556: {  	v27 =	vadd.s32 v1, v27;
	_ =	sdelay $0x3  }
0x557: {  	[tilespmem:v24+s23+$0x0] =	vst.idx.msk $0xffff, v26;
	v24 =	vshll.u32 v25, $0x7;
	v26 =	vor.u32 $0x10, v31  }
0x558: {  	v28 =	vor.u32 v0, v24;
	v29 =	vadd.s32 v23, v26;
	v27 =	vld.idx.msk [tilespmem:v27+s19+$0x0], $0xffff  }
0x559: {  	v29 =	vadd.s32 v1, v29;
	_ =	sdelay $0x3  }
0x55a: {  	[tilespmem:v28+s23+$0x0] =	vst.idx.msk $0xffff, v27;
	v27 =	vshll.u32 v26, $0x7;
	v28 =	vor.u32 $0x20, v25  }
0x55b: {  	v29 =	vld.idx.msk [tilespmem:v29+s19+$0x0], $0xffff;
	v30 =	vor.u32 v0, v27;
	v32 =	vadd.s32 v23, v28  }
0x55c: {  	v32 =	vadd.s32 v1, v32;
	_ =	sdelay $0x3  }
0x55d: {  	[tilespmem:v30+s23+$0x0] =	vst.idx.msk $0xffff, v29;
	v29 =	vshll.u32 v28, $0x7;
	v30 =	vor.u32 $0x30, v31  }
0x55e: {  	v39 =	vld.idx.msk [tilespmem:v32+s19+$0x0], $0xffff;
	v40 =	vor.u32 v0, v29;
	v41 =	vadd.s32 v23, v30  }
0x55f: {  	v33 =	vadd.s32 v1, v41;
	_ =	sdelay $0x3  }
0x560: {  	v23 =	vshll.u32 v30, $0x7;
	[tilespmem:v40+s23+$0x0] =	vst.idx.msk $0xffff, v39  }
0x561: {  	v43 =	vadd.s32 v22, v25;
	v42 =	vor.u32 v0, v23;
	v31 =	vld.idx.msk [tilespmem:v33+s19+$0x0], $0xffff  }
0x562: {  	v33 =	vadd.s32 v2, v43;
	_ =	sdelay $0x3  }
0x563: {  	[tilespmem:v42+s23+$0x0] =	vst.idx.msk $0xffff, v31  }
0x564: {  	v44 =	vor.u32 v3, v24;
	v45 =	vadd.s32 v22, v26;
	v31 =	vld.idx.msk [tilespmem:v33+s19+$0x0], $0xffff  }
0x565: {  	v33 =	vadd.s32 v2, v45;
	_ =	sdelay $0x3  }
0x566: {  	[tilespmem:v44+s23+$0x0] =	vst.idx.msk $0xffff, v31  }
0x567: {  	v46 =	vor.u32 v3, v27;
	v47 =	vadd.s32 v22, v28;
	v31 =	vld.idx.msk [tilespmem:v33+s19+$0x0], $0xffff  }
0x568: {  	v33 =	vadd.s32 v2, v47;
	_ =	sdelay $0x3  }
0x569: {  	[tilespmem:v46+s23+$0x0] =	vst.idx.msk $0xffff, v31  }
0x56a: {  	v48 =	vor.u32 v3, v29;
	v49 =	vadd.s32 v22, v30;
	v31 =	vld.idx.msk [tilespmem:v33+s19+$0x0], $0xffff  }
0x56b: {  	v22 =	vadd.s32 v2, v49;
	_ =	sdelay $0x3  }
0x56c: {  	[tilespmem:v48+s23+$0x0] =	vst.idx.msk $0xffff, v31  }
0x56d: {  	v51 =	vadd.s32 v21, v25;
	v50 =	vor.u32 v3, v23;
	v22 =	vld.idx.msk [tilespmem:v22+s19+$0x0], $0xffff  }
0x56e: {  	v32 =	vadd.s32 v4, v51;
	_ =	sdelay $0x3  }
0x56f: {  	[tilespmem:v50+s23+$0x0] =	vst.idx.msk $0xffff, v22  }
0x570: {  	v52 =	vor.u32 v5, v24;
	v53 =	vadd.s32 v21, v26;
	v22 =	vld.idx.msk [tilespmem:v32+s19+$0x0], $0xffff  }
0x571: {  	v32 =	vadd.s32 v4, v53;
	_ =	sdelay $0x3  }
0x572: {  	[tilespmem:v52+s23+$0x0] =	vst.idx.msk $0xffff, v22  }
0x573: {  	v54 =	vor.u32 v5, v27;
	v55 =	vadd.s32 v21, v28;
	v22 =	vld.idx.msk [tilespmem:v32+s19+$0x0], $0xffff  }
0x574: {  	v32 =	vadd.s32 v4, v55;
	_ =	sdelay $0x3  }
0x575: {  	[tilespmem:v54+s23+$0x0] =	vst.idx.msk $0xffff, v22  }
0x576: {  	v56 =	vor.u32 v5, v29;
	v57 =	vadd.s32 v21, v30;
	v22 =	vld.idx.msk [tilespmem:v32+s19+$0x0], $0xffff  }
0x577: {  	v21 =	vadd.s32 v4, v57;
	_ =	sdelay $0x3  }
0x578: {  	[tilespmem:v56+s23+$0x0] =	vst.idx.msk $0xffff, v22  }
0x579: {  	v59 =	vadd.s32 v20, v25;
	v58 =	vor.u32 v5, v23;
	v21 =	vld.idx.msk [tilespmem:v21+s19+$0x0], $0xffff  }
0x57a: {  	v31 =	vadd.s32 v6, v59;
	_ =	sdelay $0x3  }
0x57b: {  	[tilespmem:v58+s23+$0x0] =	vst.idx.msk $0xffff, v21  }
0x57c: {  	v60 =	vor.u32 v7, v24;
	v61 =	vadd.s32 v20, v26;
	v21 =	vld.idx.msk [tilespmem:v31+s19+$0x0], $0xffff  }
0x57d: {  	v31 =	vadd.s32 v6, v61;
	_ =	sdelay $0x3  }
0x57e: {  	[tilespmem:v60+s23+$0x0] =	vst.idx.msk $0xffff, v21  }
0x57f: {  	v62 =	vor.u32 v7, v27;
	v63 =	vadd.s32 v20, v28;
	v21 =	vld.idx.msk [tilespmem:v31+s19+$0x0], $0xffff  }
0x580: {  	v31 =	vadd.s32 v6, v63;
	_ =	sdelay $0x3  }
0x581: {  	[tilespmem:v62+s23+$0x0] =	vst.idx.msk $0xffff, v21  }
0x582: {  	v33 =	vadd.s32 v20, v30;
	v32 =	vor.u32 v7, v29;
	v21 =	vld.idx.msk [tilespmem:v31+s19+$0x0], $0xffff  }
0x583: {  	v20 =	vadd.s32 v6, v33;
	_ =	sdelay $0x3  }
0x584: {  	[tilespmem:v32+s23+$0x0] =	vst.idx.msk $0xffff, v21  }
0x585: {  	v35 =	vadd.s32 v19, v25;
	v34 =	vor.u32 v7, v23;
	v20 =	vld.idx.msk [tilespmem:v20+s19+$0x0], $0xffff  }
0x586: {  	v22 =	vadd.s32 v8, v35;
	_ =	sdelay $0x3  }
0x587: {  	[tilespmem:v34+s23+$0x0] =	vst.idx.msk $0xffff, v20  }
0x588: {  	v36 =	vor.u32 v9, v24;
	v37 =	vadd.s32 v19, v26;
	v20 =	vld.idx.msk [tilespmem:v22+s19+$0x0], $0xffff  }
0x589: {  	v22 =	vadd.s32 v8, v37;
	_ =	sdelay $0x3  }
0x58a: {  	[tilespmem:v36+s23+$0x0] =	vst.idx.msk $0xffff, v20  }
0x58b: {  	v38 =	vor.u32 v9, v27;
	v39 =	vadd.s32 v19, v28;
	v20 =	vld.idx.msk [tilespmem:v22+s19+$0x0], $0xffff  }
0x58c: {  	v22 =	vadd.s32 v8, v39;
	_ =	sdelay $0x3  }
0x58d: {  	[tilespmem:v38+s23+$0x0] =	vst.idx.msk $0xffff, v20  }
0x58e: {  	v41 =	vadd.s32 v19, v30;
	v40 =	vor.u32 v9, v29;
	v20 =	vld.idx.msk [tilespmem:v22+s19+$0x0], $0xffff  }
0x58f: {  	v19 =	vadd.s32 v8, v41;
	_ =	sdelay $0x3  }
0x590: {  	[tilespmem:v40+s23+$0x0] =	vst.idx.msk $0xffff, v20  }
0x591: {  	v43 =	vadd.s32 v18, v25;
	v42 =	vor.u32 v9, v23;
	v19 =	vld.idx.msk [tilespmem:v19+s19+$0x0], $0xffff  }
0x592: {  	v21 =	vadd.s32 v10, v43;
	_ =	sdelay $0x3  }
0x593: {  	[tilespmem:v42+s23+$0x0] =	vst.idx.msk $0xffff, v19  }
0x594: {  	v45 =	vadd.s32 v18, v26;
	v44 =	vor.u32 v11, v24;
	v19 =	vld.idx.msk [tilespmem:v21+s19+$0x0], $0xffff  }
0x595: {  	v21 =	vadd.s32 v10, v45;
	_ =	sdelay $0x3  }
0x596: {  	[tilespmem:v44+s23+$0x0] =	vst.idx.msk $0xffff, v19  }
0x597: {  	v47 =	vadd.s32 v18, v28;
	v46 =	vor.u32 v11, v27;
	v19 =	vld.idx.msk [tilespmem:v21+s19+$0x0], $0xffff  }
0x598: {  	v21 =	vadd.s32 v10, v47;
	_ =	sdelay $0x3  }
0x599: {  	[tilespmem:v46+s23+$0x0] =	vst.idx.msk $0xffff, v19  }
0x59a: {  	v49 =	vadd.s32 v18, v30;
	v48 =	vor.u32 v11, v29;
	v19 =	vld.idx.msk [tilespmem:v21+s19+$0x0], $0xffff  }
0x59b: {  	v18 =	vadd.s32 v10, v49;
	_ =	sdelay $0x3  }
0x59c: {  	[tilespmem:v48+s23+$0x0] =	vst.idx.msk $0xffff, v19  }
0x59d: {  	v51 =	vadd.s32 v17, v25;
	v50 =	vor.u32 v11, v23;
	v18 =	vld.idx.msk [tilespmem:v18+s19+$0x0], $0xffff  }
0x59e: {  	v20 =	vadd.s32 v12, v51;
	_ =	sdelay $0x3  }
0x59f: {  	[tilespmem:v50+s23+$0x0] =	vst.idx.msk $0xffff, v18  }
0x5a0: {  	v53 =	vadd.s32 v17, v26;
	v52 =	vor.u32 v13, v24;
	v18 =	vld.idx.msk [tilespmem:v20+s19+$0x0], $0xffff  }
0x5a1: {  	v20 =	vadd.s32 v12, v53;
	_ =	sdelay $0x3  }
0x5a2: {  	[tilespmem:v52+s23+$0x0] =	vst.idx.msk $0xffff, v18  }
0x5a3: {  	v55 =	vadd.s32 v17, v28;
	v54 =	vor.u32 v13, v27;
	v18 =	vld.idx.msk [tilespmem:v20+s19+$0x0], $0xffff  }
0x5a4: {  	v20 =	vadd.s32 v12, v55;
	_ =	sdelay $0x3  }
0x5a5: {  	[tilespmem:v54+s23+$0x0] =	vst.idx.msk $0xffff, v18  }
0x5a6: {  	v17 =	vadd.s32 v17, v30;
	v56 =	vor.u32 v13, v29;
	v18 =	vld.idx.msk [tilespmem:v20+s19+$0x0], $0xffff  }
0x5a7: {  	v17 =	vadd.s32 v12, v17;
	_ =	sdelay $0x3  }
0x5a8: {  	[tilespmem:v56+s23+$0x0] =	vst.idx.msk $0xffff, v18  }
0x5a9: {  	v57 =	vor.u32 v13, v23;
	v58 =	vadd.s32 v16, v25;
	v17 =	vld.idx.msk [tilespmem:v17+s19+$0x0], $0xffff  }
0x5aa: {  	v19 =	vadd.s32 v14, v58;
	_ =	sdelay $0x3  }
0x5ab: {  	[tilespmem:v57+s23+$0x0] =	vst.idx.msk $0xffff, v17  }
0x5ac: {  	v59 =	vor.u32 v15, v24;
	v60 =	vadd.s32 v16, v26;
	v17 =	vld.idx.msk [tilespmem:v19+s19+$0x0], $0xffff  }
0x5ad: {  	v19 =	vadd.s32 v14, v60;
	_ =	sdelay $0x3  }
0x5ae: {  	[tilespmem:v59+s23+$0x0] =	vst.idx.msk $0xffff, v17  }
0x5af: {  	v61 =	vor.u32 v15, v27;
	v62 =	vadd.s32 v16, v28;
	v17 =	vld.idx.msk [tilespmem:v19+s19+$0x0], $0xffff  }
0x5b0: {  	v19 =	vadd.s32 v14, v62;
	_ =	sdelay $0x3  }
0x5b1: {  	[tilespmem:v61+s23+$0x0] =	vst.idx.msk $0xffff, v17  }
0x5b2: {  	v63 =	vor.u32 v15, v29;
	v16 =	vadd.s32 v16, v30;
	v17 =	vld.idx.msk [tilespmem:v19+s19+$0x0], $0xffff  }
0x5b3: {  	v16 =	vadd.s32 v14, v16;
	_ =	sdelay $0x3  }
0x5b4: {  	[tilespmem:v63+s23+$0x0] =	vst.idx.msk $0xffff, v17  }
0x5b5: {  	v17 =	vor.u32 v15, v23;
	v16 =	vld.idx.msk [tilespmem:v16+s19+$0x0], $0xffff;
	_ =	sdelay $0x1  }
0x5b6: {  	s0 =	sshll.u32 s0, $0x12  }
0x5b7: {  	s0 =	sor.u32 s4, s0  }
.Ltmp12:
0x5b8: {  	s0 =	sshrl.u32 s0, $0x3;
	(pc) =	sbr.rel .LBB2_17-.Ltmp12, $4  }
0x5b9: {  	p0 =	sgt.u32 s31, $0xA;
	s0 =	sadd.s32 s2, s0;
	[tilespmem:v17+s23+$0x0] =	vst.idx.msk $0xffff, v16  }
0x5ba: {  	[hbm4b:s0+s9] =	stream.strided.scatter [tilespmem:s23], [sflag:$0x6], $0x2000, s10, s9, $0x38;
	[tilespmem:$0x17800] =	vst v63  }
0x5bb: {  	s11 =	simm.s32 @!p0 $0xF800;
	s0 =	sadd.s32 @!p0 $0x380, s1;
	s1 =	simm.s32 @!p0 $0x80  }
0x5bc: {  	[tilespmem:s11], [sflag:$0x4] =	stream.indirect.gather @!p0 [hbm4b:s6+s1], $0x80, s0, s1, $0xb8;
	[tilespmem:$0x17800] =	vst v63  }
.LBB2_19:
0x5bd: {  	_ =	sfence.sel $0x180000  }
0x5be: {  	[bflag:$0x0] =	sbarrier.arrive $0xFFFF  }
0x5bf: {  	_ =	strace $0x90000047  }
0x5c0: {  	s0 =	stileid.u32;
	[bflag:$0x2] =	sbarrier.arrive $0xFFFF  }
0x5c1: {  	p0 =	sne.s32 s0, $0x0;
	s0 =	rddreg [dreg:$0x3]  }
0x5c2: {  	s0 =	sadd.s32 @!p0 $0x100000, s0  }
0x5c3: {  	[sflag:s0] =	ssyncadd.tile.s32 @!p0 $0x1;
	_ =	shalt  }
.Lfunc_end2:
_tile_overlayer_lowered:
.L_overlay_start_2:
0x5c4: {  	(tag) =	ssettag $0x2  }
0x5c5: {  	s0 =	rddreg [dreg:$0x0];
	s2 =	stileid.u32  }
0x5c6: {  	s1 =	rddreg [dreg:$0x1];
	p0 =	sne.s32 s2, $0x0  }
0x5c7: {  	s3 =	rddreg [dreg:$0x2];
	[bflag:$0x3] =	sbarrier.arrive $0xFFFF;
	s2 =	simm.s32 @!p0 $0x1C07  }
0x5c8: {  	[timem:s3], [sflag:s2] =	dma.local @!p0 [hbm:s0], s1  }
0x5c9: {  	s0 =	simm.s32 @!p0 $0x7  }
0x5ca: {  	_ =	swait.ge @!p0 [sflag:s0], s1  }
0x5cb: {  	s1 =	ssub.s32 @!p0 $0x0, s1;
	[sflag:s0] =	ssyncset.done @!p0 $0x0  }
0x5cc: {  	[sflag:s0] =	ssyncadd.s32 @!p0 s1  }
0x5cd: {  	[bflag:$0x3] =	sbarrier.arrive $0xFFFF  }
0x5ce: {  	_ =	shalt  }

</sc_bundles>
